<compile_context>
chip_gen: v7x
topology: tpu7x:2x2x1
jax: 0.10.2.dev20260603
libtpu: 0.0.44.dev20260713+nightly
codegen_flags: <defaults>
</compile_context>

<pallas_src>
import functools

import jax
import jax.numpy as jnp
from jax import lax
from jax.experimental import pallas as pl
from jax.experimental.pallas import tpu as pltpu
from jax.experimental.pallas import tpu_sc as plsc

_NUM_CORES = 2
_NUM_SUBCORES = 16
_NUM_WORKERS = _NUM_CORES * _NUM_SUBCORES
_LANES = 16
_JB = 128
_NBUF = 4


@functools.partial(jax.jit, static_argnums=(2,))
def _gather_rows(idx_t, table, dim):
    seq, num_b = idx_t.shape
    b_per_w = num_b // _NUM_WORKERS
    jb_per_w = b_per_w // _JB
    n_blocks = seq * jb_per_w
    dim8 = dim // 8
    mesh = plsc.VectorSubcoreMesh(core_axis_name="c", subcore_axis_name="s")

    @functools.partial(
        pl.kernel,
        mesh=mesh,
        out_type=jax.ShapeDtypeStruct((seq, dim8, num_b // _JB, 8, _JB), jnp.float32),
        scratch_types=[
            pltpu.VMEM((seq, b_per_w), jnp.int32),
            [pltpu.VMEM((_JB, dim), jnp.float32) for _ in range(_NBUF)],
            [pltpu.VMEM((dim, _JB), jnp.float32) for _ in range(_NBUF)],
            [pltpu.SemaphoreType.DMA for _ in range(_NBUF)],
            [pltpu.SemaphoreType.DMA for _ in range(_NBUF)],
        ],
        compiler_params=pltpu.CompilerParams(
            use_tc_tiling_on_sc=False, needs_layout_passes=False
        ),
    )
    def gather_kernel(idx_hbm, table_hbm, out_hbm, idx_v, rows, trv, gsem, wsem):
        wid = lax.axis_index("s") * _NUM_CORES + lax.axis_index("c")
        pltpu.sync_copy(idx_hbm.at[:, pl.ds(wid * b_per_w, b_per_w)], idx_v)

        def fire(n, buf):
            s = n // jb_per_w
            b = n % jb_per_w
            pltpu.async_copy(
                table_hbm.at[idx_v.at[s, pl.ds(b * _JB, _JB)]],
                rows[buf],
                gsem[buf],
            )

        for b in range(_NBUF):
            fire(b, b)

        lane = lax.iota(jnp.int32, _LANES)
        row_ids = [j0 + lane for j0 in range(0, _JB, _LANES)]

        def body(g, carry):
            for buf in range(_NBUF):
                n = g * _NBUF + buf
                s = n // jb_per_w
                b = n % jb_per_w
                jb = wid * jb_per_w + b
                pltpu.make_async_copy(
                    table_hbm.at[idx_v.at[0, pl.ds(0, _JB)]],
                    rows[buf], gsem[buf],
                ).wait()
                @pl.when(n >= _NBUF)
                def _():
                    for db in range(dim8):
                        pltpu.make_async_copy(
                            trv[buf].at[pl.ds(db * 8, 8)],
                            out_hbm.at[0, 0, 0],
                            wsem[buf],
                        ).wait()

                def transpose_d(d, c, buf=buf):
                    col = jnp.broadcast_to(d, (_LANES,))
                    for k in range(_JB // _LANES):
                        vals = plsc.load_gather(rows[buf], [row_ids[k], col])
                        trv[buf][d, pl.ds(k * _LANES, _LANES)] = vals
                    return c

                lax.fori_loop(0, dim, transpose_d, 0)

                for db in range(dim8):
                    pltpu.async_copy(
                        trv[buf].at[pl.ds(db * 8, 8)], out_hbm.at[s, db, jb], wsem[buf]
                    )

                @pl.when(n + _NBUF < n_blocks)
                def _():
                    fire(n + _NBUF, buf)

            return carry

        lax.fori_loop(0, n_blocks // _NBUF, body, 0)

        for buf in range(_NBUF):
            for db in range(dim8):
                pltpu.make_async_copy(
                    trv[buf].at[pl.ds(db * 8, 8)], out_hbm.at[0, 0, 0], wsem[buf]
                ).wait()

    return gather_kernel(idx_t, table)


def kernel(token_ids, embedding_table):
    num_b, seq = token_ids.shape
    dim = embedding_table.shape[1]
    idx_t = token_ids.T.astype(jnp.int32)
    out5d = _gather_rows(idx_t, embedding_table, dim)
    return out5d.transpose(2, 4, 0, 1, 3).reshape(num_b, seq, dim)

# --- scband reference (transcript-rebuilt; emitter-appended) ---
"""Pipeline reference for scband-embedding-29265907155098 (READ-ONLY COPY).

The authoritative reference and input builder live on the scoring server;
editing this copy changes nothing except your own understanding.
"""

import jax, jax.numpy as jnp
import numpy as np

NUM_EMBEDDINGS = 1000000
EMBEDDING_DIM = 64

def setup_inputs(seed: int = 0) -> dict:
    key = jax.random.key(seed)
    k1, k2 = jax.random.split(key)
    token_ids = jax.random.randint(k1, (16384, 26), 0, NUM_EMBEDDINGS, dtype=jnp.int64 if jax.config.jax_enable_x64 else jnp.int32)
    # trunc_normal_(mean=0, std=1, a=-3, b=3) approximated with truncated normal
    embedding_table = jax.random.truncated_normal(k2, -3.0, 3.0, (NUM_EMBEDDINGS, EMBEDDING_DIM), dtype=jnp.float32)
    return {"token_ids": token_ids, "embedding_table": embedding_table}

def reference(token_ids, embedding_table):
    # self.embedding_table[token_ids, :]
    return jnp.take(embedding_table, token_ids, axis=0)

if __name__ == "__main__":
    import jax
    _d = setup_inputs()
    print(jax.jit(kernel)(*tuple(_d.values())))

</pallas_src>

<mosaic_0001>
#map = affine_map<(d0, d1) -> (0, 0)>
#map1 = affine_map<(d0, d1) -> (0, 0, 0, 0, 0)>
module attributes {stable_mosaic.version = 14 : i64} {
  func.func @gather_kernel(%arg0: i32, %arg1: i32, %arg2: memref<26x16384xi32, #tpu.memory_space<hbm>>, %arg3: memref<1000000x64xf32, #tpu.memory_space<hbm>>, %arg4: memref<26x8x128x8x128xf32, #tpu.memory_space<hbm>>, %arg5: memref<26x512xi32, #tpu.memory_space<vmem>>, %arg6: memref<128x64xf32, #tpu.memory_space<vmem>>, %arg7: memref<128x64xf32, #tpu.memory_space<vmem>>, %arg8: memref<128x64xf32, #tpu.memory_space<vmem>>, %arg9: memref<128x64xf32, #tpu.memory_space<vmem>>, %arg10: memref<64x128xf32, #tpu.memory_space<vmem>>, %arg11: memref<64x128xf32, #tpu.memory_space<vmem>>, %arg12: memref<64x128xf32, #tpu.memory_space<vmem>>, %arg13: memref<64x128xf32, #tpu.memory_space<vmem>>, %arg14: memref<!tpu.dma_semaphore, #tpu.memory_space<semaphore_mem>>, %arg15: memref<!tpu.dma_semaphore, #tpu.memory_space<semaphore_mem>>, %arg16: memref<!tpu.dma_semaphore, #tpu.memory_space<semaphore_mem>>, %arg17: memref<!tpu.dma_semaphore, #tpu.memory_space<semaphore_mem>>, %arg18: memref<!tpu.dma_semaphore, #tpu.memory_space<semaphore_mem>>, %arg19: memref<!tpu.dma_semaphore, #tpu.memory_space<semaphore_mem>>, %arg20: memref<!tpu.dma_semaphore, #tpu.memory_space<semaphore_mem>>, %arg21: memref<!tpu.dma_semaphore, #tpu.memory_space<semaphore_mem>>) attributes {dimension_semantics = [#tpu.dimension_semantics<core_parallel>, #tpu.dimension_semantics<subcore_parallel>], iteration_bounds = array<i64: 2, 16>, scalar_prefetch = 0 : i64, scratch_operands = 17 : i64, tpu.core_type = #tpu.core_type<sc_vector_subcore>, window_params = [{transform_indices = #map}, {transform_indices = #map}, {transform_indices = #map1}]} {
    %mul3A = arith.constant 2 : i32
    %mul3A_0 = arith.muli %arg1, %mul3A : i32
    %add3A = arith.addi %mul3A_0, %arg0 : i32
    %mul3A_1 = arith.constant 512 : i32
    %mul3A_2 = arith.muli %add3A, %mul3A_1 : i32
    "tpu.region"() ({
      %run_scoped3A = tpu.sem_alloc : memref<!tpu.dma_semaphore, #tpu.memory_space<semaphore_mem>>
      %dma_start3A_602 = arith.constant 0 : i32
      %dma_start3A_603 = tpu.memref_slice %arg2[%dma_start3A_602, %mul3A_2] : memref<26x16384xi32, #tpu.memory_space<hbm>> -> memref<26x512xi32, #tpu.memory_space<hbm>>
      %dma_start3A_604 = arith.constant 0 : i32
      %dma_start3A_605 = tpu.memref_slice %arg2[%dma_start3A_604, %mul3A_2] : memref<26x16384xi32, #tpu.memory_space<hbm>> -> memref<26x512xi32, #tpu.memory_space<hbm>>
      tpu.enqueue_dma source(%dma_start3A_605 : memref<26x512xi32, #tpu.memory_space<hbm>>) target(%arg5 : memref<26x512xi32, #tpu.memory_space<vmem>>) target_semaphore(%run_scoped3A : memref<!tpu.dma_semaphore, #tpu.memory_space<semaphore_mem>>)
      %dma_wait3A_606 = arith.constant 0 : i32
      %dma_wait3A_607 = tpu.memref_slice %arg2[%dma_wait3A_606, %mul3A_2] : memref<26x16384xi32, #tpu.memory_space<hbm>> -> memref<26x512xi32, #tpu.memory_space<hbm>>
      %dma_wait3A_608 = arith.constant 0 : i32
      %dma_wait3A_609 = tpu.memref_slice %arg2[%dma_wait3A_608, %mul3A_2] : memref<26x16384xi32, #tpu.memory_space<hbm>> -> memref<26x512xi32, #tpu.memory_space<hbm>>
      tpu.wait_dma2 semaphore(%run_scoped3A : memref<!tpu.dma_semaphore, #tpu.memory_space<semaphore_mem>>) src(%dma_wait3A_609 : memref<26x512xi32, #tpu.memory_space<hbm>>) dst(%arg5 : memref<26x512xi32, #tpu.memory_space<vmem>>)
      tpu.yield
    }) : () -> ()
    %dma_start3A = arith.constant 0 : i32
    %dma_start3A_3 = arith.constant 0 : i32
    %dma_start3A_4 = tpu.memref_slice %arg5[%dma_start3A, %dma_start3A_3] : memref<26x512xi32, #tpu.memory_space<vmem>> -> memref<1x128xi32, #tpu.memory_space<vmem>>
    %dma_start3A_5 = tpu.memref_squeeze %dma_start3A_4 : memref<1x128xi32, #tpu.memory_space<vmem>> -> memref<128xi32, #tpu.memory_space<vmem>>
    %dma_start3A_6 = arith.constant 0 : i32
    %dma_start3A_7 = arith.constant 0 : i32
    %dma_start3A_8 = tpu.memref_slice %arg3[%dma_start3A_6, %dma_start3A_7] : memref<1000000x64xf32, #tpu.memory_space<hbm>> -> memref<1000000x64xf32, #tpu.memory_space<hbm>>
    tpu.enqueue_indirect_dma source(%dma_start3A_8 : memref<1000000x64xf32, #tpu.memory_space<hbm>>) target(%arg6 : memref<128x64xf32, #tpu.memory_space<vmem>>) offsets(%dma_start3A_5 : memref<128xi32, #tpu.memory_space<vmem>>) semaphore(%arg14 : memref<!tpu.dma_semaphore, #tpu.memory_space<semaphore_mem>>)
    %dma_start3A_9 = arith.constant 0 : i32
    %dma_start3A_10 = arith.constant 128 : i32
    %dma_start3A_11 = tpu.memref_slice %arg5[%dma_start3A_9, %dma_start3A_10] : memref<26x512xi32, #tpu.memory_space<vmem>> -> memref<1x128xi32, #tpu.memory_space<vmem>>
    %dma_start3A_12 = tpu.memref_squeeze %dma_start3A_11 : memref<1x128xi32, #tpu.memory_space<vmem>> -> memref<128xi32, #tpu.memory_space<vmem>>
    %dma_start3A_13 = arith.constant 0 : i32
    %dma_start3A_14 = arith.constant 0 : i32
    %dma_start3A_15 = tpu.memref_slice %arg3[%dma_start3A_13, %dma_start3A_14] : memref<1000000x64xf32, #tpu.memory_space<hbm>> -> memref<1000000x64xf32, #tpu.memory_space<hbm>>
    tpu.enqueue_indirect_dma source(%dma_start3A_15 : memref<1000000x64xf32, #tpu.memory_space<hbm>>) target(%arg7 : memref<128x64xf32, #tpu.memory_space<vmem>>) offsets(%dma_start3A_12 : memref<128xi32, #tpu.memory_space<vmem>>) semaphore(%arg15 : memref<!tpu.dma_semaphore, #tpu.memory_space<semaphore_mem>>)
    %dma_start3A_16 = arith.constant 0 : i32
    %dma_start3A_17 = arith.constant 256 : i32
    %dma_start3A_18 = tpu.memref_slice %arg5[%dma_start3A_16, %dma_start3A_17] : memref<26x512xi32, #tpu.memory_space<vmem>> -> memref<1x128xi32, #tpu.memory_space<vmem>>
    %dma_start3A_19 = tpu.memref_squeeze %dma_start3A_18 : memref<1x128xi32, #tpu.memory_space<vmem>> -> memref<128xi32, #tpu.memory_space<vmem>>
    %dma_start3A_20 = arith.constant 0 : i32
    %dma_start3A_21 = arith.constant 0 : i32
    %dma_start3A_22 = tpu.memref_slice %arg3[%dma_start3A_20, %dma_start3A_21] : memref<1000000x64xf32, #tpu.memory_space<hbm>> -> memref<1000000x64xf32, #tpu.memory_space<hbm>>
    tpu.enqueue_indirect_dma source(%dma_start3A_22 : memref<1000000x64xf32, #tpu.memory_space<hbm>>) target(%arg8 : memref<128x64xf32, #tpu.memory_space<vmem>>) offsets(%dma_start3A_19 : memref<128xi32, #tpu.memory_space<vmem>>) semaphore(%arg16 : memref<!tpu.dma_semaphore, #tpu.memory_space<semaphore_mem>>)
    %dma_start3A_23 = arith.constant 0 : i32
    %dma_start3A_24 = arith.constant 384 : i32
    %dma_start3A_25 = tpu.memref_slice %arg5[%dma_start3A_23, %dma_start3A_24] : memref<26x512xi32, #tpu.memory_space<vmem>> -> memref<1x128xi32, #tpu.memory_space<vmem>>
    %dma_start3A_26 = tpu.memref_squeeze %dma_start3A_25 : memref<1x128xi32, #tpu.memory_space<vmem>> -> memref<128xi32, #tpu.memory_space<vmem>>
    %dma_start3A_27 = arith.constant 0 : i32
    %dma_start3A_28 = arith.constant 0 : i32
    %dma_start3A_29 = tpu.memref_slice %arg3[%dma_start3A_27, %dma_start3A_28] : memref<1000000x64xf32, #tpu.memory_space<hbm>> -> memref<1000000x64xf32, #tpu.memory_space<hbm>>
    tpu.enqueue_indirect_dma source(%dma_start3A_29 : memref<1000000x64xf32, #tpu.memory_space<hbm>>) target(%arg9 : memref<128x64xf32, #tpu.memory_space<vmem>>) offsets(%dma_start3A_26 : memref<128xi32, #tpu.memory_space<vmem>>) semaphore(%arg17 : memref<!tpu.dma_semaphore, #tpu.memory_space<semaphore_mem>>)
    %iota3A = tpu.iota {dimensions = array<i32: 0>} : vector<16xi32>
    %add3A_30 = arith.constant 0 : i32
    %add3A_31 = vector.broadcast %add3A_30 : i32 to vector<16xi32>
    %add3A_32 = arith.addi %add3A_31, %iota3A : vector<16xi32>
    %add3A_33 = arith.constant 16 : i32
    %add3A_34 = vector.broadcast %add3A_33 : i32 to vector<16xi32>
    %add3A_35 = arith.addi %add3A_34, %iota3A : vector<16xi32>
    %add3A_36 = arith.constant 32 : i32
    %add3A_37 = vector.broadcast %add3A_36 : i32 to vector<16xi32>
    %add3A_38 = arith.addi %add3A_37, %iota3A : vector<16xi32>
    %add3A_39 = arith.constant 48 : i32
    %add3A_40 = vector.broadcast %add3A_39 : i32 to vector<16xi32>
    %add3A_41 = arith.addi %add3A_40, %iota3A : vector<16xi32>
    %add3A_42 = arith.constant 64 : i32
    %add3A_43 = vector.broadcast %add3A_42 : i32 to vector<16xi32>
    %add3A_44 = arith.addi %add3A_43, %iota3A : vector<16xi32>
    %add3A_45 = arith.constant 80 : i32
    %add3A_46 = vector.broadcast %add3A_45 : i32 to vector<16xi32>
    %add3A_47 = arith.addi %add3A_46, %iota3A : vector<16xi32>
    %add3A_48 = arith.constant 96 : i32
    %add3A_49 = vector.broadcast %add3A_48 : i32 to vector<16xi32>
    %add3A_50 = arith.addi %add3A_49, %iota3A : vector<16xi32>
    %add3A_51 = arith.constant 112 : i32
    %add3A_52 = vector.broadcast %add3A_51 : i32 to vector<16xi32>
    %add3A_53 = arith.addi %add3A_52, %iota3A : vector<16xi32>
    %scan3A = arith.constant 0 : i32
    %scan3A_54 = arith.constant 0 : i32
    %scan3A_55 = arith.constant 26 : i32
    %scan3A_56 = arith.addi %scan3A_54, %scan3A_55 : i32
    %scan3A_57 = arith.constant 1 : i32
    scf.for %scan3A_602 = %scan3A_54 to %scan3A_56 step %scan3A_57  : i32 {
      %mul3A_603 = arith.constant 4 : i32
      %mul3A_604 = arith.muli %scan3A_602, %mul3A_603 : i32
      %add3A_605 = arith.constant 0 : i32
      %add3A_606 = arith.addi %mul3A_604, %add3A_605 : i32
      %jit3A = arith.constant 4 : i32
      %div3A = arith.divsi %add3A_606, %jit3A : i32
      %sign3A = arith.constant 0 : i32
      %sign3A_607 = arith.cmpi sgt, %add3A_606, %sign3A : i32
      %sign3A_608 = arith.extui %sign3A_607 : i1 to i32
      %sign3A_609 = arith.constant 0 : i32
      %sign3A_610 = arith.cmpi slt, %add3A_606, %sign3A_609 : i32
      %sign3A_611 = arith.extui %sign3A_610 : i1 to i32
      %sign3A_612 = arith.subi %sign3A_608, %sign3A_611 : i32
      %sign3A_613 = arith.constant 0 : i32
      %sign3A_614 = arith.cmpi sgt, %jit3A, %sign3A_613 : i32
      %sign3A_615 = arith.extui %sign3A_614 : i1 to i32
      %sign3A_616 = arith.constant 0 : i32
      %sign3A_617 = arith.cmpi slt, %jit3A, %sign3A_616 : i32
      %sign3A_618 = arith.extui %sign3A_617 : i1 to i32
      %sign3A_619 = arith.subi %sign3A_615, %sign3A_618 : i32
      %ne3A = arith.cmpi ne, %sign3A_612, %sign3A_619 : i32
      %rem3A = arith.remsi %add3A_606, %jit3A : i32
      %ne3A_620 = arith.constant 0 : i32
      %ne3A_621 = arith.cmpi ne, %rem3A, %ne3A_620 : i32
      %and3A = arith.andi %ne3A, %ne3A_621 : i1
      %sub3A = arith.constant 1 : i32
      %sub3A_622 = arith.subi %div3A, %sub3A : i32
      %select_n3A = arith.select %and3A, %sub3A_622, %div3A : i32
      %jit3A_623 = arith.constant 4 : i32
      %eq3A = arith.constant 0 : i32
      %eq3A_624 = arith.cmpi eq, %jit3A_623, %eq3A : i32
      %jit3A_625 = arith.constant 1 : i32
      %select_n3A_626 = arith.select %eq3A_624, %jit3A_625, %jit3A_623 : i32
      %rem3A_627 = arith.remsi %add3A_606, %select_n3A_626 : i32
      %ne3A_628 = arith.constant 0 : i32
      %ne3A_629 = arith.cmpi ne, %rem3A_627, %ne3A_628 : i32
      %lt3A = arith.constant 0 : i32
      %lt3A_630 = arith.cmpi slt, %rem3A_627, %lt3A : i32
      %lt3A_631 = arith.constant 0 : i32
      %lt3A_632 = arith.cmpi slt, %select_n3A_626, %lt3A_631 : i32
      %ne3A_633 = arith.xori %lt3A_630, %lt3A_632 : i1
      %and3A_634 = arith.andi %ne3A_633, %ne3A_629 : i1
      %add3A_635 = arith.addi %rem3A_627, %select_n3A_626 : i32
      %select_n3A_636 = arith.select %and3A_634, %add3A_635, %rem3A_627 : i32
      %mul3A_637 = arith.constant 4 : i32
      %mul3A_638 = arith.muli %add3A, %mul3A_637 : i32
      %add3A_639 = arith.addi %mul3A_638, %select_n3A_636 : i32
      %dma_wait3A_640 = arith.constant 0 : i32
      %dma_wait3A_641 = arith.constant 0 : i32
      %dma_wait3A_642 = tpu.memref_slice %arg5[%dma_wait3A_640, %dma_wait3A_641] : memref<26x512xi32, #tpu.memory_space<vmem>> -> memref<1x128xi32, #tpu.memory_space<vmem>>
      %dma_wait3A_643 = tpu.memref_squeeze %dma_wait3A_642 : memref<1x128xi32, #tpu.memory_space<vmem>> -> memref<128xi32, #tpu.memory_space<vmem>>
      %dma_wait3A_644 = arith.constant 0 : i32
      %dma_wait3A_645 = arith.constant 0 : i32
      %dma_wait3A_646 = tpu.memref_slice %arg3[%dma_wait3A_644, %dma_wait3A_645] : memref<1000000x64xf32, #tpu.memory_space<hbm>> -> memref<1000000x64xf32, #tpu.memory_space<hbm>>
      tpu.wait_indirect_dma semaphore(%arg14 : memref<!tpu.dma_semaphore, #tpu.memory_space<semaphore_mem>>) src(%dma_wait3A_646 : memref<1000000x64xf32, #tpu.memory_space<hbm>>) dst(%arg6 : memref<128x64xf32, #tpu.memory_space<vmem>>)
      %ge3A = arith.constant 4 : i32
      %ge3A_647 = arith.cmpi sge, %add3A_606, %ge3A : i32
      %convert_element_type3A = arith.extui %ge3A_647 : i1 to i32
      %cond3A = arith.constant 0 : i32
      %cond3A_648 = arith.cmpi ne, %convert_element_type3A, %cond3A : i32
      scf.if %cond3A_648 {
        %dma_wait3A_1358 = arith.constant 0 : i32
        %dma_wait3A_1359 = arith.constant 0 : i32
        %dma_wait3A_1360 = arith.constant 0 : i32
        %dma_wait3A_1361 = arith.constant 0 : i32
        %dma_wait3A_1362 = arith.constant 0 : i32
        %dma_wait3A_1363 = tpu.memref_slice %arg10[%dma_wait3A_1361, %dma_wait3A_1362] : memref<64x128xf32, #tpu.memory_space<vmem>> -> memref<8x128xf32, #tpu.memory_space<vmem>>
        %dma_wait3A_1364 = arith.constant 0 : i32
        %dma_wait3A_1365 = arith.constant 0 : i32
        %dma_wait3A_1366 = tpu.memref_slice %arg4[%dma_wait3A_1358, %dma_wait3A_1359, %dma_wait3A_1360, %dma_wait3A_1364, %dma_wait3A_1365] : memref<26x8x128x8x128xf32, #tpu.memory_space<hbm>> -> memref<1x1x1x8x128xf32, #tpu.memory_space<hbm>>
        %dma_wait3A_1367 = tpu.memref_squeeze %dma_wait3A_1366 : memref<1x1x1x8x128xf32, #tpu.memory_space<hbm>> -> memref<8x128xf32, #tpu.memory_space<hbm>>
        %dma_wait3A_1368 = arith.constant 0 : i32
        %dma_wait3A_1369 = arith.constant 0 : i32
        %dma_wait3A_1370 = tpu.memref_slice %arg4[%dma_wait3A_1358, %dma_wait3A_1359, %dma_wait3A_1360, %dma_wait3A_1368, %dma_wait3A_1369] : memref<26x8x128x8x128xf32, #tpu.memory_space<hbm>> -> memref<1x1x1x8x128xf32, #tpu.memory_space<hbm>>
        %dma_wait3A_1371 = tpu.memref_squeeze %dma_wait3A_1370 : memref<1x1x1x8x128xf32, #tpu.memory_space<hbm>> -> memref<8x128xf32, #tpu.memory_space<hbm>>
        %dma_wait3A_1372 = arith.constant 0 : i32
        %dma_wait3A_1373 = arith.constant 0 : i32
        %dma_wait3A_1374 = tpu.memref_slice %arg10[%dma_wait3A_1372, %dma_wait3A_1373] : memref<64x128xf32, #tpu.memory_space<vmem>> -> memref<8x128xf32, #tpu.memory_space<vmem>>
        tpu.wait_dma2 semaphore(%arg18 : memref<!tpu.dma_semaphore, #tpu.memory_space<semaphore_mem>>) src(%dma_wait3A_1374 : memref<8x128xf32, #tpu.memory_space<vmem>>) dst(%dma_wait3A_1371 : memref<8x128xf32, #tpu.memory_space<hbm>>)
        %dma_wait3A_1375 = arith.constant 0 : i32
        %dma_wait3A_1376 = arith.constant 0 : i32
        %dma_wait3A_1377 = arith.constant 0 : i32
        %dma_wait3A_1378 = arith.constant 8 : i32
        %dma_wait3A_1379 = arith.constant 0 : i32
        %dma_wait3A_1380 = tpu.memref_slice %arg10[%dma_wait3A_1378, %dma_wait3A_1379] : memref<64x128xf32, #tpu.memory_space<vmem>> -> memref<8x128xf32, #tpu.memory_space<vmem>>
        %dma_wait3A_1381 = arith.constant 0 : i32
        %dma_wait3A_1382 = arith.constant 0 : i32
        %dma_wait3A_1383 = tpu.memref_slice %arg4[%dma_wait3A_1375, %dma_wait3A_1376, %dma_wait3A_1377, %dma_wait3A_1381, %dma_wait3A_1382] : memref<26x8x128x8x128xf32, #tpu.memory_space<hbm>> -> memref<1x1x1x8x128xf32, #tpu.memory_space<hbm>>
        %dma_wait3A_1384 = tpu.memref_squeeze %dma_wait3A_1383 : memref<1x1x1x8x128xf32, #tpu.memory_space<hbm>> -> memref<8x128xf32, #tpu.memory_space<hbm>>
        %dma_wait3A_1385 = arith.constant 0 : i32
        %dma_wait3A_1386 = arith.constant 0 : i32
        %dma_wait3A_1387 = tpu.memref_slice %arg4[%dma_wait3A_1375, %dma_wait3A_1376, %dma_wait3A_1377, %dma_wait3A_1385, %dma_wait3A_1386] : memref<26x8x128x8x128xf32, #tpu.memory_space<hbm>> -> memref<1x1x1x8x128xf32, #tpu.memory_space<hbm>>
        %dma_wait3A_1388 = tpu.memref_squeeze %dma_wait3A_1387 : memref<1x1x1x8x128xf32, #tpu.memory_space<hbm>> -> memref<8x128xf32, #tpu.memory_space<hbm>>
        %dma_wait3A_1389 = arith.constant 8 : i32
        %dma_wait3A_1390 = arith.constant 0 : i32
        %dma_wait3A_1391 = tpu.memref_slice %arg10[%dma_wait3A_1389, %dma_wait3A_1390] : memref<64x128xf32, #tpu.memory_space<vmem>> -> memref<8x128xf32, #tpu.memory_space<vmem>>
        tpu.wait_dma2 semaphore(%arg18 : memref<!tpu.dma_semaphore, #tpu.memory_space<semaphore_mem>>) src(%dma_wait3A_1391 : memref<8x128xf32, #tpu.memory_space<vmem>>) dst(%dma_wait3A_1388 : memref<8x128xf32, #tpu.memory_space<hbm>>)
        %dma_wait3A_1392 = arith.constant 0 : i32
        %dma_wait3A_1393 = arith.constant 0 : i32
        %dma_wait3A_1394 = arith.constant 0 : i32
        %dma_wait3A_1395 = arith.constant 16 : i32
        %dma_wait3A_1396 = arith.constant 0 : i32
        %dma_wait3A_1397 = tpu.memref_slice %arg10[%dma_wait3A_1395, %dma_wait3A_1396] : memref<64x128xf32, #tpu.memory_space<vmem>> -> memref<8x128xf32, #tpu.memory_space<vmem>>
        %dma_wait3A_1398 = arith.constant 0 : i32
        %dma_wait3A_1399 = arith.constant 0 : i32
        %dma_wait3A_1400 = tpu.memref_slice %arg4[%dma_wait3A_1392, %dma_wait3A_1393, %dma_wait3A_1394, %dma_wait3A_1398, %dma_wait3A_1399] : memref<26x8x128x8x128xf32, #tpu.memory_space<hbm>> -> memref<1x1x1x8x128xf32, #tpu.memory_space<hbm>>
        %dma_wait3A_1401 = tpu.memref_squeeze %dma_wait3A_1400 : memref<1x1x1x8x128xf32, #tpu.memory_space<hbm>> -> memref<8x128xf32, #tpu.memory_space<hbm>>
        %dma_wait3A_1402 = arith.constant 0 : i32
        %dma_wait3A_1403 = arith.constant 0 : i32
        %dma_wait3A_1404 = tpu.memref_slice %arg4[%dma_wait3A_1392, %dma_wait3A_1393, %dma_wait3A_1394, %dma_wait3A_1402, %dma_wait3A_1403] : memref<26x8x128x8x128xf32, #tpu.memory_space<hbm>> -> memref<1x1x1x8x128xf32, #tpu.memory_space<hbm>>
        %dma_wait3A_1405 = tpu.memref_squeeze %dma_wait3A_1404 : memref<1x1x1x8x128xf32, #tpu.memory_space<hbm>> -> memref<8x128xf32, #tpu.memory_space<hbm>>
        %dma_wait3A_1406 = arith.constant 16 : i32
        %dma_wait3A_1407 = arith.constant 0 : i32
        %dma_wait3A_1408 = tpu.memref_slice %arg10[%dma_wait3A_1406, %dma_wait3A_1407] : memref<64x128xf32, #tpu.memory_space<vmem>> -> memref<8x128xf32, #tpu.memory_space<vmem>>
        tpu.wait_dma2 semaphore(%arg18 : memref<!tpu.dma_semaphore, #tpu.memory_space<semaphore_mem>>) src(%dma_wait3A_1408 : memref<8x128xf32, #tpu.memory_space<vmem>>) dst(%dma_wait3A_1405 : memref<8x128xf32, #tpu.memory_space<hbm>>)
        %dma_wait3A_1409 = arith.constant 0 : i32
        %dma_wait3A_1410 = arith.constant 0 : i32
        %dma_wait3A_1411 = arith.constant 0 : i32
        %dma_wait3A_1412 = arith.constant 24 : i32
        %dma_wait3A_1413 = arith.constant 0 : i32
        %dma_wait3A_1414 = tpu.memref_slice %arg10[%dma_wait3A_1412, %dma_wait3A_1413] : memref<64x128xf32, #tpu.memory_space<vmem>> -> memref<8x128xf32, #tpu.memory_space<vmem>>
        %dma_wait3A_1415 = arith.constant 0 : i32
        %dma_wait3A_1416 = arith.constant 0 : i32
        %dma_wait3A_1417 = tpu.memref_slice %arg4[%dma_wait3A_1409, %dma_wait3A_1410, %dma_wait3A_1411, %dma_wait3A_1415, %dma_wait3A_1416] : memref<26x8x128x8x128xf32, #tpu.memory_space<hbm>> -> memref<1x1x1x8x128xf32, #tpu.memory_space<hbm>>
        %dma_wait3A_1418 = tpu.memref_squeeze %dma_wait3A_1417 : memref<1x1x1x8x128xf32, #tpu.memory_space<hbm>> -> memref<8x128xf32, #tpu.memory_space<hbm>>
        %dma_wait3A_1419 = arith.constant 0 : i32
        %dma_wait3A_1420 = arith.constant 0 : i32
        %dma_wait3A_1421 = tpu.memref_slice %arg4[%dma_wait3A_1409, %dma_wait3A_1410, %dma_wait3A_1411, %dma_wait3A_1419, %dma_wait3A_1420] : memref<26x8x128x8x128xf32, #tpu.memory_space<hbm>> -> memref<1x1x1x8x128xf32, #tpu.memory_space<hbm>>
        %dma_wait3A_1422 = tpu.memref_squeeze %dma_wait3A_1421 : memref<1x1x1x8x128xf32, #tpu.memory_space<hbm>> -> memref<8x128xf32, #tpu.memory_space<hbm>>
        %dma_wait3A_1423 = arith.constant 24 : i32
        %dma_wait3A_1424 = arith.constant 0 : i32
        %dma_wait3A_1425 = tpu.memref_slice %arg10[%dma_wait3A_1423, %dma_wait3A_1424] : memref<64x128xf32, #tpu.memory_space<vmem>> -> memref<8x128xf32, #tpu.memory_space<vmem>>
        tpu.wait_dma2 semaphore(%arg18 : memref<!tpu.dma_semaphore, #tpu.memory_space<semaphore_mem>>) src(%dma_wait3A_1425 : memref<8x128xf32, #tpu.memory_space<vmem>>) dst(%dma_wait3A_1422 : memref<8x128xf32, #tpu.memory_space<hbm>>)
        %dma_wait3A_1426 = arith.constant 0 : i32
        %dma_wait3A_1427 = arith.constant 0 : i32
        %dma_wait3A_1428 = arith.constant 0 : i32
        %dma_wait3A_1429 = arith.constant 32 : i32
        %dma_wait3A_1430 = arith.constant 0 : i32
        %dma_wait3A_1431 = tpu.memref_slice %arg10[%dma_wait3A_1429, %dma_wait3A_1430] : memref<64x128xf32, #tpu.memory_space<vmem>> -> memref<8x128xf32, #tpu.memory_space<vmem>>
        %dma_wait3A_1432 = arith.constant 0 : i32
        %dma_wait3A_1433 = arith.constant 0 : i32
        %dma_wait3A_1434 = tpu.memref_slice %arg4[%dma_wait3A_1426, %dma_wait3A_1427, %dma_wait3A_1428, %dma_wait3A_1432, %dma_wait3A_1433] : memref<26x8x128x8x128xf32, #tpu.memory_space<hbm>> -> memref<1x1x1x8x128xf32, #tpu.memory_space<hbm>>
        %dma_wait3A_1435 = tpu.memref_squeeze %dma_wait3A_1434 : memref<1x1x1x8x128xf32, #tpu.memory_space<hbm>> -> memref<8x128xf32, #tpu.memory_space<hbm>>
        %dma_wait3A_1436 = arith.constant 0 : i32
        %dma_wait3A_1437 = arith.constant 0 : i32
        %dma_wait3A_1438 = tpu.memref_slice %arg4[%dma_wait3A_1426, %dma_wait3A_1427, %dma_wait3A_1428, %dma_wait3A_1436, %dma_wait3A_1437] : memref<26x8x128x8x128xf32, #tpu.memory_space<hbm>> -> memref<1x1x1x8x128xf32, #tpu.memory_space<hbm>>
        %dma_wait3A_1439 = tpu.memref_squeeze %dma_wait3A_1438 : memref<1x1x1x8x128xf32, #tpu.memory_space<hbm>> -> memref<8x128xf32, #tpu.memory_space<hbm>>
        %dma_wait3A_1440 = arith.constant 32 : i32
        %dma_wait3A_1441 = arith.constant 0 : i32
        %dma_wait3A_1442 = tpu.memref_slice %arg10[%dma_wait3A_1440, %dma_wait3A_1441] : memref<64x128xf32, #tpu.memory_space<vmem>> -> memref<8x128xf32, #tpu.memory_space<vmem>>
        tpu.wait_dma2 semaphore(%arg18 : memref<!tpu.dma_semaphore, #tpu.memory_space<semaphore_mem>>) src(%dma_wait3A_1442 : memref<8x128xf32, #tpu.memory_space<vmem>>) dst(%dma_wait3A_1439 : memref<8x128xf32, #tpu.memory_space<hbm>>)
        %dma_wait3A_1443 = arith.constant 0 : i32
        %dma_wait3A_1444 = arith.constant 0 : i32
        %dma_wait3A_1445 = arith.constant 0 : i32
        %dma_wait3A_1446 = arith.constant 40 : i32
        %dma_wait3A_1447 = arith.constant 0 : i32
        %dma_wait3A_1448 = tpu.memref_slice %arg10[%dma_wait3A_1446, %dma_wait3A_1447] : memref<64x128xf32, #tpu.memory_space<vmem>> -> memref<8x128xf32, #tpu.memory_space<vmem>>
        %dma_wait3A_1449 = arith.constant 0 : i32
        %dma_wait3A_1450 = arith.constant 0 : i32
        %dma_wait3A_1451 = tpu.memref_slice %arg4[%dma_wait3A_1443, %dma_wait3A_1444, %dma_wait3A_1445, %dma_wait3A_1449, %dma_wait3A_1450] : memref<26x8x128x8x128xf32, #tpu.memory_space<hbm>> -> memref<1x1x1x8x128xf32, #tpu.memory_space<hbm>>
        %dma_wait3A_1452 = tpu.memref_squeeze %dma_wait3A_1451 : memref<1x1x1x8x128xf32, #tpu.memory_space<hbm>> -> memref<8x128xf32, #tpu.memory_space<hbm>>
        %dma_wait3A_1453 = arith.constant 0 : i32
        %dma_wait3A_1454 = arith.constant 0 : i32
        %dma_wait3A_1455 = tpu.memref_slice %arg4[%dma_wait3A_1443, %dma_wait3A_1444, %dma_wait3A_1445, %dma_wait3A_1453, %dma_wait3A_1454] : memref<26x8x128x8x128xf32, #tpu.memory_space<hbm>> -> memref<1x1x1x8x128xf32, #tpu.memory_space<hbm>>
        %dma_wait3A_1456 = tpu.memref_squeeze %dma_wait3A_1455 : memref<1x1x1x8x128xf32, #tpu.memory_space<hbm>> -> memref<8x128xf32, #tpu.memory_space<hbm>>
        %dma_wait3A_1457 = arith.constant 40 : i32
        %dma_wait3A_1458 = arith.constant 0 : i32
        %dma_wait3A_1459 = tpu.memref_slice %arg10[%dma_wait3A_1457, %dma_wait3A_1458] : memref<64x128xf32, #tpu.memory_space<vmem>> -> memref<8x128xf32, #tpu.memory_space<vmem>>
        tpu.wait_dma2 semaphore(%arg18 : memref<!tpu.dma_semaphore, #tpu.memory_space<semaphore_mem>>) src(%dma_wait3A_1459 : memref<8x128xf32, #tpu.memory_space<vmem>>) dst(%dma_wait3A_1456 : memref<8x128xf32, #tpu.memory_space<hbm>>)
        %dma_wait3A_1460 = arith.constant 0 : i32
        %dma_wait3A_1461 = arith.constant 0 : i32
        %dma_wait3A_1462 = arith.constant 0 : i32
        %dma_wait3A_1463 = arith.constant 48 : i32
        %dma_wait3A_1464 = arith.constant 0 : i32
        %dma_wait3A_1465 = tpu.memref_slice %arg10[%dma_wait3A_1463, %dma_wait3A_1464] : memref<64x128xf32, #tpu.memory_space<vmem>> -> memref<8x128xf32, #tpu.memory_space<vmem>>
        %dma_wait3A_1466 = arith.constant 0 : i32
        %dma_wait3A_1467 = arith.constant 0 : i32
        %dma_wait3A_1468 = tpu.memref_slice %arg4[%dma_wait3A_1460, %dma_wait3A_1461, %dma_wait3A_1462, %dma_wait3A_1466, %dma_wait3A_1467] : memref<26x8x128x8x128xf32, #tpu.memory_space<hbm>> -> memref<1x1x1x8x128xf32, #tpu.memory_space<hbm>>
        %dma_wait3A_1469 = tpu.memref_squeeze %dma_wait3A_1468 : memref<1x1x1x8x128xf32, #tpu.memory_space<hbm>> -> memref<8x128xf32, #tpu.memory_space<hbm>>
        %dma_wait3A_1470 = arith.constant 0 : i32
        %dma_wait3A_1471 = arith.constant 0 : i32
        %dma_wait3A_1472 = tpu.memref_slice %arg4[%dma_wait3A_1460, %dma_wait3A_1461, %dma_wait3A_1462, %dma_wait3A_1470, %dma_wait3A_1471] : memref<26x8x128x8x128xf32, #tpu.memory_space<hbm>> -> memref<1x1x1x8x128xf32, #tpu.memory_space<hbm>>
        %dma_wait3A_1473 = tpu.memref_squeeze %dma_wait3A_1472 : memref<1x1x1x8x128xf32, #tpu.memory_space<hbm>> -> memref<8x128xf32, #tpu.memory_space<hbm>>
        %dma_wait3A_1474 = arith.constant 48 : i32
        %dma_wait3A_1475 = arith.constant 0 : i32
        %dma_wait3A_1476 = tpu.memref_slice %arg10[%dma_wait3A_1474, %dma_wait3A_1475] : memref<64x128xf32, #tpu.memory_space<vmem>> -> memref<8x128xf32, #tpu.memory_space<vmem>>
        tpu.wait_dma2 semaphore(%arg18 : memref<!tpu.dma_semaphore, #tpu.memory_space<semaphore_mem>>) src(%dma_wait3A_1476 : memref<8x128xf32, #tpu.memory_space<vmem>>) dst(%dma_wait3A_1473 : memref<8x128xf32, #tpu.memory_space<hbm>>)
        %dma_wait3A_1477 = arith.constant 0 : i32
        %dma_wait3A_1478 = arith.constant 0 : i32
        %dma_wait3A_1479 = arith.constant 0 : i32
        %dma_wait3A_1480 = arith.constant 56 : i32
        %dma_wait3A_1481 = arith.constant 0 : i32
        %dma_wait3A_1482 = tpu.memref_slice %arg10[%dma_wait3A_1480, %dma_wait3A_1481] : memref<64x128xf32, #tpu.memory_space<vmem>> -> memref<8x128xf32, #tpu.memory_space<vmem>>
        %dma_wait3A_1483 = arith.constant 0 : i32
        %dma_wait3A_1484 = arith.constant 0 : i32
        %dma_wait3A_1485 = tpu.memref_slice %arg4[%dma_wait3A_1477, %dma_wait3A_1478, %dma_wait3A_1479, %dma_wait3A_1483, %dma_wait3A_1484] : memref<26x8x128x8x128xf32, #tpu.memory_space<hbm>> -> memref<1x1x1x8x128xf32, #tpu.memory_space<hbm>>
        %dma_wait3A_1486 = tpu.memref_squeeze %dma_wait3A_1485 : memref<1x1x1x8x128xf32, #tpu.memory_space<hbm>> -> memref<8x128xf32, #tpu.memory_space<hbm>>
        %dma_wait3A_1487 = arith.constant 0 : i32
        %dma_wait3A_1488 = arith.constant 0 : i32
        %dma_wait3A_1489 = tpu.memref_slice %arg4[%dma_wait3A_1477, %dma_wait3A_1478, %dma_wait3A_1479, %dma_wait3A_1487, %dma_wait3A_1488] : memref<26x8x128x8x128xf32, #tpu.memory_space<hbm>> -> memref<1x1x1x8x128xf32, #tpu.memory_space<hbm>>
        %dma_wait3A_1490 = tpu.memref_squeeze %dma_wait3A_1489 : memref<1x1x1x8x128xf32, #tpu.memory_space<hbm>> -> memref<8x128xf32, #tpu.memory_space<hbm>>
        %dma_wait3A_1491 = arith.constant 56 : i32
        %dma_wait3A_1492 = arith.constant 0 : i32
        %dma_wait3A_1493 = tpu.memref_slice %arg10[%dma_wait3A_1491, %dma_wait3A_1492] : memref<64x128xf32, #tpu.memory_space<vmem>> -> memref<8x128xf32, #tpu.memory_space<vmem>>
        tpu.wait_dma2 semaphore(%arg18 : memref<!tpu.dma_semaphore, #tpu.memory_space<semaphore_mem>>) src(%dma_wait3A_1493 : memref<8x128xf32, #tpu.memory_space<vmem>>) dst(%dma_wait3A_1490 : memref<8x128xf32, #tpu.memory_space<hbm>>)
      } else {
      }
      %scan3A_649 = arith.constant 0 : i32
      %scan3A_650 = arith.constant 0 : i32
      %scan3A_651 = arith.constant 64 : i32
      %scan3A_652 = arith.addi %scan3A_650, %scan3A_651 : i32
      %scan3A_653 = arith.constant 1 : i32
      scf.for %scan3A_1358 = %scan3A_650 to %scan3A_652 step %scan3A_653  : i32 {
        %broadcast_in_dim3A = vector.broadcast %scan3A_1358 : i32 to vector<16xi32>
        %gather3A = tpu.vector_load_idx %arg6[%add3A_32, %broadcast_in_dim3A] : memref<128x64xf32, #tpu.memory_space<vmem>>[vector<16xi32>, vector<16xi32>], vector<16xf32>,
        %swap3A = arith.index_cast %scan3A_1358 : i32 to index
        %swap3A_1359 = arith.constant 0 : index
        %swap3A_1360 = tpu.vector_load %arg10[%swap3A, %swap3A_1359] {strides = array<i32>} : memref<64x128xf32, #tpu.memory_space<vmem>>, vector<16xf32>,
        tpu.vector_store %arg10[%swap3A, %swap3A_1359], %gather3A {strides = array<i32>} : memref<64x128xf32, #tpu.memory_space<vmem>>, vector<16xf32>,
        %gather3A_1361 = tpu.vector_load_idx %arg6[%add3A_35, %broadcast_in_dim3A] : memref<128x64xf32, #tpu.memory_space<vmem>>[vector<16xi32>, vector<16xi32>], vector<16xf32>,
        %swap3A_1362 = arith.index_cast %scan3A_1358 : i32 to index
        %swap3A_1363 = arith.constant 16 : index
        %swap3A_1364 = tpu.vector_load %arg10[%swap3A_1362, %swap3A_1363] {strides = array<i32>} : memref<64x128xf32, #tpu.memory_space<vmem>>, vector<16xf32>,
        tpu.vector_store %arg10[%swap3A_1362, %swap3A_1363], %gather3A_1361 {strides = array<i32>} : memref<64x128xf32, #tpu.memory_space<vmem>>, vector<16xf32>,
        %gather3A_1365 = tpu.vector_load_idx %arg6[%add3A_38, %broadcast_in_dim3A] : memref<128x64xf32, #tpu.memory_space<vmem>>[vector<16xi32>, vector<16xi32>], vector<16xf32>,
        %swap3A_1366 = arith.index_cast %scan3A_1358 : i32 to index
        %swap3A_1367 = arith.constant 32 : index
        %swap3A_1368 = tpu.vector_load %arg10[%swap3A_1366, %swap3A_1367] {strides = array<i32>} : memref<64x128xf32, #tpu.memory_space<vmem>>, vector<16xf32>,
        tpu.vector_store %arg10[%swap3A_1366, %swap3A_1367], %gather3A_1365 {strides = array<i32>} : memref<64x128xf32, #tpu.memory_space<vmem>>, vector<16xf32>,
        %gather3A_1369 = tpu.vector_load_idx %arg6[%add3A_41, %broadcast_in_dim3A] : memref<128x64xf32, #tpu.memory_space<vmem>>[vector<16xi32>, vector<16xi32>], vector<16xf32>,
        %swap3A_1370 = arith.index_cast %scan3A_1358 : i32 to index
        %swap3A_1371 = arith.constant 48 : index
        %swap3A_1372 = tpu.vector_load %arg10[%swap3A_1370, %swap3A_1371] {strides = array<i32>} : memref<64x128xf32, #tpu.memory_space<vmem>>, vector<16xf32>,
        tpu.vector_store %arg10[%swap3A_1370, %swap3A_1371], %gather3A_1369 {strides = array<i32>} : memref<64x128xf32, #tpu.memory_space<vmem>>, vector<16xf32>,
        %gather3A_1373 = tpu.vector_load_idx %arg6[%add3A_44, %broadcast_in_dim3A] : memref<128x64xf32, #tpu.memory_space<vmem>>[vector<16xi32>, vector<16xi32>], vector<16xf32>,
        %swap3A_1374 = arith.index_cast %scan3A_1358 : i32 to index
        %swap3A_1375 = arith.constant 64 : index
        %swap3A_1376 = tpu.vector_load %arg10[%swap3A_1374, %swap3A_1375] {strides = array<i32>} : memref<64x128xf32, #tpu.memory_space<vmem>>, vector<16xf32>,
        tpu.vector_store %arg10[%swap3A_1374, %swap3A_1375], %gather3A_1373 {strides = array<i32>} : memref<64x128xf32, #tpu.memory_space<vmem>>, vector<16xf32>,
        %gather3A_1377 = tpu.vector_load_idx %arg6[%add3A_47, %broadcast_in_dim3A] : memref<128x64xf32, #tpu.memory_space<vmem>>[vector<16xi32>, vector<16xi32>], vector<16xf32>,
        %swap3A_1378 = arith.index_cast %scan3A_1358 : i32 to index
        %swap3A_1379 = arith.constant 80 : index
        %swap3A_1380 = tpu.vector_load %arg10[%swap3A_1378, %swap3A_1379] {strides = array<i32>} : memref<64x128xf32, #tpu.memory_space<vmem>>, vector<16xf32>,
        tpu.vector_store %arg10[%swap3A_1378, %swap3A_1379], %gather3A_1377 {strides = array<i32>} : memref<64x128xf32, #tpu.memory_space<vmem>>, vector<16xf32>,
        %gather3A_1381 = tpu.vector_load_idx %arg6[%add3A_50, %broadcast_in_dim3A] : memref<128x64xf32, #tpu.memory_space<vmem>>[vector<16xi32>, vector<16xi32>], vector<16xf32>,
        %swap3A_1382 = arith.index_cast %scan3A_1358 : i32 to index
        %swap3A_1383 = arith.constant 96 : index
        %swap3A_1384 = tpu.vector_load %arg10[%swap3A_1382, %swap3A_1383] {strides = array<i32>} : memref<64x128xf32, #tpu.memory_space<vmem>>, vector<16xf32>,
        tpu.vector_store %arg10[%swap3A_1382, %swap3A_1383], %gather3A_1381 {strides = array<i32>} : memref<64x128xf32, #tpu.memory_space<vmem>>, vector<16xf32>,
        %gather3A_1385 = tpu.vector_load_idx %arg6[%add3A_53, %broadcast_in_dim3A] : memref<128x64xf32, #tpu.memory_space<vmem>>[vector<16xi32>, vector<16xi32>], vector<16xf32>,
        %swap3A_1386 = arith.index_cast %scan3A_1358 : i32 to index
        %swap3A_1387 = arith.constant 112 : index
        %swap3A_1388 = tpu.vector_load %arg10[%swap3A_1386, %swap3A_1387] {strides = array<i32>} : memref<64x128xf32, #tpu.memory_space<vmem>>, vector<16xf32>,
        tpu.vector_store %arg10[%swap3A_1386, %swap3A_1387], %gather3A_1385 {strides = array<i32>} : memref<64x128xf32, #tpu.memory_space<vmem>>, vector<16xf32>,
      }
      %scan3A_654 = arith.constant 64 : i32
      %dma_start3A_655 = arith.constant 0 : i32
      %dma_start3A_656 = arith.constant 0 : i32
      %dma_start3A_657 = arith.constant 0 : i32
      %dma_start3A_658 = tpu.memref_slice %arg10[%dma_start3A_656, %dma_start3A_657] : memref<64x128xf32, #tpu.memory_space<vmem>> -> memref<8x128xf32, #tpu.memory_space<vmem>>
      %dma_start3A_659 = arith.constant 0 : i32
      %dma_start3A_660 = arith.constant 0 : i32
      %dma_start3A_661 = tpu.memref_slice %arg4[%select_n3A, %dma_start3A_655, %add3A_639, %dma_start3A_659, %dma_start3A_660] : memref<26x8x128x8x128xf32, #tpu.memory_space<hbm>> -> memref<1x1x1x8x128xf32, #tpu.memory_space<hbm>>
      %dma_start3A_662 = tpu.memref_squeeze %dma_start3A_661 : memref<1x1x1x8x128xf32, #tpu.memory_space<hbm>> -> memref<8x128xf32, #tpu.memory_space<hbm>>
      %dma_start3A_663 = arith.constant 0 : i32
      %dma_start3A_664 = arith.constant 0 : i32
      %dma_start3A_665 = tpu.memref_slice %arg4[%select_n3A, %dma_start3A_655, %add3A_639, %dma_start3A_663, %dma_start3A_664] : memref<26x8x128x8x128xf32, #tpu.memory_space<hbm>> -> memref<1x1x1x8x128xf32, #tpu.memory_space<hbm>>
      %dma_start3A_666 = tpu.memref_squeeze %dma_start3A_665 : memref<1x1x1x8x128xf32, #tpu.memory_space<hbm>> -> memref<8x128xf32, #tpu.memory_space<hbm>>
      %dma_start3A_667 = arith.constant 0 : i32
      %dma_start3A_668 = arith.constant 0 : i32
      %dma_start3A_669 = tpu.memref_slice %arg10[%dma_start3A_667, %dma_start3A_668] : memref<64x128xf32, #tpu.memory_space<vmem>> -> memref<8x128xf32, #tpu.memory_space<vmem>>
      tpu.enqueue_dma source(%dma_start3A_669 : memref<8x128xf32, #tpu.memory_space<vmem>>) target(%dma_start3A_666 : memref<8x128xf32, #tpu.memory_space<hbm>>) target_semaphore(%arg18 : memref<!tpu.dma_semaphore, #tpu.memory_space<semaphore_mem>>)
      %dma_start3A_670 = arith.constant 1 : i32
      %dma_start3A_671 = arith.constant 8 : i32
      %dma_start3A_672 = arith.constant 0 : i32
      %dma_start3A_673 = tpu.memref_slice %arg10[%dma_start3A_671, %dma_start3A_672] : memref<64x128xf32, #tpu.memory_space<vmem>> -> memref<8x128xf32, #tpu.memory_space<vmem>>
      %dma_start3A_674 = arith.constant 0 : i32
      %dma_start3A_675 = arith.constant 0 : i32
      %dma_start3A_676 = tpu.memref_slice %arg4[%select_n3A, %dma_start3A_670, %add3A_639, %dma_start3A_674, %dma_start3A_675] : memref<26x8x128x8x128xf32, #tpu.memory_space<hbm>> -> memref<1x1x1x8x128xf32, #tpu.memory_space<hbm>>
      %dma_start3A_677 = tpu.memref_squeeze %dma_start3A_676 : memref<1x1x1x8x128xf32, #tpu.memory_space<hbm>> -> memref<8x128xf32, #tpu.memory_space<hbm>>
      %dma_start3A_678 = arith.constant 0 : i32
      %dma_start3A_679 = arith.constant 0 : i32
      %dma_start3A_680 = tpu.memref_slice %arg4[%select_n3A, %dma_start3A_670, %add3A_639, %dma_start3A_678, %dma_start3A_679] : memref<26x8x128x8x128xf32, #tpu.memory_space<hbm>> -> memref<1x1x1x8x128xf32, #tpu.memory_space<hbm>>
      %dma_start3A_681 = tpu.memref_squeeze %dma_start3A_680 : memref<1x1x1x8x128xf32, #tpu.memory_space<hbm>> -> memref<8x128xf32, #tpu.memory_space<hbm>>
      %dma_start3A_682 = arith.constant 8 : i32
      %dma_start3A_683 = arith.constant 0 : i32
      %dma_start3A_684 = tpu.memref_slice %arg10[%dma_start3A_682, %dma_start3A_683] : memref<64x128xf32, #tpu.memory_space<vmem>> -> memref<8x128xf32, #tpu.memory_space<vmem>>
      tpu.enqueue_dma source(%dma_start3A_684 : memref<8x128xf32, #tpu.memory_space<vmem>>) target(%dma_start3A_681 : memref<8x128xf32, #tpu.memory_space<hbm>>) target_semaphore(%arg18 : memref<!tpu.dma_semaphore, #tpu.memory_space<semaphore_mem>>)
      %dma_start3A_685 = arith.constant 2 : i32
      %dma_start3A_686 = arith.constant 16 : i32
      %dma_start3A_687 = arith.constant 0 : i32
      %dma_start3A_688 = tpu.memref_slice %arg10[%dma_start3A_686, %dma_start3A_687] : memref<64x128xf32, #tpu.memory_space<vmem>> -> memref<8x128xf32, #tpu.memory_space<vmem>>
      %dma_start3A_689 = arith.constant 0 : i32
      %dma_start3A_690 = arith.constant 0 : i32
      %dma_start3A_691 = tpu.memref_slice %arg4[%select_n3A, %dma_start3A_685, %add3A_639, %dma_start3A_689, %dma_start3A_690] : memref<26x8x128x8x128xf32, #tpu.memory_space<hbm>> -> memref<1x1x1x8x128xf32, #tpu.memory_space<hbm>>
      %dma_start3A_692 = tpu.memref_squeeze %dma_start3A_691 : memref<1x1x1x8x128xf32, #tpu.memory_space<hbm>> -> memref<8x128xf32, #tpu.memory_space<hbm>>
      %dma_start3A_693 = arith.constant 0 : i32
      %dma_start3A_694 = arith.constant 0 : i32
      %dma_start3A_695 = tpu.memref_slice %arg4[%select_n3A, %dma_start3A_685, %add3A_639, %dma_start3A_693, %dma_start3A_694] : memref<26x8x128x8x128xf32, #tpu.memory_space<hbm>> -> memref<1x1x1x8x128xf32, #tpu.memory_space<hbm>>
      %dma_start3A_696 = tpu.memref_squeeze %dma_start3A_695 : memref<1x1x1x8x128xf32, #tpu.memory_space<hbm>> -> memref<8x128xf32, #tpu.memory_space<hbm>>
      %dma_start3A_697 = arith.constant 16 : i32
      %dma_start3A_698 = arith.constant 0 : i32
      %dma_start3A_699 = tpu.memref_slice %arg10[%dma_start3A_697, %dma_start3A_698] : memref<64x128xf32, #tpu.memory_space<vmem>> -> memref<8x128xf32, #tpu.memory_space<vmem>>
      tpu.enqueue_dma source(%dma_start3A_699 : memref<8x128xf32, #tpu.memory_space<vmem>>) target(%dma_start3A_696 : memref<8x128xf32, #tpu.memory_space<hbm>>) target_semaphore(%arg18 : memref<!tpu.dma_semaphore, #tpu.memory_space<semaphore_mem>>)
      %dma_start3A_700 = arith.constant 3 : i32
      %dma_start3A_701 = arith.constant 24 : i32
      %dma_start3A_702 = arith.constant 0 : i32
      %dma_start3A_703 = tpu.memref_slice %arg10[%dma_start3A_701, %dma_start3A_702] : memref<64x128xf32, #tpu.memory_space<vmem>> -> memref<8x128xf32, #tpu.memory_space<vmem>>
      %dma_start3A_704 = arith.constant 0 : i32
      %dma_start3A_705 = arith.constant 0 : i32
      %dma_start3A_706 = tpu.memref_slice %arg4[%select_n3A, %dma_start3A_700, %add3A_639, %dma_start3A_704, %dma_start3A_705] : memref<26x8x128x8x128xf32, #tpu.memory_space<hbm>> -> memref<1x1x1x8x128xf32, #tpu.memory_space<hbm>>
      %dma_start3A_707 = tpu.memref_squeeze %dma_start3A_706 : memref<1x1x1x8x128xf32, #tpu.memory_space<hbm>> -> memref<8x128xf32, #tpu.memory_space<hbm>>
      %dma_start3A_708 = arith.constant 0 : i32
      %dma_start3A_709 = arith.constant 0 : i32
      %dma_start3A_710 = tpu.memref_slice %arg4[%select_n3A, %dma_start3A_700, %add3A_639, %dma_start3A_708, %dma_start3A_709] : memref<26x8x128x8x128xf32, #tpu.memory_space<hbm>> -> memref<1x1x1x8x128xf32, #tpu.memory_space<hbm>>
      %dma_start3A_711 = tpu.memref_squeeze %dma_start3A_710 : memref<1x1x1x8x128xf32, #tpu.memory_space<hbm>> -> memref<8x128xf32, #tpu.memory_space<hbm>>
      %dma_start3A_712 = arith.constant 24 : i32
      %dma_start3A_713 = arith.constant 0 : i32
      %dma_start3A_714 = tpu.memref_slice %arg10[%dma_start3A_712, %dma_start3A_713] : memref<64x128xf32, #tpu.memory_space<vmem>> -> memref<8x128xf32, #tpu.memory_space<vmem>>
      tpu.enqueue_dma source(%dma_start3A_714 : memref<8x128xf32, #tpu.memory_space<vmem>>) target(%dma_start3A_711 : memref<8x128xf32, #tpu.memory_space<hbm>>) target_semaphore(%arg18 : memref<!tpu.dma_semaphore, #tpu.memory_space<semaphore_mem>>)
      %dma_start3A_715 = arith.constant 4 : i32
      %dma_start3A_716 = arith.constant 32 : i32
      %dma_start3A_717 = arith.constant 0 : i32
      %dma_start3A_718 = tpu.memref_slice %arg10[%dma_start3A_716, %dma_start3A_717] : memref<64x128xf32, #tpu.memory_space<vmem>> -> memref<8x128xf32, #tpu.memory_space<vmem>>
      %dma_start3A_719 = arith.constant 0 : i32
      %dma_start3A_720 = arith.constant 0 : i32
      %dma_start3A_721 = tpu.memref_slice %arg4[%select_n3A, %dma_start3A_715, %add3A_639, %dma_start3A_719, %dma_start3A_720] : memref<26x8x128x8x128xf32, #tpu.memory_space<hbm>> -> memref<1x1x1x8x128xf32, #tpu.memory_space<hbm>>
      %dma_start3A_722 = tpu.memref_squeeze %dma_start3A_721 : memref<1x1x1x8x128xf32, #tpu.memory_space<hbm>> -> memref<8x128xf32, #tpu.memory_space<hbm>>
      %dma_start3A_723 = arith.constant 0 : i32
      %dma_start3A_724 = arith.constant 0 : i32
      %dma_start3A_725 = tpu.memref_slice %arg4[%select_n3A, %dma_start3A_715, %add3A_639, %dma_start3A_723, %dma_start3A_724] : memref<26x8x128x8x128xf32, #tpu.memory_space<hbm>> -> memref<1x1x1x8x128xf32, #tpu.memory_space<hbm>>
      %dma_start3A_726 = tpu.memref_squeeze %dma_start3A_725 : memref<1x1x1x8x128xf32, #tpu.memory_space<hbm>> -> memref<8x128xf32, #tpu.memory_space<hbm>>
      %dma_start3A_727 = arith.constant 32 : i32
      %dma_start3A_728 = arith.constant 0 : i32
      %dma_start3A_729 = tpu.memref_slice %arg10[%dma_start3A_727, %dma_start3A_728] : memref<64x128xf32, #tpu.memory_space<vmem>> -> memref<8x128xf32, #tpu.memory_space<vmem>>
      tpu.enqueue_dma source(%dma_start3A_729 : memref<8x128xf32, #tpu.memory_space<vmem>>) target(%dma_start3A_726 : memref<8x128xf32, #tpu.memory_space<hbm>>) target_semaphore(%arg18 : memref<!tpu.dma_semaphore, #tpu.memory_space<semaphore_mem>>)
      %dma_start3A_730 = arith.constant 5 : i32
      %dma_start3A_731 = arith.constant 40 : i32
      %dma_start3A_732 = arith.constant 0 : i32
      %dma_start3A_733 = tpu.memref_slice %arg10[%dma_start3A_731, %dma_start3A_732] : memref<64x128xf32, #tpu.memory_space<vmem>> -> memref<8x128xf32, #tpu.memory_space<vmem>>
      %dma_start3A_734 = arith.constant 0 : i32
      %dma_start3A_735 = arith.constant 0 : i32
      %dma_start3A_736 = tpu.memref_slice %arg4[%select_n3A, %dma_start3A_730, %add3A_639, %dma_start3A_734, %dma_start3A_735] : memref<26x8x128x8x128xf32, #tpu.memory_space<hbm>> -> memref<1x1x1x8x128xf32, #tpu.memory_space<hbm>>
      %dma_start3A_737 = tpu.memref_squeeze %dma_start3A_736 : memref<1x1x1x8x128xf32, #tpu.memory_space<hbm>> -> memref<8x128xf32, #tpu.memory_space<hbm>>
      %dma_start3A_738 = arith.constant 0 : i32
      %dma_start3A_739 = arith.constant 0 : i32
      %dma_start3A_740 = tpu.memref_slice %arg4[%select_n3A, %dma_start3A_730, %add3A_639, %dma_start3A_738, %dma_start3A_739] : memref<26x8x128x8x128xf32, #tpu.memory_space<hbm>> -> memref<1x1x1x8x128xf32, #tpu.memory_space<hbm>>
      %dma_start3A_741 = tpu.memref_squeeze %dma_start3A_740 : memref<1x1x1x8x128xf32, #tpu.memory_space<hbm>> -> memref<8x128xf32, #tpu.memory_space<hbm>>
      %dma_start3A_742 = arith.constant 40 : i32
      %dma_start3A_743 = arith.constant 0 : i32
      %dma_start3A_744 = tpu.memref_slice %arg10[%dma_start3A_742, %dma_start3A_743] : memref<64x128xf32, #tpu.memory_space<vmem>> -> memref<8x128xf32, #tpu.memory_space<vmem>>
      tpu.enqueue_dma source(%dma_start3A_744 : memref<8x128xf32, #tpu.memory_space<vmem>>) target(%dma_start3A_741 : memref<8x128xf32, #tpu.memory_space<hbm>>) target_semaphore(%arg18 : memref<!tpu.dma_semaphore, #tpu.memory_space<semaphore_mem>>)
      %dma_start3A_745 = arith.constant 6 : i32
      %dma_start3A_746 = arith.constant 48 : i32
      %dma_start3A_747 = arith.constant 0 : i32
      %dma_start3A_748 = tpu.memref_slice %arg10[%dma_start3A_746, %dma_start3A_747] : memref<64x128xf32, #tpu.memory_space<vmem>> -> memref<8x128xf32, #tpu.memory_space<vmem>>
      %dma_start3A_749 = arith.constant 0 : i32
      %dma_start3A_750 = arith.constant 0 : i32
      %dma_start3A_751 = tpu.memref_slice %arg4[%select_n3A, %dma_start3A_745, %add3A_639, %dma_start3A_749, %dma_start3A_750] : memref<26x8x128x8x128xf32, #tpu.memory_space<hbm>> -> memref<1x1x1x8x128xf32, #tpu.memory_space<hbm>>
      %dma_start3A_752 = tpu.memref_squeeze %dma_start3A_751 : memref<1x1x1x8x128xf32, #tpu.memory_space<hbm>> -> memref<8x128xf32, #tpu.memory_space<hbm>>
      %dma_start3A_753 = arith.constant 0 : i32
      %dma_start3A_754 = arith.constant 0 : i32
      %dma_start3A_755 = tpu.memref_slice %arg4[%select_n3A, %dma_start3A_745, %add3A_639, %dma_start3A_753, %dma_start3A_754] : memref<26x8x128x8x128xf32, #tpu.memory_space<hbm>> -> memref<1x1x1x8x128xf32, #tpu.memory_space<hbm>>
      %dma_start3A_756 = tpu.memref_squeeze %dma_start3A_755 : memref<1x1x1x8x128xf32, #tpu.memory_space<hbm>> -> memref<8x128xf32, #tpu.memory_space<hbm>>
      %dma_start3A_757 = arith.constant 48 : i32
      %dma_start3A_758 = arith.constant 0 : i32
      %dma_start3A_759 = tpu.memref_slice %arg10[%dma_start3A_757, %dma_start3A_758] : memref<64x128xf32, #tpu.memory_space<vmem>> -> memref<8x128xf32, #tpu.memory_space<vmem>>
      tpu.enqueue_dma source(%dma_start3A_759 : memref<8x128xf32, #tpu.memory_space<vmem>>) target(%dma_start3A_756 : memref<8x128xf32, #tpu.memory_space<hbm>>) target_semaphore(%arg18 : memref<!tpu.dma_semaphore, #tpu.memory_space<semaphore_mem>>)
      %dma_start3A_760 = arith.constant 7 : i32
      %dma_start3A_761 = arith.constant 56 : i32
      %dma_start3A_762 = arith.constant 0 : i32
      %dma_start3A_763 = tpu.memref_slice %arg10[%dma_start3A_761, %dma_start3A_762] : memref<64x128xf32, #tpu.memory_space<vmem>> -> memref<8x128xf32, #tpu.memory_space<vmem>>
      %dma_start3A_764 = arith.constant 0 : i32
      %dma_start3A_765 = arith.constant 0 : i32
      %dma_start3A_766 = tpu.memref_slice %arg4[%select_n3A, %dma_start3A_760, %add3A_639, %dma_start3A_764, %dma_start3A_765] : memref<26x8x128x8x128xf32, #tpu.memory_space<hbm>> -> memref<1x1x1x8x128xf32, #tpu.memory_space<hbm>>
      %dma_start3A_767 = tpu.memref_squeeze %dma_start3A_766 : memref<1x1x1x8x128xf32, #tpu.memory_space<hbm>> -> memref<8x128xf32, #tpu.memory_space<hbm>>
      %dma_start3A_768 = arith.constant 0 : i32
      %dma_start3A_769 = arith.constant 0 : i32
      %dma_start3A_770 = tpu.memref_slice %arg4[%select_n3A, %dma_start3A_760, %add3A_639, %dma_start3A_768, %dma_start3A_769] : memref<26x8x128x8x128xf32, #tpu.memory_space<hbm>> -> memref<1x1x1x8x128xf32, #tpu.memory_space<hbm>>
      %dma_start3A_771 = tpu.memref_squeeze %dma_start3A_770 : memref<1x1x1x8x128xf32, #tpu.memory_space<hbm>> -> memref<8x128xf32, #tpu.memory_space<hbm>>
      %dma_start3A_772 = arith.constant 56 : i32
      %dma_start3A_773 = arith.constant 0 : i32
      %dma_start3A_774 = tpu.memref_slice %arg10[%dma_start3A_772, %dma_start3A_773] : memref<64x128xf32, #tpu.memory_space<vmem>> -> memref<8x128xf32, #tpu.memory_space<vmem>>
      tpu.enqueue_dma source(%dma_start3A_774 : memref<8x128xf32, #tpu.memory_space<vmem>>) target(%dma_start3A_771 : memref<8x128xf32, #tpu.memory_space<hbm>>) target_semaphore(%arg18 : memref<!tpu.dma_semaphore, #tpu.memory_space<semaphore_mem>>)
      %add3A_775 = arith.constant 4 : i32
      %add3A_776 = arith.addi %add3A_606, %add3A_775 : i32
      %lt3A_777 = arith.constant 104 : i32
      %lt3A_778 = arith.cmpi slt, %add3A_776, %lt3A_777 : i32
      %convert_element_type3A_779 = arith.extui %lt3A_778 : i1 to i32
      %cond3A_780 = arith.constant 0 : i32
      %cond3A_781 = arith.cmpi ne, %convert_element_type3A_779, %cond3A_780 : i32
      scf.if %cond3A_781 {
        %add3A_1358 = arith.constant 4 : i32
        %add3A_1359 = arith.addi %add3A_606, %add3A_1358 : i32
        %jit3A_1360 = arith.constant 4 : i32
        %div3A_1361 = arith.divsi %add3A_1359, %jit3A_1360 : i32
        %sign3A_1362 = arith.constant 0 : i32
        %sign3A_1363 = arith.cmpi sgt, %add3A_1359, %sign3A_1362 : i32
        %sign3A_1364 = arith.extui %sign3A_1363 : i1 to i32
        %sign3A_1365 = arith.constant 0 : i32
        %sign3A_1366 = arith.cmpi slt, %add3A_1359, %sign3A_1365 : i32
        %sign3A_1367 = arith.extui %sign3A_1366 : i1 to i32
        %sign3A_1368 = arith.subi %sign3A_1364, %sign3A_1367 : i32
        %sign3A_1369 = arith.constant 0 : i32
        %sign3A_1370 = arith.cmpi sgt, %jit3A_1360, %sign3A_1369 : i32
        %sign3A_1371 = arith.extui %sign3A_1370 : i1 to i32
        %sign3A_1372 = arith.constant 0 : i32
        %sign3A_1373 = arith.cmpi slt, %jit3A_1360, %sign3A_1372 : i32
        %sign3A_1374 = arith.extui %sign3A_1373 : i1 to i32
        %sign3A_1375 = arith.subi %sign3A_1371, %sign3A_1374 : i32
        %ne3A_1376 = arith.cmpi ne, %sign3A_1368, %sign3A_1375 : i32
        %rem3A_1377 = arith.remsi %add3A_1359, %jit3A_1360 : i32
        %ne3A_1378 = arith.constant 0 : i32
        %ne3A_1379 = arith.cmpi ne, %rem3A_1377, %ne3A_1378 : i32
        %and3A_1380 = arith.andi %ne3A_1376, %ne3A_1379 : i1
        %sub3A_1381 = arith.constant 1 : i32
        %sub3A_1382 = arith.subi %div3A_1361, %sub3A_1381 : i32
        %select_n3A_1383 = arith.select %and3A_1380, %sub3A_1382, %div3A_1361 : i32
        %jit3A_1384 = arith.constant 4 : i32
        %eq3A_1385 = arith.constant 0 : i32
        %eq3A_1386 = arith.cmpi eq, %jit3A_1384, %eq3A_1385 : i32
        %jit3A_1387 = arith.constant 1 : i32
        %select_n3A_1388 = arith.select %eq3A_1386, %jit3A_1387, %jit3A_1384 : i32
        %rem3A_1389 = arith.remsi %add3A_1359, %select_n3A_1388 : i32
        %ne3A_1390 = arith.constant 0 : i32
        %ne3A_1391 = arith.cmpi ne, %rem3A_1389, %ne3A_1390 : i32
        %lt3A_1392 = arith.constant 0 : i32
        %lt3A_1393 = arith.cmpi slt, %rem3A_1389, %lt3A_1392 : i32
        %lt3A_1394 = arith.constant 0 : i32
        %lt3A_1395 = arith.cmpi slt, %select_n3A_1388, %lt3A_1394 : i32
        %ne3A_1396 = arith.xori %lt3A_1393, %lt3A_1395 : i1
        %and3A_1397 = arith.andi %ne3A_1396, %ne3A_1391 : i1
        %add3A_1398 = arith.addi %rem3A_1389, %select_n3A_1388 : i32
        %select_n3A_1399 = arith.select %and3A_1397, %add3A_1398, %rem3A_1389 : i32
        %mul3A_1400 = arith.constant 128 : i32
        %mul3A_1401 = arith.muli %select_n3A_1399, %mul3A_1400 : i32
        %dma_start3A_1402 = tpu.memref_slice %arg5[%select_n3A_1383, %mul3A_1401] : memref<26x512xi32, #tpu.memory_space<vmem>> -> memref<1x128xi32, #tpu.memory_space<vmem>>
        %dma_start3A_1403 = tpu.memref_squeeze %dma_start3A_1402 : memref<1x128xi32, #tpu.memory_space<vmem>> -> memref<128xi32, #tpu.memory_space<vmem>>
        %dma_start3A_1404 = arith.constant 0 : i32
        %dma_start3A_1405 = arith.constant 0 : i32
        %dma_start3A_1406 = tpu.memref_slice %arg3[%dma_start3A_1404, %dma_start3A_1405] : memref<1000000x64xf32, #tpu.memory_space<hbm>> -> memref<1000000x64xf32, #tpu.memory_space<hbm>>
        tpu.enqueue_indirect_dma source(%dma_start3A_1406 : memref<1000000x64xf32, #tpu.memory_space<hbm>>) target(%arg6 : memref<128x64xf32, #tpu.memory_space<vmem>>) offsets(%dma_start3A_1403 : memref<128xi32, #tpu.memory_space<vmem>>) semaphore(%arg14 : memref<!tpu.dma_semaphore, #tpu.memory_space<semaphore_mem>>)
      } else {
      }
      %mul3A_782 = arith.constant 4 : i32
      %mul3A_783 = arith.muli %scan3A_602, %mul3A_782 : i32
      %add3A_784 = arith.constant 1 : i32
      %add3A_785 = arith.addi %mul3A_783, %add3A_784 : i32
      %jit3A_786 = arith.constant 4 : i32
      %div3A_787 = arith.divsi %add3A_785, %jit3A_786 : i32
      %sign3A_788 = arith.constant 0 : i32
      %sign3A_789 = arith.cmpi sgt, %add3A_785, %sign3A_788 : i32
      %sign3A_790 = arith.extui %sign3A_789 : i1 to i32
      %sign3A_791 = arith.constant 0 : i32
      %sign3A_792 = arith.cmpi slt, %add3A_785, %sign3A_791 : i32
      %sign3A_793 = arith.extui %sign3A_792 : i1 to i32
      %sign3A_794 = arith.subi %sign3A_790, %sign3A_793 : i32
      %sign3A_795 = arith.constant 0 : i32
      %sign3A_796 = arith.cmpi sgt, %jit3A_786, %sign3A_795 : i32
      %sign3A_797 = arith.extui %sign3A_796 : i1 to i32
      %sign3A_798 = arith.constant 0 : i32
      %sign3A_799 = arith.cmpi slt, %jit3A_786, %sign3A_798 : i32
      %sign3A_800 = arith.extui %sign3A_799 : i1 to i32
      %sign3A_801 = arith.subi %sign3A_797, %sign3A_800 : i32
      %ne3A_802 = arith.cmpi ne, %sign3A_794, %sign3A_801 : i32
      %rem3A_803 = arith.remsi %add3A_785, %jit3A_786 : i32
      %ne3A_804 = arith.constant 0 : i32
      %ne3A_805 = arith.cmpi ne, %rem3A_803, %ne3A_804 : i32
      %and3A_806 = arith.andi %ne3A_802, %ne3A_805 : i1
      %sub3A_807 = arith.constant 1 : i32
      %sub3A_808 = arith.subi %div3A_787, %sub3A_807 : i32
      %select_n3A_809 = arith.select %and3A_806, %sub3A_808, %div3A_787 : i32
      %jit3A_810 = arith.constant 4 : i32
      %eq3A_811 = arith.constant 0 : i32
      %eq3A_812 = arith.cmpi eq, %jit3A_810, %eq3A_811 : i32
      %jit3A_813 = arith.constant 1 : i32
      %select_n3A_814 = arith.select %eq3A_812, %jit3A_813, %jit3A_810 : i32
      %rem3A_815 = arith.remsi %add3A_785, %select_n3A_814 : i32
      %ne3A_816 = arith.constant 0 : i32
      %ne3A_817 = arith.cmpi ne, %rem3A_815, %ne3A_816 : i32
      %lt3A_818 = arith.constant 0 : i32
      %lt3A_819 = arith.cmpi slt, %rem3A_815, %lt3A_818 : i32
      %lt3A_820 = arith.constant 0 : i32
      %lt3A_821 = arith.cmpi slt, %select_n3A_814, %lt3A_820 : i32
      %ne3A_822 = arith.xori %lt3A_819, %lt3A_821 : i1
      %and3A_823 = arith.andi %ne3A_822, %ne3A_817 : i1
      %add3A_824 = arith.addi %rem3A_815, %select_n3A_814 : i32
      %select_n3A_825 = arith.select %and3A_823, %add3A_824, %rem3A_815 : i32
      %mul3A_826 = arith.constant 4 : i32
      %mul3A_827 = arith.muli %add3A, %mul3A_826 : i32
      %add3A_828 = arith.addi %mul3A_827, %select_n3A_825 : i32
      %dma_wait3A_829 = arith.constant 0 : i32
      %dma_wait3A_830 = arith.constant 0 : i32
      %dma_wait3A_831 = tpu.memref_slice %arg5[%dma_wait3A_829, %dma_wait3A_830] : memref<26x512xi32, #tpu.memory_space<vmem>> -> memref<1x128xi32, #tpu.memory_space<vmem>>
      %dma_wait3A_832 = tpu.memref_squeeze %dma_wait3A_831 : memref<1x128xi32, #tpu.memory_space<vmem>> -> memref<128xi32, #tpu.memory_space<vmem>>
      %dma_wait3A_833 = arith.constant 0 : i32
      %dma_wait3A_834 = arith.constant 0 : i32
      %dma_wait3A_835 = tpu.memref_slice %arg3[%dma_wait3A_833, %dma_wait3A_834] : memref<1000000x64xf32, #tpu.memory_space<hbm>> -> memref<1000000x64xf32, #tpu.memory_space<hbm>>
      tpu.wait_indirect_dma semaphore(%arg15 : memref<!tpu.dma_semaphore, #tpu.memory_space<semaphore_mem>>) src(%dma_wait3A_835 : memref<1000000x64xf32, #tpu.memory_space<hbm>>) dst(%arg7 : memref<128x64xf32, #tpu.memory_space<vmem>>)
      %ge3A_836 = arith.constant 4 : i32
      %ge3A_837 = arith.cmpi sge, %add3A_785, %ge3A_836 : i32
      %convert_element_type3A_838 = arith.extui %ge3A_837 : i1 to i32
      %cond3A_839 = arith.constant 0 : i32
      %cond3A_840 = arith.cmpi ne, %convert_element_type3A_838, %cond3A_839 : i32
      scf.if %cond3A_840 {
        %dma_wait3A_1358 = arith.constant 0 : i32
        %dma_wait3A_1359 = arith.constant 0 : i32
        %dma_wait3A_1360 = arith.constant 0 : i32
        %dma_wait3A_1361 = arith.constant 0 : i32
        %dma_wait3A_1362 = arith.constant 0 : i32
        %dma_wait3A_1363 = tpu.memref_slice %arg11[%dma_wait3A_1361, %dma_wait3A_1362] : memref<64x128xf32, #tpu.memory_space<vmem>> -> memref<8x128xf32, #tpu.memory_space<vmem>>
        %dma_wait3A_1364 = arith.constant 0 : i32
        %dma_wait3A_1365 = arith.constant 0 : i32
        %dma_wait3A_1366 = tpu.memref_slice %arg4[%dma_wait3A_1358, %dma_wait3A_1359, %dma_wait3A_1360, %dma_wait3A_1364, %dma_wait3A_1365] : memref<26x8x128x8x128xf32, #tpu.memory_space<hbm>> -> memref<1x1x1x8x128xf32, #tpu.memory_space<hbm>>
        %dma_wait3A_1367 = tpu.memref_squeeze %dma_wait3A_1366 : memref<1x1x1x8x128xf32, #tpu.memory_space<hbm>> -> memref<8x128xf32, #tpu.memory_space<hbm>>
        %dma_wait3A_1368 = arith.constant 0 : i32
        %dma_wait3A_1369 = arith.constant 0 : i32
        %dma_wait3A_1370 = tpu.memref_slice %arg4[%dma_wait3A_1358, %dma_wait3A_1359, %dma_wait3A_1360, %dma_wait3A_1368, %dma_wait3A_1369] : memref<26x8x128x8x128xf32, #tpu.memory_space<hbm>> -> memref<1x1x1x8x128xf32, #tpu.memory_space<hbm>>
        %dma_wait3A_1371 = tpu.memref_squeeze %dma_wait3A_1370 : memref<1x1x1x8x128xf32, #tpu.memory_space<hbm>> -> memref<8x128xf32, #tpu.memory_space<hbm>>
        %dma_wait3A_1372 = arith.constant 0 : i32
        %dma_wait3A_1373 = arith.constant 0 : i32
        %dma_wait3A_1374 = tpu.memref_slice %arg11[%dma_wait3A_1372, %dma_wait3A_1373] : memref<64x128xf32, #tpu.memory_space<vmem>> -> memref<8x128xf32, #tpu.memory_space<vmem>>
        tpu.wait_dma2 semaphore(%arg19 : memref<!tpu.dma_semaphore, #tpu.memory_space<semaphore_mem>>) src(%dma_wait3A_1374 : memref<8x128xf32, #tpu.memory_space<vmem>>) dst(%dma_wait3A_1371 : memref<8x128xf32, #tpu.memory_space<hbm>>)
        %dma_wait3A_1375 = arith.constant 0 : i32
        %dma_wait3A_1376 = arith.constant 0 : i32
        %dma_wait3A_1377 = arith.constant 0 : i32
        %dma_wait3A_1378 = arith.constant 8 : i32
        %dma_wait3A_1379 = arith.constant 0 : i32
        %dma_wait3A_1380 = tpu.memref_slice %arg11[%dma_wait3A_1378, %dma_wait3A_1379] : memref<64x128xf32, #tpu.memory_space<vmem>> -> memref<8x128xf32, #tpu.memory_space<vmem>>
        %dma_wait3A_1381 = arith.constant 0 : i32
        %dma_wait3A_1382 = arith.constant 0 : i32
        %dma_wait3A_1383 = tpu.memref_slice %arg4[%dma_wait3A_1375, %dma_wait3A_1376, %dma_wait3A_1377, %dma_wait3A_1381, %dma_wait3A_1382] : memref<26x8x128x8x128xf32, #tpu.memory_space<hbm>> -> memref<1x1x1x8x128xf32, #tpu.memory_space<hbm>>
        %dma_wait3A_1384 = tpu.memref_squeeze %dma_wait3A_1383 : memref<1x1x1x8x128xf32, #tpu.memory_space<hbm>> -> memref<8x128xf32, #tpu.memory_space<hbm>>
        %dma_wait3A_1385 = arith.constant 0 : i32
        %dma_wait3A_1386 = arith.constant 0 : i32
        %dma_wait3A_1387 = tpu.memref_slice %arg4[%dma_wait3A_1375, %dma_wait3A_1376, %dma_wait3A_1377, %dma_wait3A_1385, %dma_wait3A_1386] : memref<26x8x128x8x128xf32, #tpu.memory_space<hbm>> -> memref<1x1x1x8x128xf32, #tpu.memory_space<hbm>>
        %dma_wait3A_1388 = tpu.memref_squeeze %dma_wait3A_1387 : memref<1x1x1x8x128xf32, #tpu.memory_space<hbm>> -> memref<8x128xf32, #tpu.memory_space<hbm>>
        %dma_wait3A_1389 = arith.constant 8 : i32
        %dma_wait3A_1390 = arith.constant 0 : i32
        %dma_wait3A_1391 = tpu.memref_slice %arg11[%dma_wait3A_1389, %dma_wait3A_1390] : memref<64x128xf32, #tpu.memory_space<vmem>> -> memref<8x128xf32, #tpu.memory_space<vmem>>
        tpu.wait_dma2 semaphore(%arg19 : memref<!tpu.dma_semaphore, #tpu.memory_space<semaphore_mem>>) src(%dma_wait3A_1391 : memref<8x128xf32, #tpu.memory_space<vmem>>) dst(%dma_wait3A_1388 : memref<8x128xf32, #tpu.memory_space<hbm>>)
        %dma_wait3A_1392 = arith.constant 0 : i32
        %dma_wait3A_1393 = arith.constant 0 : i32
        %dma_wait3A_1394 = arith.constant 0 : i32
        %dma_wait3A_1395 = arith.constant 16 : i32
        %dma_wait3A_1396 = arith.constant 0 : i32
        %dma_wait3A_1397 = tpu.memref_slice %arg11[%dma_wait3A_1395, %dma_wait3A_1396] : memref<64x128xf32, #tpu.memory_space<vmem>> -> memref<8x128xf32, #tpu.memory_space<vmem>>
        %dma_wait3A_1398 = arith.constant 0 : i32
        %dma_wait3A_1399 = arith.constant 0 : i32
        %dma_wait3A_1400 = tpu.memref_slice %arg4[%dma_wait3A_1392, %dma_wait3A_1393, %dma_wait3A_1394, %dma_wait3A_1398, %dma_wait3A_1399] : memref<26x8x128x8x128xf32, #tpu.memory_space<hbm>> -> memref<1x1x1x8x128xf32, #tpu.memory_space<hbm>>
        %dma_wait3A_1401 = tpu.memref_squeeze %dma_wait3A_1400 : memref<1x1x1x8x128xf32, #tpu.memory_space<hbm>> -> memref<8x128xf32, #tpu.memory_space<hbm>>
        %dma_wait3A_1402 = arith.constant 0 : i32
        %dma_wait3A_1403 = arith.constant 0 : i32
        %dma_wait3A_1404 = tpu.memref_slice %arg4[%dma_wait3A_1392, %dma_wait3A_1393, %dma_wait3A_1394, %dma_wait3A_1402, %dma_wait3A_1403] : memref<26x8x128x8x128xf32, #tpu.memory_space<hbm>> -> memref<1x1x1x8x128xf32, #tpu.memory_space<hbm>>
        %dma_wait3A_1405 = tpu.memref_squeeze %dma_wait3A_1404 : memref<1x1x1x8x128xf32, #tpu.memory_space<hbm>> -> memref<8x128xf32, #tpu.memory_space<hbm>>
        %dma_wait3A_1406 = arith.constant 16 : i32
        %dma_wait3A_1407 = arith.constant 0 : i32
        %dma_wait3A_1408 = tpu.memref_slice %arg11[%dma_wait3A_1406, %dma_wait3A_1407] : memref<64x128xf32, #tpu.memory_space<vmem>> -> memref<8x128xf32, #tpu.memory_space<vmem>>
        tpu.wait_dma2 semaphore(%arg19 : memref<!tpu.dma_semaphore, #tpu.memory_space<semaphore_mem>>) src(%dma_wait3A_1408 : memref<8x128xf32, #tpu.memory_space<vmem>>) dst(%dma_wait3A_1405 : memref<8x128xf32, #tpu.memory_space<hbm>>)
        %dma_wait3A_1409 = arith.constant 0 : i32
        %dma_wait3A_1410 = arith.constant 0 : i32
        %dma_wait3A_1411 = arith.constant 0 : i32
        %dma_wait3A_1412 = arith.constant 24 : i32
        %dma_wait3A_1413 = arith.constant 0 : i32
        %dma_wait3A_1414 = tpu.memref_slice %arg11[%dma_wait3A_1412, %dma_wait3A_1413] : memref<64x128xf32, #tpu.memory_space<vmem>> -> memref<8x128xf32, #tpu.memory_space<vmem>>
        %dma_wait3A_1415 = arith.constant 0 : i32
        %dma_wait3A_1416 = arith.constant 0 : i32
        %dma_wait3A_1417 = tpu.memref_slice %arg4[%dma_wait3A_1409, %dma_wait3A_1410, %dma_wait3A_1411, %dma_wait3A_1415, %dma_wait3A_1416] : memref<26x8x128x8x128xf32, #tpu.memory_space<hbm>> -> memref<1x1x1x8x128xf32, #tpu.memory_space<hbm>>
        %dma_wait3A_1418 = tpu.memref_squeeze %dma_wait3A_1417 : memref<1x1x1x8x128xf32, #tpu.memory_space<hbm>> -> memref<8x128xf32, #tpu.memory_space<hbm>>
        %dma_wait3A_1419 = arith.constant 0 : i32
        %dma_wait3A_1420 = arith.constant 0 : i32
        %dma_wait3A_1421 = tpu.memref_slice %arg4[%dma_wait3A_1409, %dma_wait3A_1410, %dma_wait3A_1411, %dma_wait3A_1419, %dma_wait3A_1420] : memref<26x8x128x8x128xf32, #tpu.memory_space<hbm>> -> memref<1x1x1x8x128xf32, #tpu.memory_space<hbm>>
        %dma_wait3A_1422 = tpu.memref_squeeze %dma_wait3A_1421 : memref<1x1x1x8x128xf32, #tpu.memory_space<hbm>> -> memref<8x128xf32, #tpu.memory_space<hbm>>
        %dma_wait3A_1423 = arith.constant 24 : i32
        %dma_wait3A_1424 = arith.constant 0 : i32
        %dma_wait3A_1425 = tpu.memref_slice %arg11[%dma_wait3A_1423, %dma_wait3A_1424] : memref<64x128xf32, #tpu.memory_space<vmem>> -> memref<8x128xf32, #tpu.memory_space<vmem>>
        tpu.wait_dma2 semaphore(%arg19 : memref<!tpu.dma_semaphore, #tpu.memory_space<semaphore_mem>>) src(%dma_wait3A_1425 : memref<8x128xf32, #tpu.memory_space<vmem>>) dst(%dma_wait3A_1422 : memref<8x128xf32, #tpu.memory_space<hbm>>)
        %dma_wait3A_1426 = arith.constant 0 : i32
        %dma_wait3A_1427 = arith.constant 0 : i32
        %dma_wait3A_1428 = arith.constant 0 : i32
        %dma_wait3A_1429 = arith.constant 32 : i32
        %dma_wait3A_1430 = arith.constant 0 : i32
        %dma_wait3A_1431 = tpu.memref_slice %arg11[%dma_wait3A_1429, %dma_wait3A_1430] : memref<64x128xf32, #tpu.memory_space<vmem>> -> memref<8x128xf32, #tpu.memory_space<vmem>>
        %dma_wait3A_1432 = arith.constant 0 : i32
        %dma_wait3A_1433 = arith.constant 0 : i32
        %dma_wait3A_1434 = tpu.memref_slice %arg4[%dma_wait3A_1426, %dma_wait3A_1427, %dma_wait3A_1428, %dma_wait3A_1432, %dma_wait3A_1433] : memref<26x8x128x8x128xf32, #tpu.memory_space<hbm>> -> memref<1x1x1x8x128xf32, #tpu.memory_space<hbm>>
        %dma_wait3A_1435 = tpu.memref_squeeze %dma_wait3A_1434 : memref<1x1x1x8x128xf32, #tpu.memory_space<hbm>> -> memref<8x128xf32, #tpu.memory_space<hbm>>
        %dma_wait3A_1436 = arith.constant 0 : i32
        %dma_wait3A_1437 = arith.constant 0 : i32
        %dma_wait3A_1438 = tpu.memref_slice %arg4[%dma_wait3A_1426, %dma_wait3A_1427, %dma_wait3A_1428, %dma_wait3A_1436, %dma_wait3A_1437] : memref<26x8x128x8x128xf32, #tpu.memory_space<hbm>> -> memref<1x1x1x8x128xf32, #tpu.memory_space<hbm>>
        %dma_wait3A_1439 = tpu.memref_squeeze %dma_wait3A_1438 : memref<1x1x1x8x128xf32, #tpu.memory_space<hbm>> -> memref<8x128xf32, #tpu.memory_space<hbm>>
        %dma_wait3A_1440 = arith.constant 32 : i32
        %dma_wait3A_1441 = arith.constant 0 : i32
        %dma_wait3A_1442 = tpu.memref_slice %arg11[%dma_wait3A_1440, %dma_wait3A_1441] : memref<64x128xf32, #tpu.memory_space<vmem>> -> memref<8x128xf32, #tpu.memory_space<vmem>>
        tpu.wait_dma2 semaphore(%arg19 : memref<!tpu.dma_semaphore, #tpu.memory_space<semaphore_mem>>) src(%dma_wait3A_1442 : memref<8x128xf32, #tpu.memory_space<vmem>>) dst(%dma_wait3A_1439 : memref<8x128xf32, #tpu.memory_space<hbm>>)
        %dma_wait3A_1443 = arith.constant 0 : i32
        %dma_wait3A_1444 = arith.constant 0 : i32
        %dma_wait3A_1445 = arith.constant 0 : i32
        %dma_wait3A_1446 = arith.constant 40 : i32
        %dma_wait3A_1447 = arith.constant 0 : i32
        %dma_wait3A_1448 = tpu.memref_slice %arg11[%dma_wait3A_1446, %dma_wait3A_1447] : memref<64x128xf32, #tpu.memory_space<vmem>> -> memref<8x128xf32, #tpu.memory_space<vmem>>
        %dma_wait3A_1449 = arith.constant 0 : i32
        %dma_wait3A_1450 = arith.constant 0 : i32
        %dma_wait3A_1451 = tpu.memref_slice %arg4[%dma_wait3A_1443, %dma_wait3A_1444, %dma_wait3A_1445, %dma_wait3A_1449, %dma_wait3A_1450] : memref<26x8x128x8x128xf32, #tpu.memory_space<hbm>> -> memref<1x1x1x8x128xf32, #tpu.memory_space<hbm>>
        %dma_wait3A_1452 = tpu.memref_squeeze %dma_wait3A_1451 : memref<1x1x1x8x128xf32, #tpu.memory_space<hbm>> -> memref<8x128xf32, #tpu.memory_space<hbm>>
        %dma_wait3A_1453 = arith.constant 0 : i32
        %dma_wait3A_1454 = arith.constant 0 : i32
        %dma_wait3A_1455 = tpu.memref_slice %arg4[%dma_wait3A_1443, %dma_wait3A_1444, %dma_wait3A_1445, %dma_wait3A_1453, %dma_wait3A_1454] : memref<26x8x128x8x128xf32, #tpu.memory_space<hbm>> -> memref<1x1x1x8x128xf32, #tpu.memory_space<hbm>>
        %dma_wait3A_1456 = tpu.memref_squeeze %dma_wait3A_1455 : memref<1x1x1x8x128xf32, #tpu.memory_space<hbm>> -> memref<8x128xf32, #tpu.memory_space<hbm>>
        %dma_wait3A_1457 = arith.constant 40 : i32
        %dma_wait3A_1458 = arith.constant 0 : i32
        %dma_wait3A_1459 = tpu.memref_slice %arg11[%dma_wait3A_1457, %dma_wait3A_1458] : memref<64x128xf32, #tpu.memory_space<vmem>> -> memref<8x128xf32, #tpu.memory_space<vmem>>
        tpu.wait_dma2 semaphore(%arg19 : memref<!tpu.dma_semaphore, #tpu.memory_space<semaphore_mem>>) src(%dma_wait3A_1459 : memref<8x128xf32, #tpu.memory_space<vmem>>) dst(%dma_wait3A_1456 : memref<8x128xf32, #tpu.memory_space<hbm>>)
        %dma_wait3A_1460 = arith.constant 0 : i32
        %dma_wait3A_1461 = arith.constant 0 : i32
        %dma_wait3A_1462 = arith.constant 0 : i32
        %dma_wait3A_1463 = arith.constant 48 : i32
        %dma_wait3A_1464 = arith.constant 0 : i32
        %dma_wait3A_1465 = tpu.memref_slice %arg11[%dma_wait3A_1463, %dma_wait3A_1464] : memref<64x128xf32, #tpu.memory_space<vmem>> -> memref<8x128xf32, #tpu.memory_space<vmem>>
        %dma_wait3A_1466 = arith.constant 0 : i32
        %dma_wait3A_1467 = arith.constant 0 : i32
        %dma_wait3A_1468 = tpu.memref_slice %arg4[%dma_wait3A_1460, %dma_wait3A_1461, %dma_wait3A_1462, %dma_wait3A_1466, %dma_wait3A_1467] : memref<26x8x128x8x128xf32, #tpu.memory_space<hbm>> -> memref<1x1x1x8x128xf32, #tpu.memory_space<hbm>>
        %dma_wait3A_1469 = tpu.memref_squeeze %dma_wait3A_1468 : memref<1x1x1x8x128xf32, #tpu.memory_space<hbm>> -> memref<8x128xf32, #tpu.memory_space<hbm>>
        %dma_wait3A_1470 = arith.constant 0 : i32
        %dma_wait3A_1471 = arith.constant 0 : i32
        %dma_wait3A_1472 = tpu.memref_slice %arg4[%dma_wait3A_1460, %dma_wait3A_1461, %dma_wait3A_1462, %dma_wait3A_1470, %dma_wait3A_1471] : memref<26x8x128x8x128xf32, #tpu.memory_space<hbm>> -> memref<1x1x1x8x128xf32, #tpu.memory_space<hbm>>
        %dma_wait3A_1473 = tpu.memref_squeeze %dma_wait3A_1472 : memref<1x1x1x8x128xf32, #tpu.memory_space<hbm>> -> memref<8x128xf32, #tpu.memory_space<hbm>>
        %dma_wait3A_1474 = arith.constant 48 : i32
        %dma_wait3A_1475 = arith.constant 0 : i32
        %dma_wait3A_1476 = tpu.memref_slice %arg11[%dma_wait3A_1474, %dma_wait3A_1475] : memref<64x128xf32, #tpu.memory_space<vmem>> -> memref<8x128xf32, #tpu.memory_space<vmem>>
        tpu.wait_dma2 semaphore(%arg19 : memref<!tpu.dma_semaphore, #tpu.memory_space<semaphore_mem>>) src(%dma_wait3A_1476 : memref<8x128xf32, #tpu.memory_space<vmem>>) dst(%dma_wait3A_1473 : memref<8x128xf32, #tpu.memory_space<hbm>>)
        %dma_wait3A_1477 = arith.constant 0 : i32
        %dma_wait3A_1478 = arith.constant 0 : i32
        %dma_wait3A_1479 = arith.constant 0 : i32
        %dma_wait3A_1480 = arith.constant 56 : i32
        %dma_wait3A_1481 = arith.constant 0 : i32
        %dma_wait3A_1482 = tpu.memref_slice %arg11[%dma_wait3A_1480, %dma_wait3A_1481] : memref<64x128xf32, #tpu.memory_space<vmem>> -> memref<8x128xf32, #tpu.memory_space<vmem>>
        %dma_wait3A_1483 = arith.constant 0 : i32
        %dma_wait3A_1484 = arith.constant 0 : i32
        %dma_wait3A_1485 = tpu.memref_slice %arg4[%dma_wait3A_1477, %dma_wait3A_1478, %dma_wait3A_1479, %dma_wait3A_1483, %dma_wait3A_1484] : memref<26x8x128x8x128xf32, #tpu.memory_space<hbm>> -> memref<1x1x1x8x128xf32, #tpu.memory_space<hbm>>
        %dma_wait3A_1486 = tpu.memref_squeeze %dma_wait3A_1485 : memref<1x1x1x8x128xf32, #tpu.memory_space<hbm>> -> memref<8x128xf32, #tpu.memory_space<hbm>>
        %dma_wait3A_1487 = arith.constant 0 : i32
        %dma_wait3A_1488 = arith.constant 0 : i32
        %dma_wait3A_1489 = tpu.memref_slice %arg4[%dma_wait3A_1477, %dma_wait3A_1478, %dma_wait3A_1479, %dma_wait3A_1487, %dma_wait3A_1488] : memref<26x8x128x8x128xf32, #tpu.memory_space<hbm>> -> memref<1x1x1x8x128xf32, #tpu.memory_space<hbm>>
        %dma_wait3A_1490 = tpu.memref_squeeze %dma_wait3A_1489 : memref<1x1x1x8x128xf32, #tpu.memory_space<hbm>> -> memref<8x128xf32, #tpu.memory_space<hbm>>
        %dma_wait3A_1491 = arith.constant 56 : i32
        %dma_wait3A_1492 = arith.constant 0 : i32
        %dma_wait3A_1493 = tpu.memref_slice %arg11[%dma_wait3A_1491, %dma_wait3A_1492] : memref<64x128xf32, #tpu.memory_space<vmem>> -> memref<8x128xf32, #tpu.memory_space<vmem>>
        tpu.wait_dma2 semaphore(%arg19 : memref<!tpu.dma_semaphore, #tpu.memory_space<semaphore_mem>>) src(%dma_wait3A_1493 : memref<8x128xf32, #tpu.memory_space<vmem>>) dst(%dma_wait3A_1490 : memref<8x128xf32, #tpu.memory_space<hbm>>)
      } else {
      }
      %scan3A_841 = arith.constant 0 : i32
      %scan3A_842 = arith.constant 0 : i32
      %scan3A_843 = arith.constant 64 : i32
      %scan3A_844 = arith.addi %scan3A_842, %scan3A_843 : i32
      %scan3A_845 = arith.constant 1 : i32
      scf.for %scan3A_1358 = %scan3A_842 to %scan3A_844 step %scan3A_845  : i32 {
        %broadcast_in_dim3A = vector.broadcast %scan3A_1358 : i32 to vector<16xi32>
        %gather3A = tpu.vector_load_idx %arg7[%add3A_32, %broadcast_in_dim3A] : memref<128x64xf32, #tpu.memory_space<vmem>>[vector<16xi32>, vector<16xi32>], vector<16xf32>,
        %swap3A = arith.index_cast %scan3A_1358 : i32 to index
        %swap3A_1359 = arith.constant 0 : index
        %swap3A_1360 = tpu.vector_load %arg11[%swap3A, %swap3A_1359] {strides = array<i32>} : memref<64x128xf32, #tpu.memory_space<vmem>>, vector<16xf32>,
        tpu.vector_store %arg11[%swap3A, %swap3A_1359], %gather3A {strides = array<i32>} : memref<64x128xf32, #tpu.memory_space<vmem>>, vector<16xf32>,
        %gather3A_1361 = tpu.vector_load_idx %arg7[%add3A_35, %broadcast_in_dim3A] : memref<128x64xf32, #tpu.memory_space<vmem>>[vector<16xi32>, vector<16xi32>], vector<16xf32>,
        %swap3A_1362 = arith.index_cast %scan3A_1358 : i32 to index
        %swap3A_1363 = arith.constant 16 : index
        %swap3A_1364 = tpu.vector_load %arg11[%swap3A_1362, %swap3A_1363] {strides = array<i32>} : memref<64x128xf32, #tpu.memory_space<vmem>>, vector<16xf32>,
        tpu.vector_store %arg11[%swap3A_1362, %swap3A_1363], %gather3A_1361 {strides = array<i32>} : memref<64x128xf32, #tpu.memory_space<vmem>>, vector<16xf32>,
        %gather3A_1365 = tpu.vector_load_idx %arg7[%add3A_38, %broadcast_in_dim3A] : memref<128x64xf32, #tpu.memory_space<vmem>>[vector<16xi32>, vector<16xi32>], vector<16xf32>,
        %swap3A_1366 = arith.index_cast %scan3A_1358 : i32 to index
        %swap3A_1367 = arith.constant 32 : index
        %swap3A_1368 = tpu.vector_load %arg11[%swap3A_1366, %swap3A_1367] {strides = array<i32>} : memref<64x128xf32, #tpu.memory_space<vmem>>, vector<16xf32>,
        tpu.vector_store %arg11[%swap3A_1366, %swap3A_1367], %gather3A_1365 {strides = array<i32>} : memref<64x128xf32, #tpu.memory_space<vmem>>, vector<16xf32>,
        %gather3A_1369 = tpu.vector_load_idx %arg7[%add3A_41, %broadcast_in_dim3A] : memref<128x64xf32, #tpu.memory_space<vmem>>[vector<16xi32>, vector<16xi32>], vector<16xf32>,
        %swap3A_1370 = arith.index_cast %scan3A_1358 : i32 to index
        %swap3A_1371 = arith.constant 48 : index
        %swap3A_1372 = tpu.vector_load %arg11[%swap3A_1370, %swap3A_1371] {strides = array<i32>} : memref<64x128xf32, #tpu.memory_space<vmem>>, vector<16xf32>,
        tpu.vector_store %arg11[%swap3A_1370, %swap3A_1371], %gather3A_1369 {strides = array<i32>} : memref<64x128xf32, #tpu.memory_space<vmem>>, vector<16xf32>,
        %gather3A_1373 = tpu.vector_load_idx %arg7[%add3A_44, %broadcast_in_dim3A] : memref<128x64xf32, #tpu.memory_space<vmem>>[vector<16xi32>, vector<16xi32>], vector<16xf32>,
        %swap3A_1374 = arith.index_cast %scan3A_1358 : i32 to index
        %swap3A_1375 = arith.constant 64 : index
        %swap3A_1376 = tpu.vector_load %arg11[%swap3A_1374, %swap3A_1375] {strides = array<i32>} : memref<64x128xf32, #tpu.memory_space<vmem>>, vector<16xf32>,
        tpu.vector_store %arg11[%swap3A_1374, %swap3A_1375], %gather3A_1373 {strides = array<i32>} : memref<64x128xf32, #tpu.memory_space<vmem>>, vector<16xf32>,
        %gather3A_1377 = tpu.vector_load_idx %arg7[%add3A_47, %broadcast_in_dim3A] : memref<128x64xf32, #tpu.memory_space<vmem>>[vector<16xi32>, vector<16xi32>], vector<16xf32>,
        %swap3A_1378 = arith.index_cast %scan3A_1358 : i32 to index
        %swap3A_1379 = arith.constant 80 : index
        %swap3A_1380 = tpu.vector_load %arg11[%swap3A_1378, %swap3A_1379] {strides = array<i32>} : memref<64x128xf32, #tpu.memory_space<vmem>>, vector<16xf32>,
        tpu.vector_store %arg11[%swap3A_1378, %swap3A_1379], %gather3A_1377 {strides = array<i32>} : memref<64x128xf32, #tpu.memory_space<vmem>>, vector<16xf32>,
        %gather3A_1381 = tpu.vector_load_idx %arg7[%add3A_50, %broadcast_in_dim3A] : memref<128x64xf32, #tpu.memory_space<vmem>>[vector<16xi32>, vector<16xi32>], vector<16xf32>,
        %swap3A_1382 = arith.index_cast %scan3A_1358 : i32 to index
        %swap3A_1383 = arith.constant 96 : index
        %swap3A_1384 = tpu.vector_load %arg11[%swap3A_1382, %swap3A_1383] {strides = array<i32>} : memref<64x128xf32, #tpu.memory_space<vmem>>, vector<16xf32>,
        tpu.vector_store %arg11[%swap3A_1382, %swap3A_1383], %gather3A_1381 {strides = array<i32>} : memref<64x128xf32, #tpu.memory_space<vmem>>, vector<16xf32>,
        %gather3A_1385 = tpu.vector_load_idx %arg7[%add3A_53, %broadcast_in_dim3A] : memref<128x64xf32, #tpu.memory_space<vmem>>[vector<16xi32>, vector<16xi32>], vector<16xf32>,
        %swap3A_1386 = arith.index_cast %scan3A_1358 : i32 to index
        %swap3A_1387 = arith.constant 112 : index
        %swap3A_1388 = tpu.vector_load %arg11[%swap3A_1386, %swap3A_1387] {strides = array<i32>} : memref<64x128xf32, #tpu.memory_space<vmem>>, vector<16xf32>,
        tpu.vector_store %arg11[%swap3A_1386, %swap3A_1387], %gather3A_1385 {strides = array<i32>} : memref<64x128xf32, #tpu.memory_space<vmem>>, vector<16xf32>,
      }
      %scan3A_846 = arith.constant 64 : i32
      %dma_start3A_847 = arith.constant 0 : i32
      %dma_start3A_848 = arith.constant 0 : i32
      %dma_start3A_849 = arith.constant 0 : i32
      %dma_start3A_850 = tpu.memref_slice %arg11[%dma_start3A_848, %dma_start3A_849] : memref<64x128xf32, #tpu.memory_space<vmem>> -> memref<8x128xf32, #tpu.memory_space<vmem>>
      %dma_start3A_851 = arith.constant 0 : i32
      %dma_start3A_852 = arith.constant 0 : i32
      %dma_start3A_853 = tpu.memref_slice %arg4[%select_n3A_809, %dma_start3A_847, %add3A_828, %dma_start3A_851, %dma_start3A_852] : memref<26x8x128x8x128xf32, #tpu.memory_space<hbm>> -> memref<1x1x1x8x128xf32, #tpu.memory_space<hbm>>
      %dma_start3A_854 = tpu.memref_squeeze %dma_start3A_853 : memref<1x1x1x8x128xf32, #tpu.memory_space<hbm>> -> memref<8x128xf32, #tpu.memory_space<hbm>>
      %dma_start3A_855 = arith.constant 0 : i32
      %dma_start3A_856 = arith.constant 0 : i32
      %dma_start3A_857 = tpu.memref_slice %arg4[%select_n3A_809, %dma_start3A_847, %add3A_828, %dma_start3A_855, %dma_start3A_856] : memref<26x8x128x8x128xf32, #tpu.memory_space<hbm>> -> memref<1x1x1x8x128xf32, #tpu.memory_space<hbm>>
      %dma_start3A_858 = tpu.memref_squeeze %dma_start3A_857 : memref<1x1x1x8x128xf32, #tpu.memory_space<hbm>> -> memref<8x128xf32, #tpu.memory_space<hbm>>
      %dma_start3A_859 = arith.constant 0 : i32
      %dma_start3A_860 = arith.constant 0 : i32
      %dma_start3A_861 = tpu.memref_slice %arg11[%dma_start3A_859, %dma_start3A_860] : memref<64x128xf32, #tpu.memory_space<vmem>> -> memref<8x128xf32, #tpu.memory_space<vmem>>
      tpu.enqueue_dma source(%dma_start3A_861 : memref<8x128xf32, #tpu.memory_space<vmem>>) target(%dma_start3A_858 : memref<8x128xf32, #tpu.memory_space<hbm>>) target_semaphore(%arg19 : memref<!tpu.dma_semaphore, #tpu.memory_space<semaphore_mem>>)
      %dma_start3A_862 = arith.constant 1 : i32
      %dma_start3A_863 = arith.constant 8 : i32
      %dma_start3A_864 = arith.constant 0 : i32
      %dma_start3A_865 = tpu.memref_slice %arg11[%dma_start3A_863, %dma_start3A_864] : memref<64x128xf32, #tpu.memory_space<vmem>> -> memref<8x128xf32, #tpu.memory_space<vmem>>
      %dma_start3A_866 = arith.constant 0 : i32
      %dma_start3A_867 = arith.constant 0 : i32
      %dma_start3A_868 = tpu.memref_slice %arg4[%select_n3A_809, %dma_start3A_862, %add3A_828, %dma_start3A_866, %dma_start3A_867] : memref<26x8x128x8x128xf32, #tpu.memory_space<hbm>> -> memref<1x1x1x8x128xf32, #tpu.memory_space<hbm>>
      %dma_start3A_869 = tpu.memref_squeeze %dma_start3A_868 : memref<1x1x1x8x128xf32, #tpu.memory_space<hbm>> -> memref<8x128xf32, #tpu.memory_space<hbm>>
      %dma_start3A_870 = arith.constant 0 : i32
      %dma_start3A_871 = arith.constant 0 : i32
      %dma_start3A_872 = tpu.memref_slice %arg4[%select_n3A_809, %dma_start3A_862, %add3A_828, %dma_start3A_870, %dma_start3A_871] : memref<26x8x128x8x128xf32, #tpu.memory_space<hbm>> -> memref<1x1x1x8x128xf32, #tpu.memory_space<hbm>>
      %dma_start3A_873 = tpu.memref_squeeze %dma_start3A_872 : memref<1x1x1x8x128xf32, #tpu.memory_space<hbm>> -> memref<8x128xf32, #tpu.memory_space<hbm>>
      %dma_start3A_874 = arith.constant 8 : i32
      %dma_start3A_875 = arith.constant 0 : i32
      %dma_start3A_876 = tpu.memref_slice %arg11[%dma_start3A_874, %dma_start3A_875] : memref<64x128xf32, #tpu.memory_space<vmem>> -> memref<8x128xf32, #tpu.memory_space<vmem>>
      tpu.enqueue_dma source(%dma_start3A_876 : memref<8x128xf32, #tpu.memory_space<vmem>>) target(%dma_start3A_873 : memref<8x128xf32, #tpu.memory_space<hbm>>) target_semaphore(%arg19 : memref<!tpu.dma_semaphore, #tpu.memory_space<semaphore_mem>>)
      %dma_start3A_877 = arith.constant 2 : i32
      %dma_start3A_878 = arith.constant 16 : i32
      %dma_start3A_879 = arith.constant 0 : i32
      %dma_start3A_880 = tpu.memref_slice %arg11[%dma_start3A_878, %dma_start3A_879] : memref<64x128xf32, #tpu.memory_space<vmem>> -> memref<8x128xf32, #tpu.memory_space<vmem>>
      %dma_start3A_881 = arith.constant 0 : i32
      %dma_start3A_882 = arith.constant 0 : i32
      %dma_start3A_883 = tpu.memref_slice %arg4[%select_n3A_809, %dma_start3A_877, %add3A_828, %dma_start3A_881, %dma_start3A_882] : memref<26x8x128x8x128xf32, #tpu.memory_space<hbm>> -> memref<1x1x1x8x128xf32, #tpu.memory_space<hbm>>
      %dma_start3A_884 = tpu.memref_squeeze %dma_start3A_883 : memref<1x1x1x8x128xf32, #tpu.memory_space<hbm>> -> memref<8x128xf32, #tpu.memory_space<hbm>>
      %dma_start3A_885 = arith.constant 0 : i32
      %dma_start3A_886 = arith.constant 0 : i32
      %dma_start3A_887 = tpu.memref_slice %arg4[%select_n3A_809, %dma_start3A_877, %add3A_828, %dma_start3A_885, %dma_start3A_886] : memref<26x8x128x8x128xf32, #tpu.memory_space<hbm>> -> memref<1x1x1x8x128xf32, #tpu.memory_space<hbm>>
      %dma_start3A_888 = tpu.memref_squeeze %dma_start3A_887 : memref<1x1x1x8x128xf32, #tpu.memory_space<hbm>> -> memref<8x128xf32, #tpu.memory_space<hbm>>
      %dma_start3A_889 = arith.constant 16 : i32
      %dma_start3A_890 = arith.constant 0 : i32
      %dma_start3A_891 = tpu.memref_slice %arg11[%dma_start3A_889, %dma_start3A_890] : memref<64x128xf32, #tpu.memory_space<vmem>> -> memref<8x128xf32, #tpu.memory_space<vmem>>
      tpu.enqueue_dma source(%dma_start3A_891 : memref<8x128xf32, #tpu.memory_space<vmem>>) target(%dma_start3A_888 : memref<8x128xf32, #tpu.memory_space<hbm>>) target_semaphore(%arg19 : memref<!tpu.dma_semaphore, #tpu.memory_space<semaphore_mem>>)
      %dma_start3A_892 = arith.constant 3 : i32
      %dma_start3A_893 = arith.constant 24 : i32
      %dma_start3A_894 = arith.constant 0 : i32
      %dma_start3A_895 = tpu.memref_slice %arg11[%dma_start3A_893, %dma_start3A_894] : memref<64x128xf32, #tpu.memory_space<vmem>> -> memref<8x128xf32, #tpu.memory_space<vmem>>
      %dma_start3A_896 = arith.constant 0 : i32
      %dma_start3A_897 = arith.constant 0 : i32
      %dma_start3A_898 = tpu.memref_slice %arg4[%select_n3A_809, %dma_start3A_892, %add3A_828, %dma_start3A_896, %dma_start3A_897] : memref<26x8x128x8x128xf32, #tpu.memory_space<hbm>> -> memref<1x1x1x8x128xf32, #tpu.memory_space<hbm>>
      %dma_start3A_899 = tpu.memref_squeeze %dma_start3A_898 : memref<1x1x1x8x128xf32, #tpu.memory_space<hbm>> -> memref<8x128xf32, #tpu.memory_space<hbm>>
      %dma_start3A_900 = arith.constant 0 : i32
      %dma_start3A_901 = arith.constant 0 : i32
      %dma_start3A_902 = tpu.memref_slice %arg4[%select_n3A_809, %dma_start3A_892, %add3A_828, %dma_start3A_900, %dma_start3A_901] : memref<26x8x128x8x128xf32, #tpu.memory_space<hbm>> -> memref<1x1x1x8x128xf32, #tpu.memory_space<hbm>>
      %dma_start3A_903 = tpu.memref_squeeze %dma_start3A_902 : memref<1x1x1x8x128xf32, #tpu.memory_space<hbm>> -> memref<8x128xf32, #tpu.memory_space<hbm>>
      %dma_start3A_904 = arith.constant 24 : i32
      %dma_start3A_905 = arith.constant 0 : i32
      %dma_start3A_906 = tpu.memref_slice %arg11[%dma_start3A_904, %dma_start3A_905] : memref<64x128xf32, #tpu.memory_space<vmem>> -> memref<8x128xf32, #tpu.memory_space<vmem>>
      tpu.enqueue_dma source(%dma_start3A_906 : memref<8x128xf32, #tpu.memory_space<vmem>>) target(%dma_start3A_903 : memref<8x128xf32, #tpu.memory_space<hbm>>) target_semaphore(%arg19 : memref<!tpu.dma_semaphore, #tpu.memory_space<semaphore_mem>>)
      %dma_start3A_907 = arith.constant 4 : i32
      %dma_start3A_908 = arith.constant 32 : i32
      %dma_start3A_909 = arith.constant 0 : i32
      %dma_start3A_910 = tpu.memref_slice %arg11[%dma_start3A_908, %dma_start3A_909] : memref<64x128xf32, #tpu.memory_space<vmem>> -> memref<8x128xf32, #tpu.memory_space<vmem>>
      %dma_start3A_911 = arith.constant 0 : i32
      %dma_start3A_912 = arith.constant 0 : i32
      %dma_start3A_913 = tpu.memref_slice %arg4[%select_n3A_809, %dma_start3A_907, %add3A_828, %dma_start3A_911, %dma_start3A_912] : memref<26x8x128x8x128xf32, #tpu.memory_space<hbm>> -> memref<1x1x1x8x128xf32, #tpu.memory_space<hbm>>
      %dma_start3A_914 = tpu.memref_squeeze %dma_start3A_913 : memref<1x1x1x8x128xf32, #tpu.memory_space<hbm>> -> memref<8x128xf32, #tpu.memory_space<hbm>>
      %dma_start3A_915 = arith.constant 0 : i32
      %dma_start3A_916 = arith.constant 0 : i32
      %dma_start3A_917 = tpu.memref_slice %arg4[%select_n3A_809, %dma_start3A_907, %add3A_828, %dma_start3A_915, %dma_start3A_916] : memref<26x8x128x8x128xf32, #tpu.memory_space<hbm>> -> memref<1x1x1x8x128xf32, #tpu.memory_space<hbm>>
      %dma_start3A_918 = tpu.memref_squeeze %dma_start3A_917 : memref<1x1x1x8x128xf32, #tpu.memory_space<hbm>> -> memref<8x128xf32, #tpu.memory_space<hbm>>
      %dma_start3A_919 = arith.constant 32 : i32
      %dma_start3A_920 = arith.constant 0 : i32
      %dma_start3A_921 = tpu.memref_slice %arg11[%dma_start3A_919, %dma_start3A_920] : memref<64x128xf32, #tpu.memory_space<vmem>> -> memref<8x128xf32, #tpu.memory_space<vmem>>
      tpu.enqueue_dma source(%dma_start3A_921 : memref<8x128xf32, #tpu.memory_space<vmem>>) target(%dma_start3A_918 : memref<8x128xf32, #tpu.memory_space<hbm>>) target_semaphore(%arg19 : memref<!tpu.dma_semaphore, #tpu.memory_space<semaphore_mem>>)
      %dma_start3A_922 = arith.constant 5 : i32
      %dma_start3A_923 = arith.constant 40 : i32
      %dma_start3A_924 = arith.constant 0 : i32
      %dma_start3A_925 = tpu.memref_slice %arg11[%dma_start3A_923, %dma_start3A_924] : memref<64x128xf32, #tpu.memory_space<vmem>> -> memref<8x128xf32, #tpu.memory_space<vmem>>
      %dma_start3A_926 = arith.constant 0 : i32
      %dma_start3A_927 = arith.constant 0 : i32
      %dma_start3A_928 = tpu.memref_slice %arg4[%select_n3A_809, %dma_start3A_922, %add3A_828, %dma_start3A_926, %dma_start3A_927] : memref<26x8x128x8x128xf32, #tpu.memory_space<hbm>> -> memref<1x1x1x8x128xf32, #tpu.memory_space<hbm>>
      %dma_start3A_929 = tpu.memref_squeeze %dma_start3A_928 : memref<1x1x1x8x128xf32, #tpu.memory_space<hbm>> -> memref<8x128xf32, #tpu.memory_space<hbm>>
      %dma_start3A_930 = arith.constant 0 : i32
      %dma_start3A_931 = arith.constant 0 : i32
      %dma_start3A_932 = tpu.memref_slice %arg4[%select_n3A_809, %dma_start3A_922, %add3A_828, %dma_start3A_930, %dma_start3A_931] : memref<26x8x128x8x128xf32, #tpu.memory_space<hbm>> -> memref<1x1x1x8x128xf32, #tpu.memory_space<hbm>>
      %dma_start3A_933 = tpu.memref_squeeze %dma_start3A_932 : memref<1x1x1x8x128xf32, #tpu.memory_space<hbm>> -> memref<8x128xf32, #tpu.memory_space<hbm>>
      %dma_start3A_934 = arith.constant 40 : i32
      %dma_start3A_935 = arith.constant 0 : i32
      %dma_start3A_936 = tpu.memref_slice %arg11[%dma_start3A_934, %dma_start3A_935] : memref<64x128xf32, #tpu.memory_space<vmem>> -> memref<8x128xf32, #tpu.memory_space<vmem>>
      tpu.enqueue_dma source(%dma_start3A_936 : memref<8x128xf32, #tpu.memory_space<vmem>>) target(%dma_start3A_933 : memref<8x128xf32, #tpu.memory_space<hbm>>) target_semaphore(%arg19 : memref<!tpu.dma_semaphore, #tpu.memory_space<semaphore_mem>>)
      %dma_start3A_937 = arith.constant 6 : i32
      %dma_start3A_938 = arith.constant 48 : i32
      %dma_start3A_939 = arith.constant 0 : i32
      %dma_start3A_940 = tpu.memref_slice %arg11[%dma_start3A_938, %dma_start3A_939] : memref<64x128xf32, #tpu.memory_space<vmem>> -> memref<8x128xf32, #tpu.memory_space<vmem>>
      %dma_start3A_941 = arith.constant 0 : i32
      %dma_start3A_942 = arith.constant 0 : i32
      %dma_start3A_943 = tpu.memref_slice %arg4[%select_n3A_809, %dma_start3A_937, %add3A_828, %dma_start3A_941, %dma_start3A_942] : memref<26x8x128x8x128xf32, #tpu.memory_space<hbm>> -> memref<1x1x1x8x128xf32, #tpu.memory_space<hbm>>
      %dma_start3A_944 = tpu.memref_squeeze %dma_start3A_943 : memref<1x1x1x8x128xf32, #tpu.memory_space<hbm>> -> memref<8x128xf32, #tpu.memory_space<hbm>>
      %dma_start3A_945 = arith.constant 0 : i32
      %dma_start3A_946 = arith.constant 0 : i32
      %dma_start3A_947 = tpu.memref_slice %arg4[%select_n3A_809, %dma_start3A_937, %add3A_828, %dma_start3A_945, %dma_start3A_946] : memref<26x8x128x8x128xf32, #tpu.memory_space<hbm>> -> memref<1x1x1x8x128xf32, #tpu.memory_space<hbm>>
      %dma_start3A_948 = tpu.memref_squeeze %dma_start3A_947 : memref<1x1x1x8x128xf32, #tpu.memory_space<hbm>> -> memref<8x128xf32, #tpu.memory_space<hbm>>
      %dma_start3A_949 = arith.constant 48 : i32
      %dma_start3A_950 = arith.constant 0 : i32
      %dma_start3A_951 = tpu.memref_slice %arg11[%dma_start3A_949, %dma_start3A_950] : memref<64x128xf32, #tpu.memory_space<vmem>> -> memref<8x128xf32, #tpu.memory_space<vmem>>
      tpu.enqueue_dma source(%dma_start3A_951 : memref<8x128xf32, #tpu.memory_space<vmem>>) target(%dma_start3A_948 : memref<8x128xf32, #tpu.memory_space<hbm>>) target_semaphore(%arg19 : memref<!tpu.dma_semaphore, #tpu.memory_space<semaphore_mem>>)
      %dma_start3A_952 = arith.constant 7 : i32
      %dma_start3A_953 = arith.constant 56 : i32
      %dma_start3A_954 = arith.constant 0 : i32
      %dma_start3A_955 = tpu.memref_slice %arg11[%dma_start3A_953, %dma_start3A_954] : memref<64x128xf32, #tpu.memory_space<vmem>> -> memref<8x128xf32, #tpu.memory_space<vmem>>
      %dma_start3A_956 = arith.constant 0 : i32
      %dma_start3A_957 = arith.constant 0 : i32
      %dma_start3A_958 = tpu.memref_slice %arg4[%select_n3A_809, %dma_start3A_952, %add3A_828, %dma_start3A_956, %dma_start3A_957] : memref<26x8x128x8x128xf32, #tpu.memory_space<hbm>> -> memref<1x1x1x8x128xf32, #tpu.memory_space<hbm>>
      %dma_start3A_959 = tpu.memref_squeeze %dma_start3A_958 : memref<1x1x1x8x128xf32, #tpu.memory_space<hbm>> -> memref<8x128xf32, #tpu.memory_space<hbm>>
      %dma_start3A_960 = arith.constant 0 : i32
      %dma_start3A_961 = arith.constant 0 : i32
      %dma_start3A_962 = tpu.memref_slice %arg4[%select_n3A_809, %dma_start3A_952, %add3A_828, %dma_start3A_960, %dma_start3A_961] : memref<26x8x128x8x128xf32, #tpu.memory_space<hbm>> -> memref<1x1x1x8x128xf32, #tpu.memory_space<hbm>>
      %dma_start3A_963 = tpu.memref_squeeze %dma_start3A_962 : memref<1x1x1x8x128xf32, #tpu.memory_space<hbm>> -> memref<8x128xf32, #tpu.memory_space<hbm>>
      %dma_start3A_964 = arith.constant 56 : i32
      %dma_start3A_965 = arith.constant 0 : i32
      %dma_start3A_966 = tpu.memref_slice %arg11[%dma_start3A_964, %dma_start3A_965] : memref<64x128xf32, #tpu.memory_space<vmem>> -> memref<8x128xf32, #tpu.memory_space<vmem>>
      tpu.enqueue_dma source(%dma_start3A_966 : memref<8x128xf32, #tpu.memory_space<vmem>>) target(%dma_start3A_963 : memref<8x128xf32, #tpu.memory_space<hbm>>) target_semaphore(%arg19 : memref<!tpu.dma_semaphore, #tpu.memory_space<semaphore_mem>>)
      %add3A_967 = arith.constant 4 : i32
      %add3A_968 = arith.addi %add3A_785, %add3A_967 : i32
      %lt3A_969 = arith.constant 104 : i32
      %lt3A_970 = arith.cmpi slt, %add3A_968, %lt3A_969 : i32
      %convert_element_type3A_971 = arith.extui %lt3A_970 : i1 to i32
      %cond3A_972 = arith.constant 0 : i32
      %cond3A_973 = arith.cmpi ne, %convert_element_type3A_971, %cond3A_972 : i32
      scf.if %cond3A_973 {
        %add3A_1358 = arith.constant 4 : i32
        %add3A_1359 = arith.addi %add3A_785, %add3A_1358 : i32
        %jit3A_1360 = arith.constant 4 : i32
        %div3A_1361 = arith.divsi %add3A_1359, %jit3A_1360 : i32
        %sign3A_1362 = arith.constant 0 : i32
        %sign3A_1363 = arith.cmpi sgt, %add3A_1359, %sign3A_1362 : i32
        %sign3A_1364 = arith.extui %sign3A_1363 : i1 to i32
        %sign3A_1365 = arith.constant 0 : i32
        %sign3A_1366 = arith.cmpi slt, %add3A_1359, %sign3A_1365 : i32
        %sign3A_1367 = arith.extui %sign3A_1366 : i1 to i32
        %sign3A_1368 = arith.subi %sign3A_1364, %sign3A_1367 : i32
        %sign3A_1369 = arith.constant 0 : i32
        %sign3A_1370 = arith.cmpi sgt, %jit3A_1360, %sign3A_1369 : i32
        %sign3A_1371 = arith.extui %sign3A_1370 : i1 to i32
        %sign3A_1372 = arith.constant 0 : i32
        %sign3A_1373 = arith.cmpi slt, %jit3A_1360, %sign3A_1372 : i32
        %sign3A_1374 = arith.extui %sign3A_1373 : i1 to i32
        %sign3A_1375 = arith.subi %sign3A_1371, %sign3A_1374 : i32
        %ne3A_1376 = arith.cmpi ne, %sign3A_1368, %sign3A_1375 : i32
        %rem3A_1377 = arith.remsi %add3A_1359, %jit3A_1360 : i32
        %ne3A_1378 = arith.constant 0 : i32
        %ne3A_1379 = arith.cmpi ne, %rem3A_1377, %ne3A_1378 : i32
        %and3A_1380 = arith.andi %ne3A_1376, %ne3A_1379 : i1
        %sub3A_1381 = arith.constant 1 : i32
        %sub3A_1382 = arith.subi %div3A_1361, %sub3A_1381 : i32
        %select_n3A_1383 = arith.select %and3A_1380, %sub3A_1382, %div3A_1361 : i32
        %jit3A_1384 = arith.constant 4 : i32
        %eq3A_1385 = arith.constant 0 : i32
        %eq3A_1386 = arith.cmpi eq, %jit3A_1384, %eq3A_1385 : i32
        %jit3A_1387 = arith.constant 1 : i32
        %select_n3A_1388 = arith.select %eq3A_1386, %jit3A_1387, %jit3A_1384 : i32
        %rem3A_1389 = arith.remsi %add3A_1359, %select_n3A_1388 : i32
        %ne3A_1390 = arith.constant 0 : i32
        %ne3A_1391 = arith.cmpi ne, %rem3A_1389, %ne3A_1390 : i32
        %lt3A_1392 = arith.constant 0 : i32
        %lt3A_1393 = arith.cmpi slt, %rem3A_1389, %lt3A_1392 : i32
        %lt3A_1394 = arith.constant 0 : i32
        %lt3A_1395 = arith.cmpi slt, %select_n3A_1388, %lt3A_1394 : i32
        %ne3A_1396 = arith.xori %lt3A_1393, %lt3A_1395 : i1
        %and3A_1397 = arith.andi %ne3A_1396, %ne3A_1391 : i1
        %add3A_1398 = arith.addi %rem3A_1389, %select_n3A_1388 : i32
        %select_n3A_1399 = arith.select %and3A_1397, %add3A_1398, %rem3A_1389 : i32
        %mul3A_1400 = arith.constant 128 : i32
        %mul3A_1401 = arith.muli %select_n3A_1399, %mul3A_1400 : i32
        %dma_start3A_1402 = tpu.memref_slice %arg5[%select_n3A_1383, %mul3A_1401] : memref<26x512xi32, #tpu.memory_space<vmem>> -> memref<1x128xi32, #tpu.memory_space<vmem>>
        %dma_start3A_1403 = tpu.memref_squeeze %dma_start3A_1402 : memref<1x128xi32, #tpu.memory_space<vmem>> -> memref<128xi32, #tpu.memory_space<vmem>>
        %dma_start3A_1404 = arith.constant 0 : i32
        %dma_start3A_1405 = arith.constant 0 : i32
        %dma_start3A_1406 = tpu.memref_slice %arg3[%dma_start3A_1404, %dma_start3A_1405] : memref<1000000x64xf32, #tpu.memory_space<hbm>> -> memref<1000000x64xf32, #tpu.memory_space<hbm>>
        tpu.enqueue_indirect_dma source(%dma_start3A_1406 : memref<1000000x64xf32, #tpu.memory_space<hbm>>) target(%arg7 : memref<128x64xf32, #tpu.memory_space<vmem>>) offsets(%dma_start3A_1403 : memref<128xi32, #tpu.memory_space<vmem>>) semaphore(%arg15 : memref<!tpu.dma_semaphore, #tpu.memory_space<semaphore_mem>>)
      } else {
      }
      %mul3A_974 = arith.constant 4 : i32
      %mul3A_975 = arith.muli %scan3A_602, %mul3A_974 : i32
      %add3A_976 = arith.constant 2 : i32
      %add3A_977 = arith.addi %mul3A_975, %add3A_976 : i32
      %jit3A_978 = arith.constant 4 : i32
      %div3A_979 = arith.divsi %add3A_977, %jit3A_978 : i32
      %sign3A_980 = arith.constant 0 : i32
      %sign3A_981 = arith.cmpi sgt, %add3A_977, %sign3A_980 : i32
      %sign3A_982 = arith.extui %sign3A_981 : i1 to i32
      %sign3A_983 = arith.constant 0 : i32
      %sign3A_984 = arith.cmpi slt, %add3A_977, %sign3A_983 : i32
      %sign3A_985 = arith.extui %sign3A_984 : i1 to i32
      %sign3A_986 = arith.subi %sign3A_982, %sign3A_985 : i32
      %sign3A_987 = arith.constant 0 : i32
      %sign3A_988 = arith.cmpi sgt, %jit3A_978, %sign3A_987 : i32
      %sign3A_989 = arith.extui %sign3A_988 : i1 to i32
      %sign3A_990 = arith.constant 0 : i32
      %sign3A_991 = arith.cmpi slt, %jit3A_978, %sign3A_990 : i32
      %sign3A_992 = arith.extui %sign3A_991 : i1 to i32
      %sign3A_993 = arith.subi %sign3A_989, %sign3A_992 : i32
      %ne3A_994 = arith.cmpi ne, %sign3A_986, %sign3A_993 : i32
      %rem3A_995 = arith.remsi %add3A_977, %jit3A_978 : i32
      %ne3A_996 = arith.constant 0 : i32
      %ne3A_997 = arith.cmpi ne, %rem3A_995, %ne3A_996 : i32
      %and3A_998 = arith.andi %ne3A_994, %ne3A_997 : i1
      %sub3A_999 = arith.constant 1 : i32
      %sub3A_1000 = arith.subi %div3A_979, %sub3A_999 : i32
      %select_n3A_1001 = arith.select %and3A_998, %sub3A_1000, %div3A_979 : i32
      %jit3A_1002 = arith.constant 4 : i32
      %eq3A_1003 = arith.constant 0 : i32
      %eq3A_1004 = arith.cmpi eq, %jit3A_1002, %eq3A_1003 : i32
      %jit3A_1005 = arith.constant 1 : i32
      %select_n3A_1006 = arith.select %eq3A_1004, %jit3A_1005, %jit3A_1002 : i32
      %rem3A_1007 = arith.remsi %add3A_977, %select_n3A_1006 : i32
      %ne3A_1008 = arith.constant 0 : i32
      %ne3A_1009 = arith.cmpi ne, %rem3A_1007, %ne3A_1008 : i32
      %lt3A_1010 = arith.constant 0 : i32
      %lt3A_1011 = arith.cmpi slt, %rem3A_1007, %lt3A_1010 : i32
      %lt3A_1012 = arith.constant 0 : i32
      %lt3A_1013 = arith.cmpi slt, %select_n3A_1006, %lt3A_1012 : i32
      %ne3A_1014 = arith.xori %lt3A_1011, %lt3A_1013 : i1
      %and3A_1015 = arith.andi %ne3A_1014, %ne3A_1009 : i1
      %add3A_1016 = arith.addi %rem3A_1007, %select_n3A_1006 : i32
      %select_n3A_1017 = arith.select %and3A_1015, %add3A_1016, %rem3A_1007 : i32
      %mul3A_1018 = arith.constant 4 : i32
      %mul3A_1019 = arith.muli %add3A, %mul3A_1018 : i32
      %add3A_1020 = arith.addi %mul3A_1019, %select_n3A_1017 : i32
      %dma_wait3A_1021 = arith.constant 0 : i32
      %dma_wait3A_1022 = arith.constant 0 : i32
      %dma_wait3A_1023 = tpu.memref_slice %arg5[%dma_wait3A_1021, %dma_wait3A_1022] : memref<26x512xi32, #tpu.memory_space<vmem>> -> memref<1x128xi32, #tpu.memory_space<vmem>>
      %dma_wait3A_1024 = tpu.memref_squeeze %dma_wait3A_1023 : memref<1x128xi32, #tpu.memory_space<vmem>> -> memref<128xi32, #tpu.memory_space<vmem>>
      %dma_wait3A_1025 = arith.constant 0 : i32
      %dma_wait3A_1026 = arith.constant 0 : i32
      %dma_wait3A_1027 = tpu.memref_slice %arg3[%dma_wait3A_1025, %dma_wait3A_1026] : memref<1000000x64xf32, #tpu.memory_space<hbm>> -> memref<1000000x64xf32, #tpu.memory_space<hbm>>
      tpu.wait_indirect_dma semaphore(%arg16 : memref<!tpu.dma_semaphore, #tpu.memory_space<semaphore_mem>>) src(%dma_wait3A_1027 : memref<1000000x64xf32, #tpu.memory_space<hbm>>) dst(%arg8 : memref<128x64xf32, #tpu.memory_space<vmem>>)
      %ge3A_1028 = arith.constant 4 : i32
      %ge3A_1029 = arith.cmpi sge, %add3A_977, %ge3A_1028 : i32
      %convert_element_type3A_1030 = arith.extui %ge3A_1029 : i1 to i32
      %cond3A_1031 = arith.constant 0 : i32
      %cond3A_1032 = arith.cmpi ne, %convert_element_type3A_1030, %cond3A_1031 : i32
      scf.if %cond3A_1032 {
        %dma_wait3A_1358 = arith.constant 0 : i32
        %dma_wait3A_1359 = arith.constant 0 : i32
        %dma_wait3A_1360 = arith.constant 0 : i32
        %dma_wait3A_1361 = arith.constant 0 : i32
        %dma_wait3A_1362 = arith.constant 0 : i32
        %dma_wait3A_1363 = tpu.memref_slice %arg12[%dma_wait3A_1361, %dma_wait3A_1362] : memref<64x128xf32, #tpu.memory_space<vmem>> -> memref<8x128xf32, #tpu.memory_space<vmem>>
        %dma_wait3A_1364 = arith.constant 0 : i32
        %dma_wait3A_1365 = arith.constant 0 : i32
        %dma_wait3A_1366 = tpu.memref_slice %arg4[%dma_wait3A_1358, %dma_wait3A_1359, %dma_wait3A_1360, %dma_wait3A_1364, %dma_wait3A_1365] : memref<26x8x128x8x128xf32, #tpu.memory_space<hbm>> -> memref<1x1x1x8x128xf32, #tpu.memory_space<hbm>>
        %dma_wait3A_1367 = tpu.memref_squeeze %dma_wait3A_1366 : memref<1x1x1x8x128xf32, #tpu.memory_space<hbm>> -> memref<8x128xf32, #tpu.memory_space<hbm>>
        %dma_wait3A_1368 = arith.constant 0 : i32
        %dma_wait3A_1369 = arith.constant 0 : i32
        %dma_wait3A_1370 = tpu.memref_slice %arg4[%dma_wait3A_1358, %dma_wait3A_1359, %dma_wait3A_1360, %dma_wait3A_1368, %dma_wait3A_1369] : memref<26x8x128x8x128xf32, #tpu.memory_space<hbm>> -> memref<1x1x1x8x128xf32, #tpu.memory_space<hbm>>
        %dma_wait3A_1371 = tpu.memref_squeeze %dma_wait3A_1370 : memref<1x1x1x8x128xf32, #tpu.memory_space<hbm>> -> memref<8x128xf32, #tpu.memory_space<hbm>>
        %dma_wait3A_1372 = arith.constant 0 : i32
        %dma_wait3A_1373 = arith.constant 0 : i32
        %dma_wait3A_1374 = tpu.memref_slice %arg12[%dma_wait3A_1372, %dma_wait3A_1373] : memref<64x128xf32, #tpu.memory_space<vmem>> -> memref<8x128xf32, #tpu.memory_space<vmem>>
        tpu.wait_dma2 semaphore(%arg20 : memref<!tpu.dma_semaphore, #tpu.memory_space<semaphore_mem>>) src(%dma_wait3A_1374 : memref<8x128xf32, #tpu.memory_space<vmem>>) dst(%dma_wait3A_1371 : memref<8x128xf32, #tpu.memory_space<hbm>>)
        %dma_wait3A_1375 = arith.constant 0 : i32
        %dma_wait3A_1376 = arith.constant 0 : i32
        %dma_wait3A_1377 = arith.constant 0 : i32
        %dma_wait3A_1378 = arith.constant 8 : i32
        %dma_wait3A_1379 = arith.constant 0 : i32
        %dma_wait3A_1380 = tpu.memref_slice %arg12[%dma_wait3A_1378, %dma_wait3A_1379] : memref<64x128xf32, #tpu.memory_space<vmem>> -> memref<8x128xf32, #tpu.memory_space<vmem>>
        %dma_wait3A_1381 = arith.constant 0 : i32
        %dma_wait3A_1382 = arith.constant 0 : i32
        %dma_wait3A_1383 = tpu.memref_slice %arg4[%dma_wait3A_1375, %dma_wait3A_1376, %dma_wait3A_1377, %dma_wait3A_1381, %dma_wait3A_1382] : memref<26x8x128x8x128xf32, #tpu.memory_space<hbm>> -> memref<1x1x1x8x128xf32, #tpu.memory_space<hbm>>
        %dma_wait3A_1384 = tpu.memref_squeeze %dma_wait3A_1383 : memref<1x1x1x8x128xf32, #tpu.memory_space<hbm>> -> memref<8x128xf32, #tpu.memory_space<hbm>>
        %dma_wait3A_1385 = arith.constant 0 : i32
        %dma_wait3A_1386 = arith.constant 0 : i32
        %dma_wait3A_1387 = tpu.memref_slice %arg4[%dma_wait3A_1375, %dma_wait3A_1376, %dma_wait3A_1377, %dma_wait3A_1385, %dma_wait3A_1386] : memref<26x8x128x8x128xf32, #tpu.memory_space<hbm>> -> memref<1x1x1x8x128xf32, #tpu.memory_space<hbm>>
        %dma_wait3A_1388 = tpu.memref_squeeze %dma_wait3A_1387 : memref<1x1x1x8x128xf32, #tpu.memory_space<hbm>> -> memref<8x128xf32, #tpu.memory_space<hbm>>
        %dma_wait3A_1389 = arith.constant 8 : i32
        %dma_wait3A_1390 = arith.constant 0 : i32
        %dma_wait3A_1391 = tpu.memref_slice %arg12[%dma_wait3A_1389, %dma_wait3A_1390] : memref<64x128xf32, #tpu.memory_space<vmem>> -> memref<8x128xf32, #tpu.memory_space<vmem>>
        tpu.wait_dma2 semaphore(%arg20 : memref<!tpu.dma_semaphore, #tpu.memory_space<semaphore_mem>>) src(%dma_wait3A_1391 : memref<8x128xf32, #tpu.memory_space<vmem>>) dst(%dma_wait3A_1388 : memref<8x128xf32, #tpu.memory_space<hbm>>)
        %dma_wait3A_1392 = arith.constant 0 : i32
        %dma_wait3A_1393 = arith.constant 0 : i32
        %dma_wait3A_1394 = arith.constant 0 : i32
        %dma_wait3A_1395 = arith.constant 16 : i32
        %dma_wait3A_1396 = arith.constant 0 : i32
        %dma_wait3A_1397 = tpu.memref_slice %arg12[%dma_wait3A_1395, %dma_wait3A_1396] : memref<64x128xf32, #tpu.memory_space<vmem>> -> memref<8x128xf32, #tpu.memory_space<vmem>>
        %dma_wait3A_1398 = arith.constant 0 : i32
        %dma_wait3A_1399 = arith.constant 0 : i32
        %dma_wait3A_1400 = tpu.memref_slice %arg4[%dma_wait3A_1392, %dma_wait3A_1393, %dma_wait3A_1394, %dma_wait3A_1398, %dma_wait3A_1399] : memref<26x8x128x8x128xf32, #tpu.memory_space<hbm>> -> memref<1x1x1x8x128xf32, #tpu.memory_space<hbm>>
        %dma_wait3A_1401 = tpu.memref_squeeze %dma_wait3A_1400 : memref<1x1x1x8x128xf32, #tpu.memory_space<hbm>> -> memref<8x128xf32, #tpu.memory_space<hbm>>
        %dma_wait3A_1402 = arith.constant 0 : i32
        %dma_wait3A_1403 = arith.constant 0 : i32
        %dma_wait3A_1404 = tpu.memref_slice %arg4[%dma_wait3A_1392, %dma_wait3A_1393, %dma_wait3A_1394, %dma_wait3A_1402, %dma_wait3A_1403] : memref<26x8x128x8x128xf32, #tpu.memory_space<hbm>> -> memref<1x1x1x8x128xf32, #tpu.memory_space<hbm>>
        %dma_wait3A_1405 = tpu.memref_squeeze %dma_wait3A_1404 : memref<1x1x1x8x128xf32, #tpu.memory_space<hbm>> -> memref<8x128xf32, #tpu.memory_space<hbm>>
        %dma_wait3A_1406 = arith.constant 16 : i32
        %dma_wait3A_1407 = arith.constant 0 : i32
        %dma_wait3A_1408 = tpu.memref_slice %arg12[%dma_wait3A_1406, %dma_wait3A_1407] : memref<64x128xf32, #tpu.memory_space<vmem>> -> memref<8x128xf32, #tpu.memory_space<vmem>>
        tpu.wait_dma2 semaphore(%arg20 : memref<!tpu.dma_semaphore, #tpu.memory_space<semaphore_mem>>) src(%dma_wait3A_1408 : memref<8x128xf32, #tpu.memory_space<vmem>>) dst(%dma_wait3A_1405 : memref<8x128xf32, #tpu.memory_space<hbm>>)
        %dma_wait3A_1409 = arith.constant 0 : i32
        %dma_wait3A_1410 = arith.constant 0 : i32
        %dma_wait3A_1411 = arith.constant 0 : i32
        %dma_wait3A_1412 = arith.constant 24 : i32
        %dma_wait3A_1413 = arith.constant 0 : i32
        %dma_wait3A_1414 = tpu.memref_slice %arg12[%dma_wait3A_1412, %dma_wait3A_1413] : memref<64x128xf32, #tpu.memory_space<vmem>> -> memref<8x128xf32, #tpu.memory_space<vmem>>
        %dma_wait3A_1415 = arith.constant 0 : i32
        %dma_wait3A_1416 = arith.constant 0 : i32
        %dma_wait3A_1417 = tpu.memref_slice %arg4[%dma_wait3A_1409, %dma_wait3A_1410, %dma_wait3A_1411, %dma_wait3A_1415, %dma_wait3A_1416] : memref<26x8x128x8x128xf32, #tpu.memory_space<hbm>> -> memref<1x1x1x8x128xf32, #tpu.memory_space<hbm>>
        %dma_wait3A_1418 = tpu.memref_squeeze %dma_wait3A_1417 : memref<1x1x1x8x128xf32, #tpu.memory_space<hbm>> -> memref<8x128xf32, #tpu.memory_space<hbm>>
        %dma_wait3A_1419 = arith.constant 0 : i32
        %dma_wait3A_1420 = arith.constant 0 : i32
        %dma_wait3A_1421 = tpu.memref_slice %arg4[%dma_wait3A_1409, %dma_wait3A_1410, %dma_wait3A_1411, %dma_wait3A_1419, %dma_wait3A_1420] : memref<26x8x128x8x128xf32, #tpu.memory_space<hbm>> -> memref<1x1x1x8x128xf32, #tpu.memory_space<hbm>>
        %dma_wait3A_1422 = tpu.memref_squeeze %dma_wait3A_1421 : memref<1x1x1x8x128xf32, #tpu.memory_space<hbm>> -> memref<8x128xf32, #tpu.memory_space<hbm>>
        %dma_wait3A_1423 = arith.constant 24 : i32
        %dma_wait3A_1424 = arith.constant 0 : i32
        %dma_wait3A_1425 = tpu.memref_slice %arg12[%dma_wait3A_1423, %dma_wait3A_1424] : memref<64x128xf32, #tpu.memory_space<vmem>> -> memref<8x128xf32, #tpu.memory_space<vmem>>
        tpu.wait_dma2 semaphore(%arg20 : memref<!tpu.dma_semaphore, #tpu.memory_space<semaphore_mem>>) src(%dma_wait3A_1425 : memref<8x128xf32, #tpu.memory_space<vmem>>) dst(%dma_wait3A_1422 : memref<8x128xf32, #tpu.memory_space<hbm>>)
        %dma_wait3A_1426 = arith.constant 0 : i32
        %dma_wait3A_1427 = arith.constant 0 : i32
        %dma_wait3A_1428 = arith.constant 0 : i32
        %dma_wait3A_1429 = arith.constant 32 : i32
        %dma_wait3A_1430 = arith.constant 0 : i32
        %dma_wait3A_1431 = tpu.memref_slice %arg12[%dma_wait3A_1429, %dma_wait3A_1430] : memref<64x128xf32, #tpu.memory_space<vmem>> -> memref<8x128xf32, #tpu.memory_space<vmem>>
        %dma_wait3A_1432 = arith.constant 0 : i32
        %dma_wait3A_1433 = arith.constant 0 : i32
        %dma_wait3A_1434 = tpu.memref_slice %arg4[%dma_wait3A_1426, %dma_wait3A_1427, %dma_wait3A_1428, %dma_wait3A_1432, %dma_wait3A_1433] : memref<26x8x128x8x128xf32, #tpu.memory_space<hbm>> -> memref<1x1x1x8x128xf32, #tpu.memory_space<hbm>>
        %dma_wait3A_1435 = tpu.memref_squeeze %dma_wait3A_1434 : memref<1x1x1x8x128xf32, #tpu.memory_space<hbm>> -> memref<8x128xf32, #tpu.memory_space<hbm>>
        %dma_wait3A_1436 = arith.constant 0 : i32
        %dma_wait3A_1437 = arith.constant 0 : i32
        %dma_wait3A_1438 = tpu.memref_slice %arg4[%dma_wait3A_1426, %dma_wait3A_1427, %dma_wait3A_1428, %dma_wait3A_1436, %dma_wait3A_1437] : memref<26x8x128x8x128xf32, #tpu.memory_space<hbm>> -> memref<1x1x1x8x128xf32, #tpu.memory_space<hbm>>
        %dma_wait3A_1439 = tpu.memref_squeeze %dma_wait3A_1438 : memref<1x1x1x8x128xf32, #tpu.memory_space<hbm>> -> memref<8x128xf32, #tpu.memory_space<hbm>>
        %dma_wait3A_1440 = arith.constant 32 : i32
        %dma_wait3A_1441 = arith.constant 0 : i32
        %dma_wait3A_1442 = tpu.memref_slice %arg12[%dma_wait3A_1440, %dma_wait3A_1441] : memref<64x128xf32, #tpu.memory_space<vmem>> -> memref<8x128xf32, #tpu.memory_space<vmem>>
        tpu.wait_dma2 semaphore(%arg20 : memref<!tpu.dma_semaphore, #tpu.memory_space<semaphore_mem>>) src(%dma_wait3A_1442 : memref<8x128xf32, #tpu.memory_space<vmem>>) dst(%dma_wait3A_1439 : memref<8x128xf32, #tpu.memory_space<hbm>>)
        %dma_wait3A_1443 = arith.constant 0 : i32
        %dma_wait3A_1444 = arith.constant 0 : i32
        %dma_wait3A_1445 = arith.constant 0 : i32
        %dma_wait3A_1446 = arith.constant 40 : i32
        %dma_wait3A_1447 = arith.constant 0 : i32
        %dma_wait3A_1448 = tpu.memref_slice %arg12[%dma_wait3A_1446, %dma_wait3A_1447] : memref<64x128xf32, #tpu.memory_space<vmem>> -> memref<8x128xf32, #tpu.memory_space<vmem>>
        %dma_wait3A_1449 = arith.constant 0 : i32
        %dma_wait3A_1450 = arith.constant 0 : i32
        %dma_wait3A_1451 = tpu.memref_slice %arg4[%dma_wait3A_1443, %dma_wait3A_1444, %dma_wait3A_1445, %dma_wait3A_1449, %dma_wait3A_1450] : memref<26x8x128x8x128xf32, #tpu.memory_space<hbm>> -> memref<1x1x1x8x128xf32, #tpu.memory_space<hbm>>
        %dma_wait3A_1452 = tpu.memref_squeeze %dma_wait3A_1451 : memref<1x1x1x8x128xf32, #tpu.memory_space<hbm>> -> memref<8x128xf32, #tpu.memory_space<hbm>>
        %dma_wait3A_1453 = arith.constant 0 : i32
        %dma_wait3A_1454 = arith.constant 0 : i32
        %dma_wait3A_1455 = tpu.memref_slice %arg4[%dma_wait3A_1443, %dma_wait3A_1444, %dma_wait3A_1445, %dma_wait3A_1453, %dma_wait3A_1454] : memref<26x8x128x8x128xf32, #tpu.memory_space<hbm>> -> memref<1x1x1x8x128xf32, #tpu.memory_space<hbm>>
        %dma_wait3A_1456 = tpu.memref_squeeze %dma_wait3A_1455 : memref<1x1x1x8x128xf32, #tpu.memory_space<hbm>> -> memref<8x128xf32, #tpu.memory_space<hbm>>
        %dma_wait3A_1457 = arith.constant 40 : i32
        %dma_wait3A_1458 = arith.constant 0 : i32
        %dma_wait3A_1459 = tpu.memref_slice %arg12[%dma_wait3A_1457, %dma_wait3A_1458] : memref<64x128xf32, #tpu.memory_space<vmem>> -> memref<8x128xf32, #tpu.memory_space<vmem>>
        tpu.wait_dma2 semaphore(%arg20 : memref<!tpu.dma_semaphore, #tpu.memory_space<semaphore_mem>>) src(%dma_wait3A_1459 : memref<8x128xf32, #tpu.memory_space<vmem>>) dst(%dma_wait3A_1456 : memref<8x128xf32, #tpu.memory_space<hbm>>)
        %dma_wait3A_1460 = arith.constant 0 : i32
        %dma_wait3A_1461 = arith.constant 0 : i32
        %dma_wait3A_1462 = arith.constant 0 : i32
        %dma_wait3A_1463 = arith.constant 48 : i32
        %dma_wait3A_1464 = arith.constant 0 : i32
        %dma_wait3A_1465 = tpu.memref_slice %arg12[%dma_wait3A_1463, %dma_wait3A_1464] : memref<64x128xf32, #tpu.memory_space<vmem>> -> memref<8x128xf32, #tpu.memory_space<vmem>>
        %dma_wait3A_1466 = arith.constant 0 : i32
        %dma_wait3A_1467 = arith.constant 0 : i32
        %dma_wait3A_1468 = tpu.memref_slice %arg4[%dma_wait3A_1460, %dma_wait3A_1461, %dma_wait3A_1462, %dma_wait3A_1466, %dma_wait3A_1467] : memref<26x8x128x8x128xf32, #tpu.memory_space<hbm>> -> memref<1x1x1x8x128xf32, #tpu.memory_space<hbm>>
        %dma_wait3A_1469 = tpu.memref_squeeze %dma_wait3A_1468 : memref<1x1x1x8x128xf32, #tpu.memory_space<hbm>> -> memref<8x128xf32, #tpu.memory_space<hbm>>
        %dma_wait3A_1470 = arith.constant 0 : i32
        %dma_wait3A_1471 = arith.constant 0 : i32
        %dma_wait3A_1472 = tpu.memref_slice %arg4[%dma_wait3A_1460, %dma_wait3A_1461, %dma_wait3A_1462, %dma_wait3A_1470, %dma_wait3A_1471] : memref<26x8x128x8x128xf32, #tpu.memory_space<hbm>> -> memref<1x1x1x8x128xf32, #tpu.memory_space<hbm>>
        %dma_wait3A_1473 = tpu.memref_squeeze %dma_wait3A_1472 : memref<1x1x1x8x128xf32, #tpu.memory_space<hbm>> -> memref<8x128xf32, #tpu.memory_space<hbm>>
        %dma_wait3A_1474 = arith.constant 48 : i32
        %dma_wait3A_1475 = arith.constant 0 : i32
        %dma_wait3A_1476 = tpu.memref_slice %arg12[%dma_wait3A_1474, %dma_wait3A_1475] : memref<64x128xf32, #tpu.memory_space<vmem>> -> memref<8x128xf32, #tpu.memory_space<vmem>>
        tpu.wait_dma2 semaphore(%arg20 : memref<!tpu.dma_semaphore, #tpu.memory_space<semaphore_mem>>) src(%dma_wait3A_1476 : memref<8x128xf32, #tpu.memory_space<vmem>>) dst(%dma_wait3A_1473 : memref<8x128xf32, #tpu.memory_space<hbm>>)
        %dma_wait3A_1477 = arith.constant 0 : i32
        %dma_wait3A_1478 = arith.constant 0 : i32
        %dma_wait3A_1479 = arith.constant 0 : i32
        %dma_wait3A_1480 = arith.constant 56 : i32
        %dma_wait3A_1481 = arith.constant 0 : i32
        %dma_wait3A_1482 = tpu.memref_slice %arg12[%dma_wait3A_1480, %dma_wait3A_1481] : memref<64x128xf32, #tpu.memory_space<vmem>> -> memref<8x128xf32, #tpu.memory_space<vmem>>
        %dma_wait3A_1483 = arith.constant 0 : i32
        %dma_wait3A_1484 = arith.constant 0 : i32
        %dma_wait3A_1485 = tpu.memref_slice %arg4[%dma_wait3A_1477, %dma_wait3A_1478, %dma_wait3A_1479, %dma_wait3A_1483, %dma_wait3A_1484] : memref<26x8x128x8x128xf32, #tpu.memory_space<hbm>> -> memref<1x1x1x8x128xf32, #tpu.memory_space<hbm>>
        %dma_wait3A_1486 = tpu.memref_squeeze %dma_wait3A_1485 : memref<1x1x1x8x128xf32, #tpu.memory_space<hbm>> -> memref<8x128xf32, #tpu.memory_space<hbm>>
        %dma_wait3A_1487 = arith.constant 0 : i32
        %dma_wait3A_1488 = arith.constant 0 : i32
        %dma_wait3A_1489 = tpu.memref_slice %arg4[%dma_wait3A_1477, %dma_wait3A_1478, %dma_wait3A_1479, %dma_wait3A_1487, %dma_wait3A_1488] : memref<26x8x128x8x128xf32, #tpu.memory_space<hbm>> -> memref<1x1x1x8x128xf32, #tpu.memory_space<hbm>>
        %dma_wait3A_1490 = tpu.memref_squeeze %dma_wait3A_1489 : memref<1x1x1x8x128xf32, #tpu.memory_space<hbm>> -> memref<8x128xf32, #tpu.memory_space<hbm>>
        %dma_wait3A_1491 = arith.constant 56 : i32
        %dma_wait3A_1492 = arith.constant 0 : i32
        %dma_wait3A_1493 = tpu.memref_slice %arg12[%dma_wait3A_1491, %dma_wait3A_1492] : memref<64x128xf32, #tpu.memory_space<vmem>> -> memref<8x128xf32, #tpu.memory_space<vmem>>
        tpu.wait_dma2 semaphore(%arg20 : memref<!tpu.dma_semaphore, #tpu.memory_space<semaphore_mem>>) src(%dma_wait3A_1493 : memref<8x128xf32, #tpu.memory_space<vmem>>) dst(%dma_wait3A_1490 : memref<8x128xf32, #tpu.memory_space<hbm>>)
      } else {
      }
      %scan3A_1033 = arith.constant 0 : i32
      %scan3A_1034 = arith.constant 0 : i32
      %scan3A_1035 = arith.constant 64 : i32
      %scan3A_1036 = arith.addi %scan3A_1034, %scan3A_1035 : i32
      %scan3A_1037 = arith.constant 1 : i32
      scf.for %scan3A_1358 = %scan3A_1034 to %scan3A_1036 step %scan3A_1037  : i32 {
        %broadcast_in_dim3A = vector.broadcast %scan3A_1358 : i32 to vector<16xi32>
        %gather3A = tpu.vector_load_idx %arg8[%add3A_32, %broadcast_in_dim3A] : memref<128x64xf32, #tpu.memory_space<vmem>>[vector<16xi32>, vector<16xi32>], vector<16xf32>,
        %swap3A = arith.index_cast %scan3A_1358 : i32 to index
        %swap3A_1359 = arith.constant 0 : index
        %swap3A_1360 = tpu.vector_load %arg12[%swap3A, %swap3A_1359] {strides = array<i32>} : memref<64x128xf32, #tpu.memory_space<vmem>>, vector<16xf32>,
        tpu.vector_store %arg12[%swap3A, %swap3A_1359], %gather3A {strides = array<i32>} : memref<64x128xf32, #tpu.memory_space<vmem>>, vector<16xf32>,
        %gather3A_1361 = tpu.vector_load_idx %arg8[%add3A_35, %broadcast_in_dim3A] : memref<128x64xf32, #tpu.memory_space<vmem>>[vector<16xi32>, vector<16xi32>], vector<16xf32>,
        %swap3A_1362 = arith.index_cast %scan3A_1358 : i32 to index
        %swap3A_1363 = arith.constant 16 : index
        %swap3A_1364 = tpu.vector_load %arg12[%swap3A_1362, %swap3A_1363] {strides = array<i32>} : memref<64x128xf32, #tpu.memory_space<vmem>>, vector<16xf32>,
        tpu.vector_store %arg12[%swap3A_1362, %swap3A_1363], %gather3A_1361 {strides = array<i32>} : memref<64x128xf32, #tpu.memory_space<vmem>>, vector<16xf32>,
        %gather3A_1365 = tpu.vector_load_idx %arg8[%add3A_38, %broadcast_in_dim3A] : memref<128x64xf32, #tpu.memory_space<vmem>>[vector<16xi32>, vector<16xi32>], vector<16xf32>,
        %swap3A_1366 = arith.index_cast %scan3A_1358 : i32 to index
        %swap3A_1367 = arith.constant 32 : index
        %swap3A_1368 = tpu.vector_load %arg12[%swap3A_1366, %swap3A_1367] {strides = array<i32>} : memref<64x128xf32, #tpu.memory_space<vmem>>, vector<16xf32>,
        tpu.vector_store %arg12[%swap3A_1366, %swap3A_1367], %gather3A_1365 {strides = array<i32>} : memref<64x128xf32, #tpu.memory_space<vmem>>, vector<16xf32>,
        %gather3A_1369 = tpu.vector_load_idx %arg8[%add3A_41, %broadcast_in_dim3A] : memref<128x64xf32, #tpu.memory_space<vmem>>[vector<16xi32>, vector<16xi32>], vector<16xf32>,
        %swap3A_1370 = arith.index_cast %scan3A_1358 : i32 to index
        %swap3A_1371 = arith.constant 48 : index
        %swap3A_1372 = tpu.vector_load %arg12[%swap3A_1370, %swap3A_1371] {strides = array<i32>} : memref<64x128xf32, #tpu.memory_space<vmem>>, vector<16xf32>,
        tpu.vector_store %arg12[%swap3A_1370, %swap3A_1371], %gather3A_1369 {strides = array<i32>} : memref<64x128xf32, #tpu.memory_space<vmem>>, vector<16xf32>,
        %gather3A_1373 = tpu.vector_load_idx %arg8[%add3A_44, %broadcast_in_dim3A] : memref<128x64xf32, #tpu.memory_space<vmem>>[vector<16xi32>, vector<16xi32>], vector<16xf32>,
        %swap3A_1374 = arith.index_cast %scan3A_1358 : i32 to index
        %swap3A_1375 = arith.constant 64 : index
        %swap3A_1376 = tpu.vector_load %arg12[%swap3A_1374, %swap3A_1375] {strides = array<i32>} : memref<64x128xf32, #tpu.memory_space<vmem>>, vector<16xf32>,
        tpu.vector_store %arg12[%swap3A_1374, %swap3A_1375], %gather3A_1373 {strides = array<i32>} : memref<64x128xf32, #tpu.memory_space<vmem>>, vector<16xf32>,
        %gather3A_1377 = tpu.vector_load_idx %arg8[%add3A_47, %broadcast_in_dim3A] : memref<128x64xf32, #tpu.memory_space<vmem>>[vector<16xi32>, vector<16xi32>], vector<16xf32>,
        %swap3A_1378 = arith.index_cast %scan3A_1358 : i32 to index
        %swap3A_1379 = arith.constant 80 : index
        %swap3A_1380 = tpu.vector_load %arg12[%swap3A_1378, %swap3A_1379] {strides = array<i32>} : memref<64x128xf32, #tpu.memory_space<vmem>>, vector<16xf32>,
        tpu.vector_store %arg12[%swap3A_1378, %swap3A_1379], %gather3A_1377 {strides = array<i32>} : memref<64x128xf32, #tpu.memory_space<vmem>>, vector<16xf32>,
        %gather3A_1381 = tpu.vector_load_idx %arg8[%add3A_50, %broadcast_in_dim3A] : memref<128x64xf32, #tpu.memory_space<vmem>>[vector<16xi32>, vector<16xi32>], vector<16xf32>,
        %swap3A_1382 = arith.index_cast %scan3A_1358 : i32 to index
        %swap3A_1383 = arith.constant 96 : index
        %swap3A_1384 = tpu.vector_load %arg12[%swap3A_1382, %swap3A_1383] {strides = array<i32>} : memref<64x128xf32, #tpu.memory_space<vmem>>, vector<16xf32>,
        tpu.vector_store %arg12[%swap3A_1382, %swap3A_1383], %gather3A_1381 {strides = array<i32>} : memref<64x128xf32, #tpu.memory_space<vmem>>, vector<16xf32>,
        %gather3A_1385 = tpu.vector_load_idx %arg8[%add3A_53, %broadcast_in_dim3A] : memref<128x64xf32, #tpu.memory_space<vmem>>[vector<16xi32>, vector<16xi32>], vector<16xf32>,
        %swap3A_1386 = arith.index_cast %scan3A_1358 : i32 to index
        %swap3A_1387 = arith.constant 112 : index
        %swap3A_1388 = tpu.vector_load %arg12[%swap3A_1386, %swap3A_1387] {strides = array<i32>} : memref<64x128xf32, #tpu.memory_space<vmem>>, vector<16xf32>,
        tpu.vector_store %arg12[%swap3A_1386, %swap3A_1387], %gather3A_1385 {strides = array<i32>} : memref<64x128xf32, #tpu.memory_space<vmem>>, vector<16xf32>,
      }
      %scan3A_1038 = arith.constant 64 : i32
      %dma_start3A_1039 = arith.constant 0 : i32
      %dma_start3A_1040 = arith.constant 0 : i32
      %dma_start3A_1041 = arith.constant 0 : i32
      %dma_start3A_1042 = tpu.memref_slice %arg12[%dma_start3A_1040, %dma_start3A_1041] : memref<64x128xf32, #tpu.memory_space<vmem>> -> memref<8x128xf32, #tpu.memory_space<vmem>>
      %dma_start3A_1043 = arith.constant 0 : i32
      %dma_start3A_1044 = arith.constant 0 : i32
      %dma_start3A_1045 = tpu.memref_slice %arg4[%select_n3A_1001, %dma_start3A_1039, %add3A_1020, %dma_start3A_1043, %dma_start3A_1044] : memref<26x8x128x8x128xf32, #tpu.memory_space<hbm>> -> memref<1x1x1x8x128xf32, #tpu.memory_space<hbm>>
      %dma_start3A_1046 = tpu.memref_squeeze %dma_start3A_1045 : memref<1x1x1x8x128xf32, #tpu.memory_space<hbm>> -> memref<8x128xf32, #tpu.memory_space<hbm>>
      %dma_start3A_1047 = arith.constant 0 : i32
      %dma_start3A_1048 = arith.constant 0 : i32
      %dma_start3A_1049 = tpu.memref_slice %arg4[%select_n3A_1001, %dma_start3A_1039, %add3A_1020, %dma_start3A_1047, %dma_start3A_1048] : memref<26x8x128x8x128xf32, #tpu.memory_space<hbm>> -> memref<1x1x1x8x128xf32, #tpu.memory_space<hbm>>
      %dma_start3A_1050 = tpu.memref_squeeze %dma_start3A_1049 : memref<1x1x1x8x128xf32, #tpu.memory_space<hbm>> -> memref<8x128xf32, #tpu.memory_space<hbm>>
      %dma_start3A_1051 = arith.constant 0 : i32
      %dma_start3A_1052 = arith.constant 0 : i32
      %dma_start3A_1053 = tpu.memref_slice %arg12[%dma_start3A_1051, %dma_start3A_1052] : memref<64x128xf32, #tpu.memory_space<vmem>> -> memref<8x128xf32, #tpu.memory_space<vmem>>
      tpu.enqueue_dma source(%dma_start3A_1053 : memref<8x128xf32, #tpu.memory_space<vmem>>) target(%dma_start3A_1050 : memref<8x128xf32, #tpu.memory_space<hbm>>) target_semaphore(%arg20 : memref<!tpu.dma_semaphore, #tpu.memory_space<semaphore_mem>>)
      %dma_start3A_1054 = arith.constant 1 : i32
      %dma_start3A_1055 = arith.constant 8 : i32
      %dma_start3A_1056 = arith.constant 0 : i32
      %dma_start3A_1057 = tpu.memref_slice %arg12[%dma_start3A_1055, %dma_start3A_1056] : memref<64x128xf32, #tpu.memory_space<vmem>> -> memref<8x128xf32, #tpu.memory_space<vmem>>
      %dma_start3A_1058 = arith.constant 0 : i32
      %dma_start3A_1059 = arith.constant 0 : i32
      %dma_start3A_1060 = tpu.memref_slice %arg4[%select_n3A_1001, %dma_start3A_1054, %add3A_1020, %dma_start3A_1058, %dma_start3A_1059] : memref<26x8x128x8x128xf32, #tpu.memory_space<hbm>> -> memref<1x1x1x8x128xf32, #tpu.memory_space<hbm>>
      %dma_start3A_1061 = tpu.memref_squeeze %dma_start3A_1060 : memref<1x1x1x8x128xf32, #tpu.memory_space<hbm>> -> memref<8x128xf32, #tpu.memory_space<hbm>>
      %dma_start3A_1062 = arith.constant 0 : i32
      %dma_start3A_1063 = arith.constant 0 : i32
      %dma_start3A_1064 = tpu.memref_slice %arg4[%select_n3A_1001, %dma_start3A_1054, %add3A_1020, %dma_start3A_1062, %dma_start3A_1063] : memref<26x8x128x8x128xf32, #tpu.memory_space<hbm>> -> memref<1x1x1x8x128xf32, #tpu.memory_space<hbm>>
      %dma_start3A_1065 = tpu.memref_squeeze %dma_start3A_1064 : memref<1x1x1x8x128xf32, #tpu.memory_space<hbm>> -> memref<8x128xf32, #tpu.memory_space<hbm>>
      %dma_start3A_1066 = arith.constant 8 : i32
      %dma_start3A_1067 = arith.constant 0 : i32
      %dma_start3A_1068 = tpu.memref_slice %arg12[%dma_start3A_1066, %dma_start3A_1067] : memref<64x128xf32, #tpu.memory_space<vmem>> -> memref<8x128xf32, #tpu.memory_space<vmem>>
      tpu.enqueue_dma source(%dma_start3A_1068 : memref<8x128xf32, #tpu.memory_space<vmem>>) target(%dma_start3A_1065 : memref<8x128xf32, #tpu.memory_space<hbm>>) target_semaphore(%arg20 : memref<!tpu.dma_semaphore, #tpu.memory_space<semaphore_mem>>)
      %dma_start3A_1069 = arith.constant 2 : i32
      %dma_start3A_1070 = arith.constant 16 : i32
      %dma_start3A_1071 = arith.constant 0 : i32
      %dma_start3A_1072 = tpu.memref_slice %arg12[%dma_start3A_1070, %dma_start3A_1071] : memref<64x128xf32, #tpu.memory_space<vmem>> -> memref<8x128xf32, #tpu.memory_space<vmem>>
      %dma_start3A_1073 = arith.constant 0 : i32
      %dma_start3A_1074 = arith.constant 0 : i32
      %dma_start3A_1075 = tpu.memref_slice %arg4[%select_n3A_1001, %dma_start3A_1069, %add3A_1020, %dma_start3A_1073, %dma_start3A_1074] : memref<26x8x128x8x128xf32, #tpu.memory_space<hbm>> -> memref<1x1x1x8x128xf32, #tpu.memory_space<hbm>>
      %dma_start3A_1076 = tpu.memref_squeeze %dma_start3A_1075 : memref<1x1x1x8x128xf32, #tpu.memory_space<hbm>> -> memref<8x128xf32, #tpu.memory_space<hbm>>
      %dma_start3A_1077 = arith.constant 0 : i32
      %dma_start3A_1078 = arith.constant 0 : i32
      %dma_start3A_1079 = tpu.memref_slice %arg4[%select_n3A_1001, %dma_start3A_1069, %add3A_1020, %dma_start3A_1077, %dma_start3A_1078] : memref<26x8x128x8x128xf32, #tpu.memory_space<hbm>> -> memref<1x1x1x8x128xf32, #tpu.memory_space<hbm>>
      %dma_start3A_1080 = tpu.memref_squeeze %dma_start3A_1079 : memref<1x1x1x8x128xf32, #tpu.memory_space<hbm>> -> memref<8x128xf32, #tpu.memory_space<hbm>>
      %dma_start3A_1081 = arith.constant 16 : i32
      %dma_start3A_1082 = arith.constant 0 : i32
      %dma_start3A_1083 = tpu.memref_slice %arg12[%dma_start3A_1081, %dma_start3A_1082] : memref<64x128xf32, #tpu.memory_space<vmem>> -> memref<8x128xf32, #tpu.memory_space<vmem>>
      tpu.enqueue_dma source(%dma_start3A_1083 : memref<8x128xf32, #tpu.memory_space<vmem>>) target(%dma_start3A_1080 : memref<8x128xf32, #tpu.memory_space<hbm>>) target_semaphore(%arg20 : memref<!tpu.dma_semaphore, #tpu.memory_space<semaphore_mem>>)
      %dma_start3A_1084 = arith.constant 3 : i32
      %dma_start3A_1085 = arith.constant 24 : i32
      %dma_start3A_1086 = arith.constant 0 : i32
      %dma_start3A_1087 = tpu.memref_slice %arg12[%dma_start3A_1085, %dma_start3A_1086] : memref<64x128xf32, #tpu.memory_space<vmem>> -> memref<8x128xf32, #tpu.memory_space<vmem>>
      %dma_start3A_1088 = arith.constant 0 : i32
      %dma_start3A_1089 = arith.constant 0 : i32
      %dma_start3A_1090 = tpu.memref_slice %arg4[%select_n3A_1001, %dma_start3A_1084, %add3A_1020, %dma_start3A_1088, %dma_start3A_1089] : memref<26x8x128x8x128xf32, #tpu.memory_space<hbm>> -> memref<1x1x1x8x128xf32, #tpu.memory_space<hbm>>
      %dma_start3A_1091 = tpu.memref_squeeze %dma_start3A_1090 : memref<1x1x1x8x128xf32, #tpu.memory_space<hbm>> -> memref<8x128xf32, #tpu.memory_space<hbm>>
      %dma_start3A_1092 = arith.constant 0 : i32
      %dma_start3A_1093 = arith.constant 0 : i32
      %dma_start3A_1094 = tpu.memref_slice %arg4[%select_n3A_1001, %dma_start3A_1084, %add3A_1020, %dma_start3A_1092, %dma_start3A_1093] : memref<26x8x128x8x128xf32, #tpu.memory_space<hbm>> -> memref<1x1x1x8x128xf32, #tpu.memory_space<hbm>>
      %dma_start3A_1095 = tpu.memref_squeeze %dma_start3A_1094 : memref<1x1x1x8x128xf32, #tpu.memory_space<hbm>> -> memref<8x128xf32, #tpu.memory_space<hbm>>
      %dma_start3A_1096 = arith.constant 24 : i32
      %dma_start3A_1097 = arith.constant 0 : i32
      %dma_start3A_1098 = tpu.memref_slice %arg12[%dma_start3A_1096, %dma_start3A_1097] : memref<64x128xf32, #tpu.memory_space<vmem>> -> memref<8x128xf32, #tpu.memory_space<vmem>>
      tpu.enqueue_dma source(%dma_start3A_1098 : memref<8x128xf32, #tpu.memory_space<vmem>>) target(%dma_start3A_1095 : memref<8x128xf32, #tpu.memory_space<hbm>>) target_semaphore(%arg20 : memref<!tpu.dma_semaphore, #tpu.memory_space<semaphore_mem>>)
      %dma_start3A_1099 = arith.constant 4 : i32
      %dma_start3A_1100 = arith.constant 32 : i32
      %dma_start3A_1101 = arith.constant 0 : i32
      %dma_start3A_1102 = tpu.memref_slice %arg12[%dma_start3A_1100, %dma_start3A_1101] : memref<64x128xf32, #tpu.memory_space<vmem>> -> memref<8x128xf32, #tpu.memory_space<vmem>>
      %dma_start3A_1103 = arith.constant 0 : i32
      %dma_start3A_1104 = arith.constant 0 : i32
      %dma_start3A_1105 = tpu.memref_slice %arg4[%select_n3A_1001, %dma_start3A_1099, %add3A_1020, %dma_start3A_1103, %dma_start3A_1104] : memref<26x8x128x8x128xf32, #tpu.memory_space<hbm>> -> memref<1x1x1x8x128xf32, #tpu.memory_space<hbm>>
      %dma_start3A_1106 = tpu.memref_squeeze %dma_start3A_1105 : memref<1x1x1x8x128xf32, #tpu.memory_space<hbm>> -> memref<8x128xf32, #tpu.memory_space<hbm>>
      %dma_start3A_1107 = arith.constant 0 : i32
      %dma_start3A_1108 = arith.constant 0 : i32
      %dma_start3A_1109 = tpu.memref_slice %arg4[%select_n3A_1001, %dma_start3A_1099, %add3A_1020, %dma_start3A_1107, %dma_start3A_1108] : memref<26x8x128x8x128xf32, #tpu.memory_space<hbm>> -> memref<1x1x1x8x128xf32, #tpu.memory_space<hbm>>
      %dma_start3A_1110 = tpu.memref_squeeze %dma_start3A_1109 : memref<1x1x1x8x128xf32, #tpu.memory_space<hbm>> -> memref<8x128xf32, #tpu.memory_space<hbm>>
      %dma_start3A_1111 = arith.constant 32 : i32
      %dma_start3A_1112 = arith.constant 0 : i32
      %dma_start3A_1113 = tpu.memref_slice %arg12[%dma_start3A_1111, %dma_start3A_1112] : memref<64x128xf32, #tpu.memory_space<vmem>> -> memref<8x128xf32, #tpu.memory_space<vmem>>
      tpu.enqueue_dma source(%dma_start3A_1113 : memref<8x128xf32, #tpu.memory_space<vmem>>) target(%dma_start3A_1110 : memref<8x128xf32, #tpu.memory_space<hbm>>) target_semaphore(%arg20 : memref<!tpu.dma_semaphore, #tpu.memory_space<semaphore_mem>>)
      %dma_start3A_1114 = arith.constant 5 : i32
      %dma_start3A_1115 = arith.constant 40 : i32
      %dma_start3A_1116 = arith.constant 0 : i32
      %dma_start3A_1117 = tpu.memref_slice %arg12[%dma_start3A_1115, %dma_start3A_1116] : memref<64x128xf32, #tpu.memory_space<vmem>> -> memref<8x128xf32, #tpu.memory_space<vmem>>
      %dma_start3A_1118 = arith.constant 0 : i32
      %dma_start3A_1119 = arith.constant 0 : i32
      %dma_start3A_1120 = tpu.memref_slice %arg4[%select_n3A_1001, %dma_start3A_1114, %add3A_1020, %dma_start3A_1118, %dma_start3A_1119] : memref<26x8x128x8x128xf32, #tpu.memory_space<hbm>> -> memref<1x1x1x8x128xf32, #tpu.memory_space<hbm>>
      %dma_start3A_1121 = tpu.memref_squeeze %dma_start3A_1120 : memref<1x1x1x8x128xf32, #tpu.memory_space<hbm>> -> memref<8x128xf32, #tpu.memory_space<hbm>>
      %dma_start3A_1122 = arith.constant 0 : i32
      %dma_start3A_1123 = arith.constant 0 : i32
      %dma_start3A_1124 = tpu.memref_slice %arg4[%select_n3A_1001, %dma_start3A_1114, %add3A_1020, %dma_start3A_1122, %dma_start3A_1123] : memref<26x8x128x8x128xf32, #tpu.memory_space<hbm>> -> memref<1x1x1x8x128xf32, #tpu.memory_space<hbm>>
      %dma_start3A_1125 = tpu.memref_squeeze %dma_start3A_1124 : memref<1x1x1x8x128xf32, #tpu.memory_space<hbm>> -> memref<8x128xf32, #tpu.memory_space<hbm>>
      %dma_start3A_1126 = arith.constant 40 : i32
      %dma_start3A_1127 = arith.constant 0 : i32
      %dma_start3A_1128 = tpu.memref_slice %arg12[%dma_start3A_1126, %dma_start3A_1127] : memref<64x128xf32, #tpu.memory_space<vmem>> -> memref<8x128xf32, #tpu.memory_space<vmem>>
      tpu.enqueue_dma source(%dma_start3A_1128 : memref<8x128xf32, #tpu.memory_space<vmem>>) target(%dma_start3A_1125 : memref<8x128xf32, #tpu.memory_space<hbm>>) target_semaphore(%arg20 : memref<!tpu.dma_semaphore, #tpu.memory_space<semaphore_mem>>)
      %dma_start3A_1129 = arith.constant 6 : i32
      %dma_start3A_1130 = arith.constant 48 : i32
      %dma_start3A_1131 = arith.constant 0 : i32
      %dma_start3A_1132 = tpu.memref_slice %arg12[%dma_start3A_1130, %dma_start3A_1131] : memref<64x128xf32, #tpu.memory_space<vmem>> -> memref<8x128xf32, #tpu.memory_space<vmem>>
      %dma_start3A_1133 = arith.constant 0 : i32
      %dma_start3A_1134 = arith.constant 0 : i32
      %dma_start3A_1135 = tpu.memref_slice %arg4[%select_n3A_1001, %dma_start3A_1129, %add3A_1020, %dma_start3A_1133, %dma_start3A_1134] : memref<26x8x128x8x128xf32, #tpu.memory_space<hbm>> -> memref<1x1x1x8x128xf32, #tpu.memory_space<hbm>>
      %dma_start3A_1136 = tpu.memref_squeeze %dma_start3A_1135 : memref<1x1x1x8x128xf32, #tpu.memory_space<hbm>> -> memref<8x128xf32, #tpu.memory_space<hbm>>
      %dma_start3A_1137 = arith.constant 0 : i32
      %dma_start3A_1138 = arith.constant 0 : i32
      %dma_start3A_1139 = tpu.memref_slice %arg4[%select_n3A_1001, %dma_start3A_1129, %add3A_1020, %dma_start3A_1137, %dma_start3A_1138] : memref<26x8x128x8x128xf32, #tpu.memory_space<hbm>> -> memref<1x1x1x8x128xf32, #tpu.memory_space<hbm>>
      %dma_start3A_1140 = tpu.memref_squeeze %dma_start3A_1139 : memref<1x1x1x8x128xf32, #tpu.memory_space<hbm>> -> memref<8x128xf32, #tpu.memory_space<hbm>>
      %dma_start3A_1141 = arith.constant 48 : i32
      %dma_start3A_1142 = arith.constant 0 : i32
      %dma_start3A_1143 = tpu.memref_slice %arg12[%dma_start3A_1141, %dma_start3A_1142] : memref<64x128xf32, #tpu.memory_space<vmem>> -> memref<8x128xf32, #tpu.memory_space<vmem>>
      tpu.enqueue_dma source(%dma_start3A_1143 : memref<8x128xf32, #tpu.memory_space<vmem>>) target(%dma_start3A_1140 : memref<8x128xf32, #tpu.memory_space<hbm>>) target_semaphore(%arg20 : memref<!tpu.dma_semaphore, #tpu.memory_space<semaphore_mem>>)
      %dma_start3A_1144 = arith.constant 7 : i32
      %dma_start3A_1145 = arith.constant 56 : i32
      %dma_start3A_1146 = arith.constant 0 : i32
      %dma_start3A_1147 = tpu.memref_slice %arg12[%dma_start3A_1145, %dma_start3A_1146] : memref<64x128xf32, #tpu.memory_space<vmem>> -> memref<8x128xf32, #tpu.memory_space<vmem>>
      %dma_start3A_1148 = arith.constant 0 : i32
      %dma_start3A_1149 = arith.constant 0 : i32
      %dma_start3A_1150 = tpu.memref_slice %arg4[%select_n3A_1001, %dma_start3A_1144, %add3A_1020, %dma_start3A_1148, %dma_start3A_1149] : memref<26x8x128x8x128xf32, #tpu.memory_space<hbm>> -> memref<1x1x1x8x128xf32, #tpu.memory_space<hbm>>
      %dma_start3A_1151 = tpu.memref_squeeze %dma_start3A_1150 : memref<1x1x1x8x128xf32, #tpu.memory_space<hbm>> -> memref<8x128xf32, #tpu.memory_space<hbm>>
      %dma_start3A_1152 = arith.constant 0 : i32
      %dma_start3A_1153 = arith.constant 0 : i32
      %dma_start3A_1154 = tpu.memref_slice %arg4[%select_n3A_1001, %dma_start3A_1144, %add3A_1020, %dma_start3A_1152, %dma_start3A_1153] : memref<26x8x128x8x128xf32, #tpu.memory_space<hbm>> -> memref<1x1x1x8x128xf32, #tpu.memory_space<hbm>>
      %dma_start3A_1155 = tpu.memref_squeeze %dma_start3A_1154 : memref<1x1x1x8x128xf32, #tpu.memory_space<hbm>> -> memref<8x128xf32, #tpu.memory_space<hbm>>
      %dma_start3A_1156 = arith.constant 56 : i32
      %dma_start3A_1157 = arith.constant 0 : i32
      %dma_start3A_1158 = tpu.memref_slice %arg12[%dma_start3A_1156, %dma_start3A_1157] : memref<64x128xf32, #tpu.memory_space<vmem>> -> memref<8x128xf32, #tpu.memory_space<vmem>>
      tpu.enqueue_dma source(%dma_start3A_1158 : memref<8x128xf32, #tpu.memory_space<vmem>>) target(%dma_start3A_1155 : memref<8x128xf32, #tpu.memory_space<hbm>>) target_semaphore(%arg20 : memref<!tpu.dma_semaphore, #tpu.memory_space<semaphore_mem>>)
      %add3A_1159 = arith.constant 4 : i32
      %add3A_1160 = arith.addi %add3A_977, %add3A_1159 : i32
      %lt3A_1161 = arith.constant 104 : i32
      %lt3A_1162 = arith.cmpi slt, %add3A_1160, %lt3A_1161 : i32
      %convert_element_type3A_1163 = arith.extui %lt3A_1162 : i1 to i32
      %cond3A_1164 = arith.constant 0 : i32
      %cond3A_1165 = arith.cmpi ne, %convert_element_type3A_1163, %cond3A_1164 : i32
      scf.if %cond3A_1165 {
        %add3A_1358 = arith.constant 4 : i32
        %add3A_1359 = arith.addi %add3A_977, %add3A_1358 : i32
        %jit3A_1360 = arith.constant 4 : i32
        %div3A_1361 = arith.divsi %add3A_1359, %jit3A_1360 : i32
        %sign3A_1362 = arith.constant 0 : i32
        %sign3A_1363 = arith.cmpi sgt, %add3A_1359, %sign3A_1362 : i32
        %sign3A_1364 = arith.extui %sign3A_1363 : i1 to i32
        %sign3A_1365 = arith.constant 0 : i32
        %sign3A_1366 = arith.cmpi slt, %add3A_1359, %sign3A_1365 : i32
        %sign3A_1367 = arith.extui %sign3A_1366 : i1 to i32
        %sign3A_1368 = arith.subi %sign3A_1364, %sign3A_1367 : i32
        %sign3A_1369 = arith.constant 0 : i32
        %sign3A_1370 = arith.cmpi sgt, %jit3A_1360, %sign3A_1369 : i32
        %sign3A_1371 = arith.extui %sign3A_1370 : i1 to i32
        %sign3A_1372 = arith.constant 0 : i32
        %sign3A_1373 = arith.cmpi slt, %jit3A_1360, %sign3A_1372 : i32
        %sign3A_1374 = arith.extui %sign3A_1373 : i1 to i32
        %sign3A_1375 = arith.subi %sign3A_1371, %sign3A_1374 : i32
        %ne3A_1376 = arith.cmpi ne, %sign3A_1368, %sign3A_1375 : i32
        %rem3A_1377 = arith.remsi %add3A_1359, %jit3A_1360 : i32
        %ne3A_1378 = arith.constant 0 : i32
        %ne3A_1379 = arith.cmpi ne, %rem3A_1377, %ne3A_1378 : i32
        %and3A_1380 = arith.andi %ne3A_1376, %ne3A_1379 : i1
        %sub3A_1381 = arith.constant 1 : i32
        %sub3A_1382 = arith.subi %div3A_1361, %sub3A_1381 : i32
        %select_n3A_1383 = arith.select %and3A_1380, %sub3A_1382, %div3A_1361 : i32
        %jit3A_1384 = arith.constant 4 : i32
        %eq3A_1385 = arith.constant 0 : i32
        %eq3A_1386 = arith.cmpi eq, %jit3A_1384, %eq3A_1385 : i32
        %jit3A_1387 = arith.constant 1 : i32
        %select_n3A_1388 = arith.select %eq3A_1386, %jit3A_1387, %jit3A_1384 : i32
        %rem3A_1389 = arith.remsi %add3A_1359, %select_n3A_1388 : i32
        %ne3A_1390 = arith.constant 0 : i32
        %ne3A_1391 = arith.cmpi ne, %rem3A_1389, %ne3A_1390 : i32
        %lt3A_1392 = arith.constant 0 : i32
        %lt3A_1393 = arith.cmpi slt, %rem3A_1389, %lt3A_1392 : i32
        %lt3A_1394 = arith.constant 0 : i32
        %lt3A_1395 = arith.cmpi slt, %select_n3A_1388, %lt3A_1394 : i32
        %ne3A_1396 = arith.xori %lt3A_1393, %lt3A_1395 : i1
        %and3A_1397 = arith.andi %ne3A_1396, %ne3A_1391 : i1
        %add3A_1398 = arith.addi %rem3A_1389, %select_n3A_1388 : i32
        %select_n3A_1399 = arith.select %and3A_1397, %add3A_1398, %rem3A_1389 : i32
        %mul3A_1400 = arith.constant 128 : i32
        %mul3A_1401 = arith.muli %select_n3A_1399, %mul3A_1400 : i32
        %dma_start3A_1402 = tpu.memref_slice %arg5[%select_n3A_1383, %mul3A_1401] : memref<26x512xi32, #tpu.memory_space<vmem>> -> memref<1x128xi32, #tpu.memory_space<vmem>>
        %dma_start3A_1403 = tpu.memref_squeeze %dma_start3A_1402 : memref<1x128xi32, #tpu.memory_space<vmem>> -> memref<128xi32, #tpu.memory_space<vmem>>
        %dma_start3A_1404 = arith.constant 0 : i32
        %dma_start3A_1405 = arith.constant 0 : i32
        %dma_start3A_1406 = tpu.memref_slice %arg3[%dma_start3A_1404, %dma_start3A_1405] : memref<1000000x64xf32, #tpu.memory_space<hbm>> -> memref<1000000x64xf32, #tpu.memory_space<hbm>>
        tpu.enqueue_indirect_dma source(%dma_start3A_1406 : memref<1000000x64xf32, #tpu.memory_space<hbm>>) target(%arg8 : memref<128x64xf32, #tpu.memory_space<vmem>>) offsets(%dma_start3A_1403 : memref<128xi32, #tpu.memory_space<vmem>>) semaphore(%arg16 : memref<!tpu.dma_semaphore, #tpu.memory_space<semaphore_mem>>)
      } else {
      }
      %mul3A_1166 = arith.constant 4 : i32
      %mul3A_1167 = arith.muli %scan3A_602, %mul3A_1166 : i32
      %add3A_1168 = arith.constant 3 : i32
      %add3A_1169 = arith.addi %mul3A_1167, %add3A_1168 : i32
      %jit3A_1170 = arith.constant 4 : i32
      %div3A_1171 = arith.divsi %add3A_1169, %jit3A_1170 : i32
      %sign3A_1172 = arith.constant 0 : i32
      %sign3A_1173 = arith.cmpi sgt, %add3A_1169, %sign3A_1172 : i32
      %sign3A_1174 = arith.extui %sign3A_1173 : i1 to i32
      %sign3A_1175 = arith.constant 0 : i32
      %sign3A_1176 = arith.cmpi slt, %add3A_1169, %sign3A_1175 : i32
      %sign3A_1177 = arith.extui %sign3A_1176 : i1 to i32
      %sign3A_1178 = arith.subi %sign3A_1174, %sign3A_1177 : i32
      %sign3A_1179 = arith.constant 0 : i32
      %sign3A_1180 = arith.cmpi sgt, %jit3A_1170, %sign3A_1179 : i32
      %sign3A_1181 = arith.extui %sign3A_1180 : i1 to i32
      %sign3A_1182 = arith.constant 0 : i32
      %sign3A_1183 = arith.cmpi slt, %jit3A_1170, %sign3A_1182 : i32
      %sign3A_1184 = arith.extui %sign3A_1183 : i1 to i32
      %sign3A_1185 = arith.subi %sign3A_1181, %sign3A_1184 : i32
      %ne3A_1186 = arith.cmpi ne, %sign3A_1178, %sign3A_1185 : i32
      %rem3A_1187 = arith.remsi %add3A_1169, %jit3A_1170 : i32
      %ne3A_1188 = arith.constant 0 : i32
      %ne3A_1189 = arith.cmpi ne, %rem3A_1187, %ne3A_1188 : i32
      %and3A_1190 = arith.andi %ne3A_1186, %ne3A_1189 : i1
      %sub3A_1191 = arith.constant 1 : i32
      %sub3A_1192 = arith.subi %div3A_1171, %sub3A_1191 : i32
      %select_n3A_1193 = arith.select %and3A_1190, %sub3A_1192, %div3A_1171 : i32
      %jit3A_1194 = arith.constant 4 : i32
      %eq3A_1195 = arith.constant 0 : i32
      %eq3A_1196 = arith.cmpi eq, %jit3A_1194, %eq3A_1195 : i32
      %jit3A_1197 = arith.constant 1 : i32
      %select_n3A_1198 = arith.select %eq3A_1196, %jit3A_1197, %jit3A_1194 : i32
      %rem3A_1199 = arith.remsi %add3A_1169, %select_n3A_1198 : i32
      %ne3A_1200 = arith.constant 0 : i32
      %ne3A_1201 = arith.cmpi ne, %rem3A_1199, %ne3A_1200 : i32
      %lt3A_1202 = arith.constant 0 : i32
      %lt3A_1203 = arith.cmpi slt, %rem3A_1199, %lt3A_1202 : i32
      %lt3A_1204 = arith.constant 0 : i32
      %lt3A_1205 = arith.cmpi slt, %select_n3A_1198, %lt3A_1204 : i32
      %ne3A_1206 = arith.xori %lt3A_1203, %lt3A_1205 : i1
      %and3A_1207 = arith.andi %ne3A_1206, %ne3A_1201 : i1
      %add3A_1208 = arith.addi %rem3A_1199, %select_n3A_1198 : i32
      %select_n3A_1209 = arith.select %and3A_1207, %add3A_1208, %rem3A_1199 : i32
      %mul3A_1210 = arith.constant 4 : i32
      %mul3A_1211 = arith.muli %add3A, %mul3A_1210 : i32
      %add3A_1212 = arith.addi %mul3A_1211, %select_n3A_1209 : i32
      %dma_wait3A_1213 = arith.constant 0 : i32
      %dma_wait3A_1214 = arith.constant 0 : i32
      %dma_wait3A_1215 = tpu.memref_slice %arg5[%dma_wait3A_1213, %dma_wait3A_1214] : memref<26x512xi32, #tpu.memory_space<vmem>> -> memref<1x128xi32, #tpu.memory_space<vmem>>
      %dma_wait3A_1216 = tpu.memref_squeeze %dma_wait3A_1215 : memref<1x128xi32, #tpu.memory_space<vmem>> -> memref<128xi32, #tpu.memory_space<vmem>>
      %dma_wait3A_1217 = arith.constant 0 : i32
      %dma_wait3A_1218 = arith.constant 0 : i32
      %dma_wait3A_1219 = tpu.memref_slice %arg3[%dma_wait3A_1217, %dma_wait3A_1218] : memref<1000000x64xf32, #tpu.memory_space<hbm>> -> memref<1000000x64xf32, #tpu.memory_space<hbm>>
      tpu.wait_indirect_dma semaphore(%arg17 : memref<!tpu.dma_semaphore, #tpu.memory_space<semaphore_mem>>) src(%dma_wait3A_1219 : memref<1000000x64xf32, #tpu.memory_space<hbm>>) dst(%arg9 : memref<128x64xf32, #tpu.memory_space<vmem>>)
      %ge3A_1220 = arith.constant 4 : i32
      %ge3A_1221 = arith.cmpi sge, %add3A_1169, %ge3A_1220 : i32
      %convert_element_type3A_1222 = arith.extui %ge3A_1221 : i1 to i32
      %cond3A_1223 = arith.constant 0 : i32
      %cond3A_1224 = arith.cmpi ne, %convert_element_type3A_1222, %cond3A_1223 : i32
      scf.if %cond3A_1224 {
        %dma_wait3A_1358 = arith.constant 0 : i32
        %dma_wait3A_1359 = arith.constant 0 : i32
        %dma_wait3A_1360 = arith.constant 0 : i32
        %dma_wait3A_1361 = arith.constant 0 : i32
        %dma_wait3A_1362 = arith.constant 0 : i32
        %dma_wait3A_1363 = tpu.memref_slice %arg13[%dma_wait3A_1361, %dma_wait3A_1362] : memref<64x128xf32, #tpu.memory_space<vmem>> -> memref<8x128xf32, #tpu.memory_space<vmem>>
        %dma_wait3A_1364 = arith.constant 0 : i32
        %dma_wait3A_1365 = arith.constant 0 : i32
        %dma_wait3A_1366 = tpu.memref_slice %arg4[%dma_wait3A_1358, %dma_wait3A_1359, %dma_wait3A_1360, %dma_wait3A_1364, %dma_wait3A_1365] : memref<26x8x128x8x128xf32, #tpu.memory_space<hbm>> -> memref<1x1x1x8x128xf32, #tpu.memory_space<hbm>>
        %dma_wait3A_1367 = tpu.memref_squeeze %dma_wait3A_1366 : memref<1x1x1x8x128xf32, #tpu.memory_space<hbm>> -> memref<8x128xf32, #tpu.memory_space<hbm>>
        %dma_wait3A_1368 = arith.constant 0 : i32
        %dma_wait3A_1369 = arith.constant 0 : i32
        %dma_wait3A_1370 = tpu.memref_slice %arg4[%dma_wait3A_1358, %dma_wait3A_1359, %dma_wait3A_1360, %dma_wait3A_1368, %dma_wait3A_1369] : memref<26x8x128x8x128xf32, #tpu.memory_space<hbm>> -> memref<1x1x1x8x128xf32, #tpu.memory_space<hbm>>
        %dma_wait3A_1371 = tpu.memref_squeeze %dma_wait3A_1370 : memref<1x1x1x8x128xf32, #tpu.memory_space<hbm>> -> memref<8x128xf32, #tpu.memory_space<hbm>>
        %dma_wait3A_1372 = arith.constant 0 : i32
        %dma_wait3A_1373 = arith.constant 0 : i32
        %dma_wait3A_1374 = tpu.memref_slice %arg13[%dma_wait3A_1372, %dma_wait3A_1373] : memref<64x128xf32, #tpu.memory_space<vmem>> -> memref<8x128xf32, #tpu.memory_space<vmem>>
        tpu.wait_dma2 semaphore(%arg21 : memref<!tpu.dma_semaphore, #tpu.memory_space<semaphore_mem>>) src(%dma_wait3A_1374 : memref<8x128xf32, #tpu.memory_space<vmem>>) dst(%dma_wait3A_1371 : memref<8x128xf32, #tpu.memory_space<hbm>>)
        %dma_wait3A_1375 = arith.constant 0 : i32
        %dma_wait3A_1376 = arith.constant 0 : i32
        %dma_wait3A_1377 = arith.constant 0 : i32
        %dma_wait3A_1378 = arith.constant 8 : i32
        %dma_wait3A_1379 = arith.constant 0 : i32
        %dma_wait3A_1380 = tpu.memref_slice %arg13[%dma_wait3A_1378, %dma_wait3A_1379] : memref<64x128xf32, #tpu.memory_space<vmem>> -> memref<8x128xf32, #tpu.memory_space<vmem>>
        %dma_wait3A_1381 = arith.constant 0 : i32
        %dma_wait3A_1382 = arith.constant 0 : i32
        %dma_wait3A_1383 = tpu.memref_slice %arg4[%dma_wait3A_1375, %dma_wait3A_1376, %dma_wait3A_1377, %dma_wait3A_1381, %dma_wait3A_1382] : memref<26x8x128x8x128xf32, #tpu.memory_space<hbm>> -> memref<1x1x1x8x128xf32, #tpu.memory_space<hbm>>
        %dma_wait3A_1384 = tpu.memref_squeeze %dma_wait3A_1383 : memref<1x1x1x8x128xf32, #tpu.memory_space<hbm>> -> memref<8x128xf32, #tpu.memory_space<hbm>>
        %dma_wait3A_1385 = arith.constant 0 : i32
        %dma_wait3A_1386 = arith.constant 0 : i32
        %dma_wait3A_1387 = tpu.memref_slice %arg4[%dma_wait3A_1375, %dma_wait3A_1376, %dma_wait3A_1377, %dma_wait3A_1385, %dma_wait3A_1386] : memref<26x8x128x8x128xf32, #tpu.memory_space<hbm>> -> memref<1x1x1x8x128xf32, #tpu.memory_space<hbm>>
        %dma_wait3A_1388 = tpu.memref_squeeze %dma_wait3A_1387 : memref<1x1x1x8x128xf32, #tpu.memory_space<hbm>> -> memref<8x128xf32, #tpu.memory_space<hbm>>
        %dma_wait3A_1389 = arith.constant 8 : i32
        %dma_wait3A_1390 = arith.constant 0 : i32
        %dma_wait3A_1391 = tpu.memref_slice %arg13[%dma_wait3A_1389, %dma_wait3A_1390] : memref<64x128xf32, #tpu.memory_space<vmem>> -> memref<8x128xf32, #tpu.memory_space<vmem>>
        tpu.wait_dma2 semaphore(%arg21 : memref<!tpu.dma_semaphore, #tpu.memory_space<semaphore_mem>>) src(%dma_wait3A_1391 : memref<8x128xf32, #tpu.memory_space<vmem>>) dst(%dma_wait3A_1388 : memref<8x128xf32, #tpu.memory_space<hbm>>)
        %dma_wait3A_1392 = arith.constant 0 : i32
        %dma_wait3A_1393 = arith.constant 0 : i32
        %dma_wait3A_1394 = arith.constant 0 : i32
        %dma_wait3A_1395 = arith.constant 16 : i32
        %dma_wait3A_1396 = arith.constant 0 : i32
        %dma_wait3A_1397 = tpu.memref_slice %arg13[%dma_wait3A_1395, %dma_wait3A_1396] : memref<64x128xf32, #tpu.memory_space<vmem>> -> memref<8x128xf32, #tpu.memory_space<vmem>>
        %dma_wait3A_1398 = arith.constant 0 : i32
        %dma_wait3A_1399 = arith.constant 0 : i32
        %dma_wait3A_1400 = tpu.memref_slice %arg4[%dma_wait3A_1392, %dma_wait3A_1393, %dma_wait3A_1394, %dma_wait3A_1398, %dma_wait3A_1399] : memref<26x8x128x8x128xf32, #tpu.memory_space<hbm>> -> memref<1x1x1x8x128xf32, #tpu.memory_space<hbm>>
        %dma_wait3A_1401 = tpu.memref_squeeze %dma_wait3A_1400 : memref<1x1x1x8x128xf32, #tpu.memory_space<hbm>> -> memref<8x128xf32, #tpu.memory_space<hbm>>
        %dma_wait3A_1402 = arith.constant 0 : i32
        %dma_wait3A_1403 = arith.constant 0 : i32
        %dma_wait3A_1404 = tpu.memref_slice %arg4[%dma_wait3A_1392, %dma_wait3A_1393, %dma_wait3A_1394, %dma_wait3A_1402, %dma_wait3A_1403] : memref<26x8x128x8x128xf32, #tpu.memory_space<hbm>> -> memref<1x1x1x8x128xf32, #tpu.memory_space<hbm>>
        %dma_wait3A_1405 = tpu.memref_squeeze %dma_wait3A_1404 : memref<1x1x1x8x128xf32, #tpu.memory_space<hbm>> -> memref<8x128xf32, #tpu.memory_space<hbm>>
        %dma_wait3A_1406 = arith.constant 16 : i32
        %dma_wait3A_1407 = arith.constant 0 : i32
        %dma_wait3A_1408 = tpu.memref_slice %arg13[%dma_wait3A_1406, %dma_wait3A_1407] : memref<64x128xf32, #tpu.memory_space<vmem>> -> memref<8x128xf32, #tpu.memory_space<vmem>>
        tpu.wait_dma2 semaphore(%arg21 : memref<!tpu.dma_semaphore, #tpu.memory_space<semaphore_mem>>) src(%dma_wait3A_1408 : memref<8x128xf32, #tpu.memory_space<vmem>>) dst(%dma_wait3A_1405 : memref<8x128xf32, #tpu.memory_space<hbm>>)
        %dma_wait3A_1409 = arith.constant 0 : i32
        %dma_wait3A_1410 = arith.constant 0 : i32
        %dma_wait3A_1411 = arith.constant 0 : i32
        %dma_wait3A_1412 = arith.constant 24 : i32
        %dma_wait3A_1413 = arith.constant 0 : i32
        %dma_wait3A_1414 = tpu.memref_slice %arg13[%dma_wait3A_1412, %dma_wait3A_1413] : memref<64x128xf32, #tpu.memory_space<vmem>> -> memref<8x128xf32, #tpu.memory_space<vmem>>
        %dma_wait3A_1415 = arith.constant 0 : i32
        %dma_wait3A_1416 = arith.constant 0 : i32
        %dma_wait3A_1417 = tpu.memref_slice %arg4[%dma_wait3A_1409, %dma_wait3A_1410, %dma_wait3A_1411, %dma_wait3A_1415, %dma_wait3A_1416] : memref<26x8x128x8x128xf32, #tpu.memory_space<hbm>> -> memref<1x1x1x8x128xf32, #tpu.memory_space<hbm>>
        %dma_wait3A_1418 = tpu.memref_squeeze %dma_wait3A_1417 : memref<1x1x1x8x128xf32, #tpu.memory_space<hbm>> -> memref<8x128xf32, #tpu.memory_space<hbm>>
        %dma_wait3A_1419 = arith.constant 0 : i32
        %dma_wait3A_1420 = arith.constant 0 : i32
        %dma_wait3A_1421 = tpu.memref_slice %arg4[%dma_wait3A_1409, %dma_wait3A_1410, %dma_wait3A_1411, %dma_wait3A_1419, %dma_wait3A_1420] : memref<26x8x128x8x128xf32, #tpu.memory_space<hbm>> -> memref<1x1x1x8x128xf32, #tpu.memory_space<hbm>>
        %dma_wait3A_1422 = tpu.memref_squeeze %dma_wait3A_1421 : memref<1x1x1x8x128xf32, #tpu.memory_space<hbm>> -> memref<8x128xf32, #tpu.memory_space<hbm>>
        %dma_wait3A_1423 = arith.constant 24 : i32
        %dma_wait3A_1424 = arith.constant 0 : i32
        %dma_wait3A_1425 = tpu.memref_slice %arg13[%dma_wait3A_1423, %dma_wait3A_1424] : memref<64x128xf32, #tpu.memory_space<vmem>> -> memref<8x128xf32, #tpu.memory_space<vmem>>
        tpu.wait_dma2 semaphore(%arg21 : memref<!tpu.dma_semaphore, #tpu.memory_space<semaphore_mem>>) src(%dma_wait3A_1425 : memref<8x128xf32, #tpu.memory_space<vmem>>) dst(%dma_wait3A_1422 : memref<8x128xf32, #tpu.memory_space<hbm>>)
        %dma_wait3A_1426 = arith.constant 0 : i32
        %dma_wait3A_1427 = arith.constant 0 : i32
        %dma_wait3A_1428 = arith.constant 0 : i32
        %dma_wait3A_1429 = arith.constant 32 : i32
        %dma_wait3A_1430 = arith.constant 0 : i32
        %dma_wait3A_1431 = tpu.memref_slice %arg13[%dma_wait3A_1429, %dma_wait3A_1430] : memref<64x128xf32, #tpu.memory_space<vmem>> -> memref<8x128xf32, #tpu.memory_space<vmem>>
        %dma_wait3A_1432 = arith.constant 0 : i32
        %dma_wait3A_1433 = arith.constant 0 : i32
        %dma_wait3A_1434 = tpu.memref_slice %arg4[%dma_wait3A_1426, %dma_wait3A_1427, %dma_wait3A_1428, %dma_wait3A_1432, %dma_wait3A_1433] : memref<26x8x128x8x128xf32, #tpu.memory_space<hbm>> -> memref<1x1x1x8x128xf32, #tpu.memory_space<hbm>>
        %dma_wait3A_1435 = tpu.memref_squeeze %dma_wait3A_1434 : memref<1x1x1x8x128xf32, #tpu.memory_space<hbm>> -> memref<8x128xf32, #tpu.memory_space<hbm>>
        %dma_wait3A_1436 = arith.constant 0 : i32
        %dma_wait3A_1437 = arith.constant 0 : i32
        %dma_wait3A_1438 = tpu.memref_slice %arg4[%dma_wait3A_1426, %dma_wait3A_1427, %dma_wait3A_1428, %dma_wait3A_1436, %dma_wait3A_1437] : memref<26x8x128x8x128xf32, #tpu.memory_space<hbm>> -> memref<1x1x1x8x128xf32, #tpu.memory_space<hbm>>
        %dma_wait3A_1439 = tpu.memref_squeeze %dma_wait3A_1438 : memref<1x1x1x8x128xf32, #tpu.memory_space<hbm>> -> memref<8x128xf32, #tpu.memory_space<hbm>>
        %dma_wait3A_1440 = arith.constant 32 : i32
        %dma_wait3A_1441 = arith.constant 0 : i32
        %dma_wait3A_1442 = tpu.memref_slice %arg13[%dma_wait3A_1440, %dma_wait3A_1441] : memref<64x128xf32, #tpu.memory_space<vmem>> -> memref<8x128xf32, #tpu.memory_space<vmem>>
        tpu.wait_dma2 semaphore(%arg21 : memref<!tpu.dma_semaphore, #tpu.memory_space<semaphore_mem>>) src(%dma_wait3A_1442 : memref<8x128xf32, #tpu.memory_space<vmem>>) dst(%dma_wait3A_1439 : memref<8x128xf32, #tpu.memory_space<hbm>>)
        %dma_wait3A_1443 = arith.constant 0 : i32
        %dma_wait3A_1444 = arith.constant 0 : i32
        %dma_wait3A_1445 = arith.constant 0 : i32
        %dma_wait3A_1446 = arith.constant 40 : i32
        %dma_wait3A_1447 = arith.constant 0 : i32
        %dma_wait3A_1448 = tpu.memref_slice %arg13[%dma_wait3A_1446, %dma_wait3A_1447] : memref<64x128xf32, #tpu.memory_space<vmem>> -> memref<8x128xf32, #tpu.memory_space<vmem>>
        %dma_wait3A_1449 = arith.constant 0 : i32
        %dma_wait3A_1450 = arith.constant 0 : i32
        %dma_wait3A_1451 = tpu.memref_slice %arg4[%dma_wait3A_1443, %dma_wait3A_1444, %dma_wait3A_1445, %dma_wait3A_1449, %dma_wait3A_1450] : memref<26x8x128x8x128xf32, #tpu.memory_space<hbm>> -> memref<1x1x1x8x128xf32, #tpu.memory_space<hbm>>
        %dma_wait3A_1452 = tpu.memref_squeeze %dma_wait3A_1451 : memref<1x1x1x8x128xf32, #tpu.memory_space<hbm>> -> memref<8x128xf32, #tpu.memory_space<hbm>>
        %dma_wait3A_1453 = arith.constant 0 : i32
        %dma_wait3A_1454 = arith.constant 0 : i32
        %dma_wait3A_1455 = tpu.memref_slice %arg4[%dma_wait3A_1443, %dma_wait3A_1444, %dma_wait3A_1445, %dma_wait3A_1453, %dma_wait3A_1454] : memref<26x8x128x8x128xf32, #tpu.memory_space<hbm>> -> memref<1x1x1x8x128xf32, #tpu.memory_space<hbm>>
        %dma_wait3A_1456 = tpu.memref_squeeze %dma_wait3A_1455 : memref<1x1x1x8x128xf32, #tpu.memory_space<hbm>> -> memref<8x128xf32, #tpu.memory_space<hbm>>
        %dma_wait3A_1457 = arith.constant 40 : i32
        %dma_wait3A_1458 = arith.constant 0 : i32
        %dma_wait3A_1459 = tpu.memref_slice %arg13[%dma_wait3A_1457, %dma_wait3A_1458] : memref<64x128xf32, #tpu.memory_space<vmem>> -> memref<8x128xf32, #tpu.memory_space<vmem>>
        tpu.wait_dma2 semaphore(%arg21 : memref<!tpu.dma_semaphore, #tpu.memory_space<semaphore_mem>>) src(%dma_wait3A_1459 : memref<8x128xf32, #tpu.memory_space<vmem>>) dst(%dma_wait3A_1456 : memref<8x128xf32, #tpu.memory_space<hbm>>)
        %dma_wait3A_1460 = arith.constant 0 : i32
        %dma_wait3A_1461 = arith.constant 0 : i32
        %dma_wait3A_1462 = arith.constant 0 : i32
        %dma_wait3A_1463 = arith.constant 48 : i32
        %dma_wait3A_1464 = arith.constant 0 : i32
        %dma_wait3A_1465 = tpu.memref_slice %arg13[%dma_wait3A_1463, %dma_wait3A_1464] : memref<64x128xf32, #tpu.memory_space<vmem>> -> memref<8x128xf32, #tpu.memory_space<vmem>>
        %dma_wait3A_1466 = arith.constant 0 : i32
        %dma_wait3A_1467 = arith.constant 0 : i32
        %dma_wait3A_1468 = tpu.memref_slice %arg4[%dma_wait3A_1460, %dma_wait3A_1461, %dma_wait3A_1462, %dma_wait3A_1466, %dma_wait3A_1467] : memref<26x8x128x8x128xf32, #tpu.memory_space<hbm>> -> memref<1x1x1x8x128xf32, #tpu.memory_space<hbm>>
        %dma_wait3A_1469 = tpu.memref_squeeze %dma_wait3A_1468 : memref<1x1x1x8x128xf32, #tpu.memory_space<hbm>> -> memref<8x128xf32, #tpu.memory_space<hbm>>
        %dma_wait3A_1470 = arith.constant 0 : i32
        %dma_wait3A_1471 = arith.constant 0 : i32
        %dma_wait3A_1472 = tpu.memref_slice %arg4[%dma_wait3A_1460, %dma_wait3A_1461, %dma_wait3A_1462, %dma_wait3A_1470, %dma_wait3A_1471] : memref<26x8x128x8x128xf32, #tpu.memory_space<hbm>> -> memref<1x1x1x8x128xf32, #tpu.memory_space<hbm>>
        %dma_wait3A_1473 = tpu.memref_squeeze %dma_wait3A_1472 : memref<1x1x1x8x128xf32, #tpu.memory_space<hbm>> -> memref<8x128xf32, #tpu.memory_space<hbm>>
        %dma_wait3A_1474 = arith.constant 48 : i32
        %dma_wait3A_1475 = arith.constant 0 : i32
        %dma_wait3A_1476 = tpu.memref_slice %arg13[%dma_wait3A_1474, %dma_wait3A_1475] : memref<64x128xf32, #tpu.memory_space<vmem>> -> memref<8x128xf32, #tpu.memory_space<vmem>>
        tpu.wait_dma2 semaphore(%arg21 : memref<!tpu.dma_semaphore, #tpu.memory_space<semaphore_mem>>) src(%dma_wait3A_1476 : memref<8x128xf32, #tpu.memory_space<vmem>>) dst(%dma_wait3A_1473 : memref<8x128xf32, #tpu.memory_space<hbm>>)
        %dma_wait3A_1477 = arith.constant 0 : i32
        %dma_wait3A_1478 = arith.constant 0 : i32
        %dma_wait3A_1479 = arith.constant 0 : i32
        %dma_wait3A_1480 = arith.constant 56 : i32
        %dma_wait3A_1481 = arith.constant 0 : i32
        %dma_wait3A_1482 = tpu.memref_slice %arg13[%dma_wait3A_1480, %dma_wait3A_1481] : memref<64x128xf32, #tpu.memory_space<vmem>> -> memref<8x128xf32, #tpu.memory_space<vmem>>
        %dma_wait3A_1483 = arith.constant 0 : i32
        %dma_wait3A_1484 = arith.constant 0 : i32
        %dma_wait3A_1485 = tpu.memref_slice %arg4[%dma_wait3A_1477, %dma_wait3A_1478, %dma_wait3A_1479, %dma_wait3A_1483, %dma_wait3A_1484] : memref<26x8x128x8x128xf32, #tpu.memory_space<hbm>> -> memref<1x1x1x8x128xf32, #tpu.memory_space<hbm>>
        %dma_wait3A_1486 = tpu.memref_squeeze %dma_wait3A_1485 : memref<1x1x1x8x128xf32, #tpu.memory_space<hbm>> -> memref<8x128xf32, #tpu.memory_space<hbm>>
        %dma_wait3A_1487 = arith.constant 0 : i32
        %dma_wait3A_1488 = arith.constant 0 : i32
        %dma_wait3A_1489 = tpu.memref_slice %arg4[%dma_wait3A_1477, %dma_wait3A_1478, %dma_wait3A_1479, %dma_wait3A_1487, %dma_wait3A_1488] : memref<26x8x128x8x128xf32, #tpu.memory_space<hbm>> -> memref<1x1x1x8x128xf32, #tpu.memory_space<hbm>>
        %dma_wait3A_1490 = tpu.memref_squeeze %dma_wait3A_1489 : memref<1x1x1x8x128xf32, #tpu.memory_space<hbm>> -> memref<8x128xf32, #tpu.memory_space<hbm>>
        %dma_wait3A_1491 = arith.constant 56 : i32
        %dma_wait3A_1492 = arith.constant 0 : i32
        %dma_wait3A_1493 = tpu.memref_slice %arg13[%dma_wait3A_1491, %dma_wait3A_1492] : memref<64x128xf32, #tpu.memory_space<vmem>> -> memref<8x128xf32, #tpu.memory_space<vmem>>
        tpu.wait_dma2 semaphore(%arg21 : memref<!tpu.dma_semaphore, #tpu.memory_space<semaphore_mem>>) src(%dma_wait3A_1493 : memref<8x128xf32, #tpu.memory_space<vmem>>) dst(%dma_wait3A_1490 : memref<8x128xf32, #tpu.memory_space<hbm>>)
      } else {
      }
      %scan3A_1225 = arith.constant 0 : i32
      %scan3A_1226 = arith.constant 0 : i32
      %scan3A_1227 = arith.constant 64 : i32
      %scan3A_1228 = arith.addi %scan3A_1226, %scan3A_1227 : i32
      %scan3A_1229 = arith.constant 1 : i32
      scf.for %scan3A_1358 = %scan3A_1226 to %scan3A_1228 step %scan3A_1229  : i32 {
        %broadcast_in_dim3A = vector.broadcast %scan3A_1358 : i32 to vector<16xi32>
        %gather3A = tpu.vector_load_idx %arg9[%add3A_32, %broadcast_in_dim3A] : memref<128x64xf32, #tpu.memory_space<vmem>>[vector<16xi32>, vector<16xi32>], vector<16xf32>,
        %swap3A = arith.index_cast %scan3A_1358 : i32 to index
        %swap3A_1359 = arith.constant 0 : index
        %swap3A_1360 = tpu.vector_load %arg13[%swap3A, %swap3A_1359] {strides = array<i32>} : memref<64x128xf32, #tpu.memory_space<vmem>>, vector<16xf32>,
        tpu.vector_store %arg13[%swap3A, %swap3A_1359], %gather3A {strides = array<i32>} : memref<64x128xf32, #tpu.memory_space<vmem>>, vector<16xf32>,
        %gather3A_1361 = tpu.vector_load_idx %arg9[%add3A_35, %broadcast_in_dim3A] : memref<128x64xf32, #tpu.memory_space<vmem>>[vector<16xi32>, vector<16xi32>], vector<16xf32>,
        %swap3A_1362 = arith.index_cast %scan3A_1358 : i32 to index
        %swap3A_1363 = arith.constant 16 : index
        %swap3A_1364 = tpu.vector_load %arg13[%swap3A_1362, %swap3A_1363] {strides = array<i32>} : memref<64x128xf32, #tpu.memory_space<vmem>>, vector<16xf32>,
        tpu.vector_store %arg13[%swap3A_1362, %swap3A_1363], %gather3A_1361 {strides = array<i32>} : memref<64x128xf32, #tpu.memory_space<vmem>>, vector<16xf32>,
        %gather3A_1365 = tpu.vector_load_idx %arg9[%add3A_38, %broadcast_in_dim3A] : memref<128x64xf32, #tpu.memory_space<vmem>>[vector<16xi32>, vector<16xi32>], vector<16xf32>,
        %swap3A_1366 = arith.index_cast %scan3A_1358 : i32 to index
        %swap3A_1367 = arith.constant 32 : index
        %swap3A_1368 = tpu.vector_load %arg13[%swap3A_1366, %swap3A_1367] {strides = array<i32>} : memref<64x128xf32, #tpu.memory_space<vmem>>, vector<16xf32>,
        tpu.vector_store %arg13[%swap3A_1366, %swap3A_1367], %gather3A_1365 {strides = array<i32>} : memref<64x128xf32, #tpu.memory_space<vmem>>, vector<16xf32>,
        %gather3A_1369 = tpu.vector_load_idx %arg9[%add3A_41, %broadcast_in_dim3A] : memref<128x64xf32, #tpu.memory_space<vmem>>[vector<16xi32>, vector<16xi32>], vector<16xf32>,
        %swap3A_1370 = arith.index_cast %scan3A_1358 : i32 to index
        %swap3A_1371 = arith.constant 48 : index
        %swap3A_1372 = tpu.vector_load %arg13[%swap3A_1370, %swap3A_1371] {strides = array<i32>} : memref<64x128xf32, #tpu.memory_space<vmem>>, vector<16xf32>,
        tpu.vector_store %arg13[%swap3A_1370, %swap3A_1371], %gather3A_1369 {strides = array<i32>} : memref<64x128xf32, #tpu.memory_space<vmem>>, vector<16xf32>,
        %gather3A_1373 = tpu.vector_load_idx %arg9[%add3A_44, %broadcast_in_dim3A] : memref<128x64xf32, #tpu.memory_space<vmem>>[vector<16xi32>, vector<16xi32>], vector<16xf32>,
        %swap3A_1374 = arith.index_cast %scan3A_1358 : i32 to index
        %swap3A_1375 = arith.constant 64 : index
        %swap3A_1376 = tpu.vector_load %arg13[%swap3A_1374, %swap3A_1375] {strides = array<i32>} : memref<64x128xf32, #tpu.memory_space<vmem>>, vector<16xf32>,
        tpu.vector_store %arg13[%swap3A_1374, %swap3A_1375], %gather3A_1373 {strides = array<i32>} : memref<64x128xf32, #tpu.memory_space<vmem>>, vector<16xf32>,
        %gather3A_1377 = tpu.vector_load_idx %arg9[%add3A_47, %broadcast_in_dim3A] : memref<128x64xf32, #tpu.memory_space<vmem>>[vector<16xi32>, vector<16xi32>], vector<16xf32>,
        %swap3A_1378 = arith.index_cast %scan3A_1358 : i32 to index
        %swap3A_1379 = arith.constant 80 : index
        %swap3A_1380 = tpu.vector_load %arg13[%swap3A_1378, %swap3A_1379] {strides = array<i32>} : memref<64x128xf32, #tpu.memory_space<vmem>>, vector<16xf32>,
        tpu.vector_store %arg13[%swap3A_1378, %swap3A_1379], %gather3A_1377 {strides = array<i32>} : memref<64x128xf32, #tpu.memory_space<vmem>>, vector<16xf32>,
        %gather3A_1381 = tpu.vector_load_idx %arg9[%add3A_50, %broadcast_in_dim3A] : memref<128x64xf32, #tpu.memory_space<vmem>>[vector<16xi32>, vector<16xi32>], vector<16xf32>,
        %swap3A_1382 = arith.index_cast %scan3A_1358 : i32 to index
        %swap3A_1383 = arith.constant 96 : index
        %swap3A_1384 = tpu.vector_load %arg13[%swap3A_1382, %swap3A_1383] {strides = array<i32>} : memref<64x128xf32, #tpu.memory_space<vmem>>, vector<16xf32>,
        tpu.vector_store %arg13[%swap3A_1382, %swap3A_1383], %gather3A_1381 {strides = array<i32>} : memref<64x128xf32, #tpu.memory_space<vmem>>, vector<16xf32>,
        %gather3A_1385 = tpu.vector_load_idx %arg9[%add3A_53, %broadcast_in_dim3A] : memref<128x64xf32, #tpu.memory_space<vmem>>[vector<16xi32>, vector<16xi32>], vector<16xf32>,
        %swap3A_1386 = arith.index_cast %scan3A_1358 : i32 to index
        %swap3A_1387 = arith.constant 112 : index
        %swap3A_1388 = tpu.vector_load %arg13[%swap3A_1386, %swap3A_1387] {strides = array<i32>} : memref<64x128xf32, #tpu.memory_space<vmem>>, vector<16xf32>,
        tpu.vector_store %arg13[%swap3A_1386, %swap3A_1387], %gather3A_1385 {strides = array<i32>} : memref<64x128xf32, #tpu.memory_space<vmem>>, vector<16xf32>,
      }
      %scan3A_1230 = arith.constant 64 : i32
      %dma_start3A_1231 = arith.constant 0 : i32
      %dma_start3A_1232 = arith.constant 0 : i32
      %dma_start3A_1233 = arith.constant 0 : i32
      %dma_start3A_1234 = tpu.memref_slice %arg13[%dma_start3A_1232, %dma_start3A_1233] : memref<64x128xf32, #tpu.memory_space<vmem>> -> memref<8x128xf32, #tpu.memory_space<vmem>>
      %dma_start3A_1235 = arith.constant 0 : i32
      %dma_start3A_1236 = arith.constant 0 : i32
      %dma_start3A_1237 = tpu.memref_slice %arg4[%select_n3A_1193, %dma_start3A_1231, %add3A_1212, %dma_start3A_1235, %dma_start3A_1236] : memref<26x8x128x8x128xf32, #tpu.memory_space<hbm>> -> memref<1x1x1x8x128xf32, #tpu.memory_space<hbm>>
      %dma_start3A_1238 = tpu.memref_squeeze %dma_start3A_1237 : memref<1x1x1x8x128xf32, #tpu.memory_space<hbm>> -> memref<8x128xf32, #tpu.memory_space<hbm>>
      %dma_start3A_1239 = arith.constant 0 : i32
      %dma_start3A_1240 = arith.constant 0 : i32
      %dma_start3A_1241 = tpu.memref_slice %arg4[%select_n3A_1193, %dma_start3A_1231, %add3A_1212, %dma_start3A_1239, %dma_start3A_1240] : memref<26x8x128x8x128xf32, #tpu.memory_space<hbm>> -> memref<1x1x1x8x128xf32, #tpu.memory_space<hbm>>
      %dma_start3A_1242 = tpu.memref_squeeze %dma_start3A_1241 : memref<1x1x1x8x128xf32, #tpu.memory_space<hbm>> -> memref<8x128xf32, #tpu.memory_space<hbm>>
      %dma_start3A_1243 = arith.constant 0 : i32
      %dma_start3A_1244 = arith.constant 0 : i32
      %dma_start3A_1245 = tpu.memref_slice %arg13[%dma_start3A_1243, %dma_start3A_1244] : memref<64x128xf32, #tpu.memory_space<vmem>> -> memref<8x128xf32, #tpu.memory_space<vmem>>
      tpu.enqueue_dma source(%dma_start3A_1245 : memref<8x128xf32, #tpu.memory_space<vmem>>) target(%dma_start3A_1242 : memref<8x128xf32, #tpu.memory_space<hbm>>) target_semaphore(%arg21 : memref<!tpu.dma_semaphore, #tpu.memory_space<semaphore_mem>>)
      %dma_start3A_1246 = arith.constant 1 : i32
      %dma_start3A_1247 = arith.constant 8 : i32
      %dma_start3A_1248 = arith.constant 0 : i32
      %dma_start3A_1249 = tpu.memref_slice %arg13[%dma_start3A_1247, %dma_start3A_1248] : memref<64x128xf32, #tpu.memory_space<vmem>> -> memref<8x128xf32, #tpu.memory_space<vmem>>
      %dma_start3A_1250 = arith.constant 0 : i32
      %dma_start3A_1251 = arith.constant 0 : i32
      %dma_start3A_1252 = tpu.memref_slice %arg4[%select_n3A_1193, %dma_start3A_1246, %add3A_1212, %dma_start3A_1250, %dma_start3A_1251] : memref<26x8x128x8x128xf32, #tpu.memory_space<hbm>> -> memref<1x1x1x8x128xf32, #tpu.memory_space<hbm>>
      %dma_start3A_1253 = tpu.memref_squeeze %dma_start3A_1252 : memref<1x1x1x8x128xf32, #tpu.memory_space<hbm>> -> memref<8x128xf32, #tpu.memory_space<hbm>>
      %dma_start3A_1254 = arith.constant 0 : i32
      %dma_start3A_1255 = arith.constant 0 : i32
      %dma_start3A_1256 = tpu.memref_slice %arg4[%select_n3A_1193, %dma_start3A_1246, %add3A_1212, %dma_start3A_1254, %dma_start3A_1255] : memref<26x8x128x8x128xf32, #tpu.memory_space<hbm>> -> memref<1x1x1x8x128xf32, #tpu.memory_space<hbm>>
      %dma_start3A_1257 = tpu.memref_squeeze %dma_start3A_1256 : memref<1x1x1x8x128xf32, #tpu.memory_space<hbm>> -> memref<8x128xf32, #tpu.memory_space<hbm>>
      %dma_start3A_1258 = arith.constant 8 : i32
      %dma_start3A_1259 = arith.constant 0 : i32
      %dma_start3A_1260 = tpu.memref_slice %arg13[%dma_start3A_1258, %dma_start3A_1259] : memref<64x128xf32, #tpu.memory_space<vmem>> -> memref<8x128xf32, #tpu.memory_space<vmem>>
      tpu.enqueue_dma source(%dma_start3A_1260 : memref<8x128xf32, #tpu.memory_space<vmem>>) target(%dma_start3A_1257 : memref<8x128xf32, #tpu.memory_space<hbm>>) target_semaphore(%arg21 : memref<!tpu.dma_semaphore, #tpu.memory_space<semaphore_mem>>)
      %dma_start3A_1261 = arith.constant 2 : i32
      %dma_start3A_1262 = arith.constant 16 : i32
      %dma_start3A_1263 = arith.constant 0 : i32
      %dma_start3A_1264 = tpu.memref_slice %arg13[%dma_start3A_1262, %dma_start3A_1263] : memref<64x128xf32, #tpu.memory_space<vmem>> -> memref<8x128xf32, #tpu.memory_space<vmem>>
      %dma_start3A_1265 = arith.constant 0 : i32
      %dma_start3A_1266 = arith.constant 0 : i32
      %dma_start3A_1267 = tpu.memref_slice %arg4[%select_n3A_1193, %dma_start3A_1261, %add3A_1212, %dma_start3A_1265, %dma_start3A_1266] : memref<26x8x128x8x128xf32, #tpu.memory_space<hbm>> -> memref<1x1x1x8x128xf32, #tpu.memory_space<hbm>>
      %dma_start3A_1268 = tpu.memref_squeeze %dma_start3A_1267 : memref<1x1x1x8x128xf32, #tpu.memory_space<hbm>> -> memref<8x128xf32, #tpu.memory_space<hbm>>
      %dma_start3A_1269 = arith.constant 0 : i32
      %dma_start3A_1270 = arith.constant 0 : i32
      %dma_start3A_1271 = tpu.memref_slice %arg4[%select_n3A_1193, %dma_start3A_1261, %add3A_1212, %dma_start3A_1269, %dma_start3A_1270] : memref<26x8x128x8x128xf32, #tpu.memory_space<hbm>> -> memref<1x1x1x8x128xf32, #tpu.memory_space<hbm>>
      %dma_start3A_1272 = tpu.memref_squeeze %dma_start3A_1271 : memref<1x1x1x8x128xf32, #tpu.memory_space<hbm>> -> memref<8x128xf32, #tpu.memory_space<hbm>>
      %dma_start3A_1273 = arith.constant 16 : i32
      %dma_start3A_1274 = arith.constant 0 : i32
      %dma_start3A_1275 = tpu.memref_slice %arg13[%dma_start3A_1273, %dma_start3A_1274] : memref<64x128xf32, #tpu.memory_space<vmem>> -> memref<8x128xf32, #tpu.memory_space<vmem>>
      tpu.enqueue_dma source(%dma_start3A_1275 : memref<8x128xf32, #tpu.memory_space<vmem>>) target(%dma_start3A_1272 : memref<8x128xf32, #tpu.memory_space<hbm>>) target_semaphore(%arg21 : memref<!tpu.dma_semaphore, #tpu.memory_space<semaphore_mem>>)
      %dma_start3A_1276 = arith.constant 3 : i32
      %dma_start3A_1277 = arith.constant 24 : i32
      %dma_start3A_1278 = arith.constant 0 : i32
      %dma_start3A_1279 = tpu.memref_slice %arg13[%dma_start3A_1277, %dma_start3A_1278] : memref<64x128xf32, #tpu.memory_space<vmem>> -> memref<8x128xf32, #tpu.memory_space<vmem>>
      %dma_start3A_1280 = arith.constant 0 : i32
      %dma_start3A_1281 = arith.constant 0 : i32
      %dma_start3A_1282 = tpu.memref_slice %arg4[%select_n3A_1193, %dma_start3A_1276, %add3A_1212, %dma_start3A_1280, %dma_start3A_1281] : memref<26x8x128x8x128xf32, #tpu.memory_space<hbm>> -> memref<1x1x1x8x128xf32, #tpu.memory_space<hbm>>
      %dma_start3A_1283 = tpu.memref_squeeze %dma_start3A_1282 : memref<1x1x1x8x128xf32, #tpu.memory_space<hbm>> -> memref<8x128xf32, #tpu.memory_space<hbm>>
      %dma_start3A_1284 = arith.constant 0 : i32
      %dma_start3A_1285 = arith.constant 0 : i32
      %dma_start3A_1286 = tpu.memref_slice %arg4[%select_n3A_1193, %dma_start3A_1276, %add3A_1212, %dma_start3A_1284, %dma_start3A_1285] : memref<26x8x128x8x128xf32, #tpu.memory_space<hbm>> -> memref<1x1x1x8x128xf32, #tpu.memory_space<hbm>>
      %dma_start3A_1287 = tpu.memref_squeeze %dma_start3A_1286 : memref<1x1x1x8x128xf32, #tpu.memory_space<hbm>> -> memref<8x128xf32, #tpu.memory_space<hbm>>
      %dma_start3A_1288 = arith.constant 24 : i32
      %dma_start3A_1289 = arith.constant 0 : i32
      %dma_start3A_1290 = tpu.memref_slice %arg13[%dma_start3A_1288, %dma_start3A_1289] : memref<64x128xf32, #tpu.memory_space<vmem>> -> memref<8x128xf32, #tpu.memory_space<vmem>>
      tpu.enqueue_dma source(%dma_start3A_1290 : memref<8x128xf32, #tpu.memory_space<vmem>>) target(%dma_start3A_1287 : memref<8x128xf32, #tpu.memory_space<hbm>>) target_semaphore(%arg21 : memref<!tpu.dma_semaphore, #tpu.memory_space<semaphore_mem>>)
      %dma_start3A_1291 = arith.constant 4 : i32
      %dma_start3A_1292 = arith.constant 32 : i32
      %dma_start3A_1293 = arith.constant 0 : i32
      %dma_start3A_1294 = tpu.memref_slice %arg13[%dma_start3A_1292, %dma_start3A_1293] : memref<64x128xf32, #tpu.memory_space<vmem>> -> memref<8x128xf32, #tpu.memory_space<vmem>>
      %dma_start3A_1295 = arith.constant 0 : i32
      %dma_start3A_1296 = arith.constant 0 : i32
      %dma_start3A_1297 = tpu.memref_slice %arg4[%select_n3A_1193, %dma_start3A_1291, %add3A_1212, %dma_start3A_1295, %dma_start3A_1296] : memref<26x8x128x8x128xf32, #tpu.memory_space<hbm>> -> memref<1x1x1x8x128xf32, #tpu.memory_space<hbm>>
      %dma_start3A_1298 = tpu.memref_squeeze %dma_start3A_1297 : memref<1x1x1x8x128xf32, #tpu.memory_space<hbm>> -> memref<8x128xf32, #tpu.memory_space<hbm>>
      %dma_start3A_1299 = arith.constant 0 : i32
      %dma_start3A_1300 = arith.constant 0 : i32
      %dma_start3A_1301 = tpu.memref_slice %arg4[%select_n3A_1193, %dma_start3A_1291, %add3A_1212, %dma_start3A_1299, %dma_start3A_1300] : memref<26x8x128x8x128xf32, #tpu.memory_space<hbm>> -> memref<1x1x1x8x128xf32, #tpu.memory_space<hbm>>
      %dma_start3A_1302 = tpu.memref_squeeze %dma_start3A_1301 : memref<1x1x1x8x128xf32, #tpu.memory_space<hbm>> -> memref<8x128xf32, #tpu.memory_space<hbm>>
      %dma_start3A_1303 = arith.constant 32 : i32
      %dma_start3A_1304 = arith.constant 0 : i32
      %dma_start3A_1305 = tpu.memref_slice %arg13[%dma_start3A_1303, %dma_start3A_1304] : memref<64x128xf32, #tpu.memory_space<vmem>> -> memref<8x128xf32, #tpu.memory_space<vmem>>
      tpu.enqueue_dma source(%dma_start3A_1305 : memref<8x128xf32, #tpu.memory_space<vmem>>) target(%dma_start3A_1302 : memref<8x128xf32, #tpu.memory_space<hbm>>) target_semaphore(%arg21 : memref<!tpu.dma_semaphore, #tpu.memory_space<semaphore_mem>>)
      %dma_start3A_1306 = arith.constant 5 : i32
      %dma_start3A_1307 = arith.constant 40 : i32
      %dma_start3A_1308 = arith.constant 0 : i32
      %dma_start3A_1309 = tpu.memref_slice %arg13[%dma_start3A_1307, %dma_start3A_1308] : memref<64x128xf32, #tpu.memory_space<vmem>> -> memref<8x128xf32, #tpu.memory_space<vmem>>
      %dma_start3A_1310 = arith.constant 0 : i32
      %dma_start3A_1311 = arith.constant 0 : i32
      %dma_start3A_1312 = tpu.memref_slice %arg4[%select_n3A_1193, %dma_start3A_1306, %add3A_1212, %dma_start3A_1310, %dma_start3A_1311] : memref<26x8x128x8x128xf32, #tpu.memory_space<hbm>> -> memref<1x1x1x8x128xf32, #tpu.memory_space<hbm>>
      %dma_start3A_1313 = tpu.memref_squeeze %dma_start3A_1312 : memref<1x1x1x8x128xf32, #tpu.memory_space<hbm>> -> memref<8x128xf32, #tpu.memory_space<hbm>>
      %dma_start3A_1314 = arith.constant 0 : i32
      %dma_start3A_1315 = arith.constant 0 : i32
      %dma_start3A_1316 = tpu.memref_slice %arg4[%select_n3A_1193, %dma_start3A_1306, %add3A_1212, %dma_start3A_1314, %dma_start3A_1315] : memref<26x8x128x8x128xf32, #tpu.memory_space<hbm>> -> memref<1x1x1x8x128xf32, #tpu.memory_space<hbm>>
      %dma_start3A_1317 = tpu.memref_squeeze %dma_start3A_1316 : memref<1x1x1x8x128xf32, #tpu.memory_space<hbm>> -> memref<8x128xf32, #tpu.memory_space<hbm>>
      %dma_start3A_1318 = arith.constant 40 : i32
      %dma_start3A_1319 = arith.constant 0 : i32
      %dma_start3A_1320 = tpu.memref_slice %arg13[%dma_start3A_1318, %dma_start3A_1319] : memref<64x128xf32, #tpu.memory_space<vmem>> -> memref<8x128xf32, #tpu.memory_space<vmem>>
      tpu.enqueue_dma source(%dma_start3A_1320 : memref<8x128xf32, #tpu.memory_space<vmem>>) target(%dma_start3A_1317 : memref<8x128xf32, #tpu.memory_space<hbm>>) target_semaphore(%arg21 : memref<!tpu.dma_semaphore, #tpu.memory_space<semaphore_mem>>)
      %dma_start3A_1321 = arith.constant 6 : i32
      %dma_start3A_1322 = arith.constant 48 : i32
      %dma_start3A_1323 = arith.constant 0 : i32
      %dma_start3A_1324 = tpu.memref_slice %arg13[%dma_start3A_1322, %dma_start3A_1323] : memref<64x128xf32, #tpu.memory_space<vmem>> -> memref<8x128xf32, #tpu.memory_space<vmem>>
      %dma_start3A_1325 = arith.constant 0 : i32
      %dma_start3A_1326 = arith.constant 0 : i32
      %dma_start3A_1327 = tpu.memref_slice %arg4[%select_n3A_1193, %dma_start3A_1321, %add3A_1212, %dma_start3A_1325, %dma_start3A_1326] : memref<26x8x128x8x128xf32, #tpu.memory_space<hbm>> -> memref<1x1x1x8x128xf32, #tpu.memory_space<hbm>>
      %dma_start3A_1328 = tpu.memref_squeeze %dma_start3A_1327 : memref<1x1x1x8x128xf32, #tpu.memory_space<hbm>> -> memref<8x128xf32, #tpu.memory_space<hbm>>
      %dma_start3A_1329 = arith.constant 0 : i32
      %dma_start3A_1330 = arith.constant 0 : i32
      %dma_start3A_1331 = tpu.memref_slice %arg4[%select_n3A_1193, %dma_start3A_1321, %add3A_1212, %dma_start3A_1329, %dma_start3A_1330] : memref<26x8x128x8x128xf32, #tpu.memory_space<hbm>> -> memref<1x1x1x8x128xf32, #tpu.memory_space<hbm>>
      %dma_start3A_1332 = tpu.memref_squeeze %dma_start3A_1331 : memref<1x1x1x8x128xf32, #tpu.memory_space<hbm>> -> memref<8x128xf32, #tpu.memory_space<hbm>>
      %dma_start3A_1333 = arith.constant 48 : i32
      %dma_start3A_1334 = arith.constant 0 : i32
      %dma_start3A_1335 = tpu.memref_slice %arg13[%dma_start3A_1333, %dma_start3A_1334] : memref<64x128xf32, #tpu.memory_space<vmem>> -> memref<8x128xf32, #tpu.memory_space<vmem>>
      tpu.enqueue_dma source(%dma_start3A_1335 : memref<8x128xf32, #tpu.memory_space<vmem>>) target(%dma_start3A_1332 : memref<8x128xf32, #tpu.memory_space<hbm>>) target_semaphore(%arg21 : memref<!tpu.dma_semaphore, #tpu.memory_space<semaphore_mem>>)
      %dma_start3A_1336 = arith.constant 7 : i32
      %dma_start3A_1337 = arith.constant 56 : i32
      %dma_start3A_1338 = arith.constant 0 : i32
      %dma_start3A_1339 = tpu.memref_slice %arg13[%dma_start3A_1337, %dma_start3A_1338] : memref<64x128xf32, #tpu.memory_space<vmem>> -> memref<8x128xf32, #tpu.memory_space<vmem>>
      %dma_start3A_1340 = arith.constant 0 : i32
      %dma_start3A_1341 = arith.constant 0 : i32
      %dma_start3A_1342 = tpu.memref_slice %arg4[%select_n3A_1193, %dma_start3A_1336, %add3A_1212, %dma_start3A_1340, %dma_start3A_1341] : memref<26x8x128x8x128xf32, #tpu.memory_space<hbm>> -> memref<1x1x1x8x128xf32, #tpu.memory_space<hbm>>
      %dma_start3A_1343 = tpu.memref_squeeze %dma_start3A_1342 : memref<1x1x1x8x128xf32, #tpu.memory_space<hbm>> -> memref<8x128xf32, #tpu.memory_space<hbm>>
      %dma_start3A_1344 = arith.constant 0 : i32
      %dma_start3A_1345 = arith.constant 0 : i32
      %dma_start3A_1346 = tpu.memref_slice %arg4[%select_n3A_1193, %dma_start3A_1336, %add3A_1212, %dma_start3A_1344, %dma_start3A_1345] : memref<26x8x128x8x128xf32, #tpu.memory_space<hbm>> -> memref<1x1x1x8x128xf32, #tpu.memory_space<hbm>>
      %dma_start3A_1347 = tpu.memref_squeeze %dma_start3A_1346 : memref<1x1x1x8x128xf32, #tpu.memory_space<hbm>> -> memref<8x128xf32, #tpu.memory_space<hbm>>
      %dma_start3A_1348 = arith.constant 56 : i32
      %dma_start3A_1349 = arith.constant 0 : i32
      %dma_start3A_1350 = tpu.memref_slice %arg13[%dma_start3A_1348, %dma_start3A_1349] : memref<64x128xf32, #tpu.memory_space<vmem>> -> memref<8x128xf32, #tpu.memory_space<vmem>>
      tpu.enqueue_dma source(%dma_start3A_1350 : memref<8x128xf32, #tpu.memory_space<vmem>>) target(%dma_start3A_1347 : memref<8x128xf32, #tpu.memory_space<hbm>>) target_semaphore(%arg21 : memref<!tpu.dma_semaphore, #tpu.memory_space<semaphore_mem>>)
      %add3A_1351 = arith.constant 4 : i32
      %add3A_1352 = arith.addi %add3A_1169, %add3A_1351 : i32
      %lt3A_1353 = arith.constant 104 : i32
      %lt3A_1354 = arith.cmpi slt, %add3A_1352, %lt3A_1353 : i32
      %convert_element_type3A_1355 = arith.extui %lt3A_1354 : i1 to i32
      %cond3A_1356 = arith.constant 0 : i32
      %cond3A_1357 = arith.cmpi ne, %convert_element_type3A_1355, %cond3A_1356 : i32
      scf.if %cond3A_1357 {
        %add3A_1358 = arith.constant 4 : i32
        %add3A_1359 = arith.addi %add3A_1169, %add3A_1358 : i32
        %jit3A_1360 = arith.constant 4 : i32
        %div3A_1361 = arith.divsi %add3A_1359, %jit3A_1360 : i32
        %sign3A_1362 = arith.constant 0 : i32
        %sign3A_1363 = arith.cmpi sgt, %add3A_1359, %sign3A_1362 : i32
        %sign3A_1364 = arith.extui %sign3A_1363 : i1 to i32
        %sign3A_1365 = arith.constant 0 : i32
        %sign3A_1366 = arith.cmpi slt, %add3A_1359, %sign3A_1365 : i32
        %sign3A_1367 = arith.extui %sign3A_1366 : i1 to i32
        %sign3A_1368 = arith.subi %sign3A_1364, %sign3A_1367 : i32
        %sign3A_1369 = arith.constant 0 : i32
        %sign3A_1370 = arith.cmpi sgt, %jit3A_1360, %sign3A_1369 : i32
        %sign3A_1371 = arith.extui %sign3A_1370 : i1 to i32
        %sign3A_1372 = arith.constant 0 : i32
        %sign3A_1373 = arith.cmpi slt, %jit3A_1360, %sign3A_1372 : i32
        %sign3A_1374 = arith.extui %sign3A_1373 : i1 to i32
        %sign3A_1375 = arith.subi %sign3A_1371, %sign3A_1374 : i32
        %ne3A_1376 = arith.cmpi ne, %sign3A_1368, %sign3A_1375 : i32
        %rem3A_1377 = arith.remsi %add3A_1359, %jit3A_1360 : i32
        %ne3A_1378 = arith.constant 0 : i32
        %ne3A_1379 = arith.cmpi ne, %rem3A_1377, %ne3A_1378 : i32
        %and3A_1380 = arith.andi %ne3A_1376, %ne3A_1379 : i1
        %sub3A_1381 = arith.constant 1 : i32
        %sub3A_1382 = arith.subi %div3A_1361, %sub3A_1381 : i32
        %select_n3A_1383 = arith.select %and3A_1380, %sub3A_1382, %div3A_1361 : i32
        %jit3A_1384 = arith.constant 4 : i32
        %eq3A_1385 = arith.constant 0 : i32
        %eq3A_1386 = arith.cmpi eq, %jit3A_1384, %eq3A_1385 : i32
        %jit3A_1387 = arith.constant 1 : i32
        %select_n3A_1388 = arith.select %eq3A_1386, %jit3A_1387, %jit3A_1384 : i32
        %rem3A_1389 = arith.remsi %add3A_1359, %select_n3A_1388 : i32
        %ne3A_1390 = arith.constant 0 : i32
        %ne3A_1391 = arith.cmpi ne, %rem3A_1389, %ne3A_1390 : i32
        %lt3A_1392 = arith.constant 0 : i32
        %lt3A_1393 = arith.cmpi slt, %rem3A_1389, %lt3A_1392 : i32
        %lt3A_1394 = arith.constant 0 : i32
        %lt3A_1395 = arith.cmpi slt, %select_n3A_1388, %lt3A_1394 : i32
        %ne3A_1396 = arith.xori %lt3A_1393, %lt3A_1395 : i1
        %and3A_1397 = arith.andi %ne3A_1396, %ne3A_1391 : i1
        %add3A_1398 = arith.addi %rem3A_1389, %select_n3A_1388 : i32
        %select_n3A_1399 = arith.select %and3A_1397, %add3A_1398, %rem3A_1389 : i32
        %mul3A_1400 = arith.constant 128 : i32
        %mul3A_1401 = arith.muli %select_n3A_1399, %mul3A_1400 : i32
        %dma_start3A_1402 = tpu.memref_slice %arg5[%select_n3A_1383, %mul3A_1401] : memref<26x512xi32, #tpu.memory_space<vmem>> -> memref<1x128xi32, #tpu.memory_space<vmem>>
        %dma_start3A_1403 = tpu.memref_squeeze %dma_start3A_1402 : memref<1x128xi32, #tpu.memory_space<vmem>> -> memref<128xi32, #tpu.memory_space<vmem>>
        %dma_start3A_1404 = arith.constant 0 : i32
        %dma_start3A_1405 = arith.constant 0 : i32
        %dma_start3A_1406 = tpu.memref_slice %arg3[%dma_start3A_1404, %dma_start3A_1405] : memref<1000000x64xf32, #tpu.memory_space<hbm>> -> memref<1000000x64xf32, #tpu.memory_space<hbm>>
        tpu.enqueue_indirect_dma source(%dma_start3A_1406 : memref<1000000x64xf32, #tpu.memory_space<hbm>>) target(%arg9 : memref<128x64xf32, #tpu.memory_space<vmem>>) offsets(%dma_start3A_1403 : memref<128xi32, #tpu.memory_space<vmem>>) semaphore(%arg17 : memref<!tpu.dma_semaphore, #tpu.memory_space<semaphore_mem>>)
      } else {
      }
    }
    %scan3A_58 = arith.constant 26 : i32
    %dma_wait3A = arith.constant 0 : i32
    %dma_wait3A_59 = arith.constant 0 : i32
    %dma_wait3A_60 = arith.constant 0 : i32
    %dma_wait3A_61 = arith.constant 0 : i32
    %dma_wait3A_62 = arith.constant 0 : i32
    %dma_wait3A_63 = tpu.memref_slice %arg10[%dma_wait3A_61, %dma_wait3A_62] : memref<64x128xf32, #tpu.memory_space<vmem>> -> memref<8x128xf32, #tpu.memory_space<vmem>>
    %dma_wait3A_64 = arith.constant 0 : i32
    %dma_wait3A_65 = arith.constant 0 : i32
    %dma_wait3A_66 = tpu.memref_slice %arg4[%dma_wait3A, %dma_wait3A_59, %dma_wait3A_60, %dma_wait3A_64, %dma_wait3A_65] : memref<26x8x128x8x128xf32, #tpu.memory_space<hbm>> -> memref<1x1x1x8x128xf32, #tpu.memory_space<hbm>>
    %dma_wait3A_67 = tpu.memref_squeeze %dma_wait3A_66 : memref<1x1x1x8x128xf32, #tpu.memory_space<hbm>> -> memref<8x128xf32, #tpu.memory_space<hbm>>
    %dma_wait3A_68 = arith.constant 0 : i32
    %dma_wait3A_69 = arith.constant 0 : i32
    %dma_wait3A_70 = tpu.memref_slice %arg4[%dma_wait3A, %dma_wait3A_59, %dma_wait3A_60, %dma_wait3A_68, %dma_wait3A_69] : memref<26x8x128x8x128xf32, #tpu.memory_space<hbm>> -> memref<1x1x1x8x128xf32, #tpu.memory_space<hbm>>
    %dma_wait3A_71 = tpu.memref_squeeze %dma_wait3A_70 : memref<1x1x1x8x128xf32, #tpu.memory_space<hbm>> -> memref<8x128xf32, #tpu.memory_space<hbm>>
    %dma_wait3A_72 = arith.constant 0 : i32
    %dma_wait3A_73 = arith.constant 0 : i32
    %dma_wait3A_74 = tpu.memref_slice %arg10[%dma_wait3A_72, %dma_wait3A_73] : memref<64x128xf32, #tpu.memory_space<vmem>> -> memref<8x128xf32, #tpu.memory_space<vmem>>
    tpu.wait_dma2 semaphore(%arg18 : memref<!tpu.dma_semaphore, #tpu.memory_space<semaphore_mem>>) src(%dma_wait3A_74 : memref<8x128xf32, #tpu.memory_space<vmem>>) dst(%dma_wait3A_71 : memref<8x128xf32, #tpu.memory_space<hbm>>)
    %dma_wait3A_75 = arith.constant 0 : i32
    %dma_wait3A_76 = arith.constant 0 : i32
    %dma_wait3A_77 = arith.constant 0 : i32
    %dma_wait3A_78 = arith.constant 8 : i32
    %dma_wait3A_79 = arith.constant 0 : i32
    %dma_wait3A_80 = tpu.memref_slice %arg10[%dma_wait3A_78, %dma_wait3A_79] : memref<64x128xf32, #tpu.memory_space<vmem>> -> memref<8x128xf32, #tpu.memory_space<vmem>>
    %dma_wait3A_81 = arith.constant 0 : i32
    %dma_wait3A_82 = arith.constant 0 : i32
    %dma_wait3A_83 = tpu.memref_slice %arg4[%dma_wait3A_75, %dma_wait3A_76, %dma_wait3A_77, %dma_wait3A_81, %dma_wait3A_82] : memref<26x8x128x8x128xf32, #tpu.memory_space<hbm>> -> memref<1x1x1x8x128xf32, #tpu.memory_space<hbm>>
    %dma_wait3A_84 = tpu.memref_squeeze %dma_wait3A_83 : memref<1x1x1x8x128xf32, #tpu.memory_space<hbm>> -> memref<8x128xf32, #tpu.memory_space<hbm>>
    %dma_wait3A_85 = arith.constant 0 : i32
    %dma_wait3A_86 = arith.constant 0 : i32
    %dma_wait3A_87 = tpu.memref_slice %arg4[%dma_wait3A_75, %dma_wait3A_76, %dma_wait3A_77, %dma_wait3A_85, %dma_wait3A_86] : memref<26x8x128x8x128xf32, #tpu.memory_space<hbm>> -> memref<1x1x1x8x128xf32, #tpu.memory_space<hbm>>
    %dma_wait3A_88 = tpu.memref_squeeze %dma_wait3A_87 : memref<1x1x1x8x128xf32, #tpu.memory_space<hbm>> -> memref<8x128xf32, #tpu.memory_space<hbm>>
    %dma_wait3A_89 = arith.constant 8 : i32
    %dma_wait3A_90 = arith.constant 0 : i32
    %dma_wait3A_91 = tpu.memref_slice %arg10[%dma_wait3A_89, %dma_wait3A_90] : memref<64x128xf32, #tpu.memory_space<vmem>> -> memref<8x128xf32, #tpu.memory_space<vmem>>
    tpu.wait_dma2 semaphore(%arg18 : memref<!tpu.dma_semaphore, #tpu.memory_space<semaphore_mem>>) src(%dma_wait3A_91 : memref<8x128xf32, #tpu.memory_space<vmem>>) dst(%dma_wait3A_88 : memref<8x128xf32, #tpu.memory_space<hbm>>)
    %dma_wait3A_92 = arith.constant 0 : i32
    %dma_wait3A_93 = arith.constant 0 : i32
    %dma_wait3A_94 = arith.constant 0 : i32
    %dma_wait3A_95 = arith.constant 16 : i32
    %dma_wait3A_96 = arith.constant 0 : i32
    %dma_wait3A_97 = tpu.memref_slice %arg10[%dma_wait3A_95, %dma_wait3A_96] : memref<64x128xf32, #tpu.memory_space<vmem>> -> memref<8x128xf32, #tpu.memory_space<vmem>>
    %dma_wait3A_98 = arith.constant 0 : i32
    %dma_wait3A_99 = arith.constant 0 : i32
    %dma_wait3A_100 = tpu.memref_slice %arg4[%dma_wait3A_92, %dma_wait3A_93, %dma_wait3A_94, %dma_wait3A_98, %dma_wait3A_99] : memref<26x8x128x8x128xf32, #tpu.memory_space<hbm>> -> memref<1x1x1x8x128xf32, #tpu.memory_space<hbm>>
    %dma_wait3A_101 = tpu.memref_squeeze %dma_wait3A_100 : memref<1x1x1x8x128xf32, #tpu.memory_space<hbm>> -> memref<8x128xf32, #tpu.memory_space<hbm>>
    %dma_wait3A_102 = arith.constant 0 : i32
    %dma_wait3A_103 = arith.constant 0 : i32
    %dma_wait3A_104 = tpu.memref_slice %arg4[%dma_wait3A_92, %dma_wait3A_93, %dma_wait3A_94, %dma_wait3A_102, %dma_wait3A_103] : memref<26x8x128x8x128xf32, #tpu.memory_space<hbm>> -> memref<1x1x1x8x128xf32, #tpu.memory_space<hbm>>
    %dma_wait3A_105 = tpu.memref_squeeze %dma_wait3A_104 : memref<1x1x1x8x128xf32, #tpu.memory_space<hbm>> -> memref<8x128xf32, #tpu.memory_space<hbm>>
    %dma_wait3A_106 = arith.constant 16 : i32
    %dma_wait3A_107 = arith.constant 0 : i32
    %dma_wait3A_108 = tpu.memref_slice %arg10[%dma_wait3A_106, %dma_wait3A_107] : memref<64x128xf32, #tpu.memory_space<vmem>> -> memref<8x128xf32, #tpu.memory_space<vmem>>
    tpu.wait_dma2 semaphore(%arg18 : memref<!tpu.dma_semaphore, #tpu.memory_space<semaphore_mem>>) src(%dma_wait3A_108 : memref<8x128xf32, #tpu.memory_space<vmem>>) dst(%dma_wait3A_105 : memref<8x128xf32, #tpu.memory_space<hbm>>)
    %dma_wait3A_109 = arith.constant 0 : i32
    %dma_wait3A_110 = arith.constant 0 : i32
    %dma_wait3A_111 = arith.constant 0 : i32
    %dma_wait3A_112 = arith.constant 24 : i32
    %dma_wait3A_113 = arith.constant 0 : i32
    %dma_wait3A_114 = tpu.memref_slice %arg10[%dma_wait3A_112, %dma_wait3A_113] : memref<64x128xf32, #tpu.memory_space<vmem>> -> memref<8x128xf32, #tpu.memory_space<vmem>>
    %dma_wait3A_115 = arith.constant 0 : i32
    %dma_wait3A_116 = arith.constant 0 : i32
    %dma_wait3A_117 = tpu.memref_slice %arg4[%dma_wait3A_109, %dma_wait3A_110, %dma_wait3A_111, %dma_wait3A_115, %dma_wait3A_116] : memref<26x8x128x8x128xf32, #tpu.memory_space<hbm>> -> memref<1x1x1x8x128xf32, #tpu.memory_space<hbm>>
    %dma_wait3A_118 = tpu.memref_squeeze %dma_wait3A_117 : memref<1x1x1x8x128xf32, #tpu.memory_space<hbm>> -> memref<8x128xf32, #tpu.memory_space<hbm>>
    %dma_wait3A_119 = arith.constant 0 : i32
    %dma_wait3A_120 = arith.constant 0 : i32
    %dma_wait3A_121 = tpu.memref_slice %arg4[%dma_wait3A_109, %dma_wait3A_110, %dma_wait3A_111, %dma_wait3A_119, %dma_wait3A_120] : memref<26x8x128x8x128xf32, #tpu.memory_space<hbm>> -> memref<1x1x1x8x128xf32, #tpu.memory_space<hbm>>
    %dma_wait3A_122 = tpu.memref_squeeze %dma_wait3A_121 : memref<1x1x1x8x128xf32, #tpu.memory_space<hbm>> -> memref<8x128xf32, #tpu.memory_space<hbm>>
    %dma_wait3A_123 = arith.constant 24 : i32
    %dma_wait3A_124 = arith.constant 0 : i32
    %dma_wait3A_125 = tpu.memref_slice %arg10[%dma_wait3A_123, %dma_wait3A_124] : memref<64x128xf32, #tpu.memory_space<vmem>> -> memref<8x128xf32, #tpu.memory_space<vmem>>
    tpu.wait_dma2 semaphore(%arg18 : memref<!tpu.dma_semaphore, #tpu.memory_space<semaphore_mem>>) src(%dma_wait3A_125 : memref<8x128xf32, #tpu.memory_space<vmem>>) dst(%dma_wait3A_122 : memref<8x128xf32, #tpu.memory_space<hbm>>)
    %dma_wait3A_126 = arith.constant 0 : i32
    %dma_wait3A_127 = arith.constant 0 : i32
    %dma_wait3A_128 = arith.constant 0 : i32
    %dma_wait3A_129 = arith.constant 32 : i32
    %dma_wait3A_130 = arith.constant 0 : i32
    %dma_wait3A_131 = tpu.memref_slice %arg10[%dma_wait3A_129, %dma_wait3A_130] : memref<64x128xf32, #tpu.memory_space<vmem>> -> memref<8x128xf32, #tpu.memory_space<vmem>>
    %dma_wait3A_132 = arith.constant 0 : i32
    %dma_wait3A_133 = arith.constant 0 : i32
    %dma_wait3A_134 = tpu.memref_slice %arg4[%dma_wait3A_126, %dma_wait3A_127, %dma_wait3A_128, %dma_wait3A_132, %dma_wait3A_133] : memref<26x8x128x8x128xf32, #tpu.memory_space<hbm>> -> memref<1x1x1x8x128xf32, #tpu.memory_space<hbm>>
    %dma_wait3A_135 = tpu.memref_squeeze %dma_wait3A_134 : memref<1x1x1x8x128xf32, #tpu.memory_space<hbm>> -> memref<8x128xf32, #tpu.memory_space<hbm>>
    %dma_wait3A_136 = arith.constant 0 : i32
    %dma_wait3A_137 = arith.constant 0 : i32
    %dma_wait3A_138 = tpu.memref_slice %arg4[%dma_wait3A_126, %dma_wait3A_127, %dma_wait3A_128, %dma_wait3A_136, %dma_wait3A_137] : memref<26x8x128x8x128xf32, #tpu.memory_space<hbm>> -> memref<1x1x1x8x128xf32, #tpu.memory_space<hbm>>
    %dma_wait3A_139 = tpu.memref_squeeze %dma_wait3A_138 : memref<1x1x1x8x128xf32, #tpu.memory_space<hbm>> -> memref<8x128xf32, #tpu.memory_space<hbm>>
    %dma_wait3A_140 = arith.constant 32 : i32
    %dma_wait3A_141 = arith.constant 0 : i32
    %dma_wait3A_142 = tpu.memref_slice %arg10[%dma_wait3A_140, %dma_wait3A_141] : memref<64x128xf32, #tpu.memory_space<vmem>> -> memref<8x128xf32, #tpu.memory_space<vmem>>
    tpu.wait_dma2 semaphore(%arg18 : memref<!tpu.dma_semaphore, #tpu.memory_space<semaphore_mem>>) src(%dma_wait3A_142 : memref<8x128xf32, #tpu.memory_space<vmem>>) dst(%dma_wait3A_139 : memref<8x128xf32, #tpu.memory_space<hbm>>)
    %dma_wait3A_143 = arith.constant 0 : i32
    %dma_wait3A_144 = arith.constant 0 : i32
    %dma_wait3A_145 = arith.constant 0 : i32
    %dma_wait3A_146 = arith.constant 40 : i32
    %dma_wait3A_147 = arith.constant 0 : i32
    %dma_wait3A_148 = tpu.memref_slice %arg10[%dma_wait3A_146, %dma_wait3A_147] : memref<64x128xf32, #tpu.memory_space<vmem>> -> memref<8x128xf32, #tpu.memory_space<vmem>>
    %dma_wait3A_149 = arith.constant 0 : i32
    %dma_wait3A_150 = arith.constant 0 : i32
    %dma_wait3A_151 = tpu.memref_slice %arg4[%dma_wait3A_143, %dma_wait3A_144, %dma_wait3A_145, %dma_wait3A_149, %dma_wait3A_150] : memref<26x8x128x8x128xf32, #tpu.memory_space<hbm>> -> memref<1x1x1x8x128xf32, #tpu.memory_space<hbm>>
    %dma_wait3A_152 = tpu.memref_squeeze %dma_wait3A_151 : memref<1x1x1x8x128xf32, #tpu.memory_space<hbm>> -> memref<8x128xf32, #tpu.memory_space<hbm>>
    %dma_wait3A_153 = arith.constant 0 : i32
    %dma_wait3A_154 = arith.constant 0 : i32
    %dma_wait3A_155 = tpu.memref_slice %arg4[%dma_wait3A_143, %dma_wait3A_144, %dma_wait3A_145, %dma_wait3A_153, %dma_wait3A_154] : memref<26x8x128x8x128xf32, #tpu.memory_space<hbm>> -> memref<1x1x1x8x128xf32, #tpu.memory_space<hbm>>
    %dma_wait3A_156 = tpu.memref_squeeze %dma_wait3A_155 : memref<1x1x1x8x128xf32, #tpu.memory_space<hbm>> -> memref<8x128xf32, #tpu.memory_space<hbm>>
    %dma_wait3A_157 = arith.constant 40 : i32
    %dma_wait3A_158 = arith.constant 0 : i32
    %dma_wait3A_159 = tpu.memref_slice %arg10[%dma_wait3A_157, %dma_wait3A_158] : memref<64x128xf32, #tpu.memory_space<vmem>> -> memref<8x128xf32, #tpu.memory_space<vmem>>
    tpu.wait_dma2 semaphore(%arg18 : memref<!tpu.dma_semaphore, #tpu.memory_space<semaphore_mem>>) src(%dma_wait3A_159 : memref<8x128xf32, #tpu.memory_space<vmem>>) dst(%dma_wait3A_156 : memref<8x128xf32, #tpu.memory_space<hbm>>)
    %dma_wait3A_160 = arith.constant 0 : i32
    %dma_wait3A_161 = arith.constant 0 : i32
    %dma_wait3A_162 = arith.constant 0 : i32
    %dma_wait3A_163 = arith.constant 48 : i32
    %dma_wait3A_164 = arith.constant 0 : i32
    %dma_wait3A_165 = tpu.memref_slice %arg10[%dma_wait3A_163, %dma_wait3A_164] : memref<64x128xf32, #tpu.memory_space<vmem>> -> memref<8x128xf32, #tpu.memory_space<vmem>>
    %dma_wait3A_166 = arith.constant 0 : i32
    %dma_wait3A_167 = arith.constant 0 : i32
    %dma_wait3A_168 = tpu.memref_slice %arg4[%dma_wait3A_160, %dma_wait3A_161, %dma_wait3A_162, %dma_wait3A_166, %dma_wait3A_167] : memref<26x8x128x8x128xf32, #tpu.memory_space<hbm>> -> memref<1x1x1x8x128xf32, #tpu.memory_space<hbm>>
    %dma_wait3A_169 = tpu.memref_squeeze %dma_wait3A_168 : memref<1x1x1x8x128xf32, #tpu.memory_space<hbm>> -> memref<8x128xf32, #tpu.memory_space<hbm>>
    %dma_wait3A_170 = arith.constant 0 : i32
    %dma_wait3A_171 = arith.constant 0 : i32
    %dma_wait3A_172 = tpu.memref_slice %arg4[%dma_wait3A_160, %dma_wait3A_161, %dma_wait3A_162, %dma_wait3A_170, %dma_wait3A_171] : memref<26x8x128x8x128xf32, #tpu.memory_space<hbm>> -> memref<1x1x1x8x128xf32, #tpu.memory_space<hbm>>
    %dma_wait3A_173 = tpu.memref_squeeze %dma_wait3A_172 : memref<1x1x1x8x128xf32, #tpu.memory_space<hbm>> -> memref<8x128xf32, #tpu.memory_space<hbm>>
    %dma_wait3A_174 = arith.constant 48 : i32
    %dma_wait3A_175 = arith.constant 0 : i32
    %dma_wait3A_176 = tpu.memref_slice %arg10[%dma_wait3A_174, %dma_wait3A_175] : memref<64x128xf32, #tpu.memory_space<vmem>> -> memref<8x128xf32, #tpu.memory_space<vmem>>
    tpu.wait_dma2 semaphore(%arg18 : memref<!tpu.dma_semaphore, #tpu.memory_space<semaphore_mem>>) src(%dma_wait3A_176 : memref<8x128xf32, #tpu.memory_space<vmem>>) dst(%dma_wait3A_173 : memref<8x128xf32, #tpu.memory_space<hbm>>)
    %dma_wait3A_177 = arith.constant 0 : i32
    %dma_wait3A_178 = arith.constant 0 : i32
    %dma_wait3A_179 = arith.constant 0 : i32
    %dma_wait3A_180 = arith.constant 56 : i32
    %dma_wait3A_181 = arith.constant 0 : i32
    %dma_wait3A_182 = tpu.memref_slice %arg10[%dma_wait3A_180, %dma_wait3A_181] : memref<64x128xf32, #tpu.memory_space<vmem>> -> memref<8x128xf32, #tpu.memory_space<vmem>>
    %dma_wait3A_183 = arith.constant 0 : i32
    %dma_wait3A_184 = arith.constant 0 : i32
    %dma_wait3A_185 = tpu.memref_slice %arg4[%dma_wait3A_177, %dma_wait3A_178, %dma_wait3A_179, %dma_wait3A_183, %dma_wait3A_184] : memref<26x8x128x8x128xf32, #tpu.memory_space<hbm>> -> memref<1x1x1x8x128xf32, #tpu.memory_space<hbm>>
    %dma_wait3A_186 = tpu.memref_squeeze %dma_wait3A_185 : memref<1x1x1x8x128xf32, #tpu.memory_space<hbm>> -> memref<8x128xf32, #tpu.memory_space<hbm>>
    %dma_wait3A_187 = arith.constant 0 : i32
    %dma_wait3A_188 = arith.constant 0 : i32
    %dma_wait3A_189 = tpu.memref_slice %arg4[%dma_wait3A_177, %dma_wait3A_178, %dma_wait3A_179, %dma_wait3A_187, %dma_wait3A_188] : memref<26x8x128x8x128xf32, #tpu.memory_space<hbm>> -> memref<1x1x1x8x128xf32, #tpu.memory_space<hbm>>
    %dma_wait3A_190 = tpu.memref_squeeze %dma_wait3A_189 : memref<1x1x1x8x128xf32, #tpu.memory_space<hbm>> -> memref<8x128xf32, #tpu.memory_space<hbm>>
    %dma_wait3A_191 = arith.constant 56 : i32
    %dma_wait3A_192 = arith.constant 0 : i32
    %dma_wait3A_193 = tpu.memref_slice %arg10[%dma_wait3A_191, %dma_wait3A_192] : memref<64x128xf32, #tpu.memory_space<vmem>> -> memref<8x128xf32, #tpu.memory_space<vmem>>
    tpu.wait_dma2 semaphore(%arg18 : memref<!tpu.dma_semaphore, #tpu.memory_space<semaphore_mem>>) src(%dma_wait3A_193 : memref<8x128xf32, #tpu.memory_space<vmem>>) dst(%dma_wait3A_190 : memref<8x128xf32, #tpu.memory_space<hbm>>)
    %dma_wait3A_194 = arith.constant 0 : i32
    %dma_wait3A_195 = arith.constant 0 : i32
    %dma_wait3A_196 = arith.constant 0 : i32
    %dma_wait3A_197 = arith.constant 0 : i32
    %dma_wait3A_198 = arith.constant 0 : i32
    %dma_wait3A_199 = tpu.memref_slice %arg11[%dma_wait3A_197, %dma_wait3A_198] : memref<64x128xf32, #tpu.memory_space<vmem>> -> memref<8x128xf32, #tpu.memory_space<vmem>>
    %dma_wait3A_200 = arith.constant 0 : i32
    %dma_wait3A_201 = arith.constant 0 : i32
    %dma_wait3A_202 = tpu.memref_slice %arg4[%dma_wait3A_194, %dma_wait3A_195, %dma_wait3A_196, %dma_wait3A_200, %dma_wait3A_201] : memref<26x8x128x8x128xf32, #tpu.memory_space<hbm>> -> memref<1x1x1x8x128xf32, #tpu.memory_space<hbm>>
    %dma_wait3A_203 = tpu.memref_squeeze %dma_wait3A_202 : memref<1x1x1x8x128xf32, #tpu.memory_space<hbm>> -> memref<8x128xf32, #tpu.memory_space<hbm>>
    %dma_wait3A_204 = arith.constant 0 : i32
    %dma_wait3A_205 = arith.constant 0 : i32
    %dma_wait3A_206 = tpu.memref_slice %arg4[%dma_wait3A_194, %dma_wait3A_195, %dma_wait3A_196, %dma_wait3A_204, %dma_wait3A_205] : memref<26x8x128x8x128xf32, #tpu.memory_space<hbm>> -> memref<1x1x1x8x128xf32, #tpu.memory_space<hbm>>
    %dma_wait3A_207 = tpu.memref_squeeze %dma_wait3A_206 : memref<1x1x1x8x128xf32, #tpu.memory_space<hbm>> -> memref<8x128xf32, #tpu.memory_space<hbm>>
    %dma_wait3A_208 = arith.constant 0 : i32
    %dma_wait3A_209 = arith.constant 0 : i32
    %dma_wait3A_210 = tpu.memref_slice %arg11[%dma_wait3A_208, %dma_wait3A_209] : memref<64x128xf32, #tpu.memory_space<vmem>> -> memref<8x128xf32, #tpu.memory_space<vmem>>
    tpu.wait_dma2 semaphore(%arg19 : memref<!tpu.dma_semaphore, #tpu.memory_space<semaphore_mem>>) src(%dma_wait3A_210 : memref<8x128xf32, #tpu.memory_space<vmem>>) dst(%dma_wait3A_207 : memref<8x128xf32, #tpu.memory_space<hbm>>)
    %dma_wait3A_211 = arith.constant 0 : i32
    %dma_wait3A_212 = arith.constant 0 : i32
    %dma_wait3A_213 = arith.constant 0 : i32
    %dma_wait3A_214 = arith.constant 8 : i32
    %dma_wait3A_215 = arith.constant 0 : i32
    %dma_wait3A_216 = tpu.memref_slice %arg11[%dma_wait3A_214, %dma_wait3A_215] : memref<64x128xf32, #tpu.memory_space<vmem>> -> memref<8x128xf32, #tpu.memory_space<vmem>>
    %dma_wait3A_217 = arith.constant 0 : i32
    %dma_wait3A_218 = arith.constant 0 : i32
    %dma_wait3A_219 = tpu.memref_slice %arg4[%dma_wait3A_211, %dma_wait3A_212, %dma_wait3A_213, %dma_wait3A_217, %dma_wait3A_218] : memref<26x8x128x8x128xf32, #tpu.memory_space<hbm>> -> memref<1x1x1x8x128xf32, #tpu.memory_space<hbm>>
    %dma_wait3A_220 = tpu.memref_squeeze %dma_wait3A_219 : memref<1x1x1x8x128xf32, #tpu.memory_space<hbm>> -> memref<8x128xf32, #tpu.memory_space<hbm>>
    %dma_wait3A_221 = arith.constant 0 : i32
    %dma_wait3A_222 = arith.constant 0 : i32
    %dma_wait3A_223 = tpu.memref_slice %arg4[%dma_wait3A_211, %dma_wait3A_212, %dma_wait3A_213, %dma_wait3A_221, %dma_wait3A_222] : memref<26x8x128x8x128xf32, #tpu.memory_space<hbm>> -> memref<1x1x1x8x128xf32, #tpu.memory_space<hbm>>
    %dma_wait3A_224 = tpu.memref_squeeze %dma_wait3A_223 : memref<1x1x1x8x128xf32, #tpu.memory_space<hbm>> -> memref<8x128xf32, #tpu.memory_space<hbm>>
    %dma_wait3A_225 = arith.constant 8 : i32
    %dma_wait3A_226 = arith.constant 0 : i32
    %dma_wait3A_227 = tpu.memref_slice %arg11[%dma_wait3A_225, %dma_wait3A_226] : memref<64x128xf32, #tpu.memory_space<vmem>> -> memref<8x128xf32, #tpu.memory_space<vmem>>
    tpu.wait_dma2 semaphore(%arg19 : memref<!tpu.dma_semaphore, #tpu.memory_space<semaphore_mem>>) src(%dma_wait3A_227 : memref<8x128xf32, #tpu.memory_space<vmem>>) dst(%dma_wait3A_224 : memref<8x128xf32, #tpu.memory_space<hbm>>)
    %dma_wait3A_228 = arith.constant 0 : i32
    %dma_wait3A_229 = arith.constant 0 : i32
    %dma_wait3A_230 = arith.constant 0 : i32
    %dma_wait3A_231 = arith.constant 16 : i32
    %dma_wait3A_232 = arith.constant 0 : i32
    %dma_wait3A_233 = tpu.memref_slice %arg11[%dma_wait3A_231, %dma_wait3A_232] : memref<64x128xf32, #tpu.memory_space<vmem>> -> memref<8x128xf32, #tpu.memory_space<vmem>>
    %dma_wait3A_234 = arith.constant 0 : i32
    %dma_wait3A_235 = arith.constant 0 : i32
    %dma_wait3A_236 = tpu.memref_slice %arg4[%dma_wait3A_228, %dma_wait3A_229, %dma_wait3A_230, %dma_wait3A_234, %dma_wait3A_235] : memref<26x8x128x8x128xf32, #tpu.memory_space<hbm>> -> memref<1x1x1x8x128xf32, #tpu.memory_space<hbm>>
    %dma_wait3A_237 = tpu.memref_squeeze %dma_wait3A_236 : memref<1x1x1x8x128xf32, #tpu.memory_space<hbm>> -> memref<8x128xf32, #tpu.memory_space<hbm>>
    %dma_wait3A_238 = arith.constant 0 : i32
    %dma_wait3A_239 = arith.constant 0 : i32
    %dma_wait3A_240 = tpu.memref_slice %arg4[%dma_wait3A_228, %dma_wait3A_229, %dma_wait3A_230, %dma_wait3A_238, %dma_wait3A_239] : memref<26x8x128x8x128xf32, #tpu.memory_space<hbm>> -> memref<1x1x1x8x128xf32, #tpu.memory_space<hbm>>
    %dma_wait3A_241 = tpu.memref_squeeze %dma_wait3A_240 : memref<1x1x1x8x128xf32, #tpu.memory_space<hbm>> -> memref<8x128xf32, #tpu.memory_space<hbm>>
    %dma_wait3A_242 = arith.constant 16 : i32
    %dma_wait3A_243 = arith.constant 0 : i32
    %dma_wait3A_244 = tpu.memref_slice %arg11[%dma_wait3A_242, %dma_wait3A_243] : memref<64x128xf32, #tpu.memory_space<vmem>> -> memref<8x128xf32, #tpu.memory_space<vmem>>
    tpu.wait_dma2 semaphore(%arg19 : memref<!tpu.dma_semaphore, #tpu.memory_space<semaphore_mem>>) src(%dma_wait3A_244 : memref<8x128xf32, #tpu.memory_space<vmem>>) dst(%dma_wait3A_241 : memref<8x128xf32, #tpu.memory_space<hbm>>)
    %dma_wait3A_245 = arith.constant 0 : i32
    %dma_wait3A_246 = arith.constant 0 : i32
    %dma_wait3A_247 = arith.constant 0 : i32
    %dma_wait3A_248 = arith.constant 24 : i32
    %dma_wait3A_249 = arith.constant 0 : i32
    %dma_wait3A_250 = tpu.memref_slice %arg11[%dma_wait3A_248, %dma_wait3A_249] : memref<64x128xf32, #tpu.memory_space<vmem>> -> memref<8x128xf32, #tpu.memory_space<vmem>>
    %dma_wait3A_251 = arith.constant 0 : i32
    %dma_wait3A_252 = arith.constant 0 : i32
    %dma_wait3A_253 = tpu.memref_slice %arg4[%dma_wait3A_245, %dma_wait3A_246, %dma_wait3A_247, %dma_wait3A_251, %dma_wait3A_252] : memref<26x8x128x8x128xf32, #tpu.memory_space<hbm>> -> memref<1x1x1x8x128xf32, #tpu.memory_space<hbm>>
    %dma_wait3A_254 = tpu.memref_squeeze %dma_wait3A_253 : memref<1x1x1x8x128xf32, #tpu.memory_space<hbm>> -> memref<8x128xf32, #tpu.memory_space<hbm>>
    %dma_wait3A_255 = arith.constant 0 : i32
    %dma_wait3A_256 = arith.constant 0 : i32
    %dma_wait3A_257 = tpu.memref_slice %arg4[%dma_wait3A_245, %dma_wait3A_246, %dma_wait3A_247, %dma_wait3A_255, %dma_wait3A_256] : memref<26x8x128x8x128xf32, #tpu.memory_space<hbm>> -> memref<1x1x1x8x128xf32, #tpu.memory_space<hbm>>
    %dma_wait3A_258 = tpu.memref_squeeze %dma_wait3A_257 : memref<1x1x1x8x128xf32, #tpu.memory_space<hbm>> -> memref<8x128xf32, #tpu.memory_space<hbm>>
    %dma_wait3A_259 = arith.constant 24 : i32
    %dma_wait3A_260 = arith.constant 0 : i32
    %dma_wait3A_261 = tpu.memref_slice %arg11[%dma_wait3A_259, %dma_wait3A_260] : memref<64x128xf32, #tpu.memory_space<vmem>> -> memref<8x128xf32, #tpu.memory_space<vmem>>
    tpu.wait_dma2 semaphore(%arg19 : memref<!tpu.dma_semaphore, #tpu.memory_space<semaphore_mem>>) src(%dma_wait3A_261 : memref<8x128xf32, #tpu.memory_space<vmem>>) dst(%dma_wait3A_258 : memref<8x128xf32, #tpu.memory_space<hbm>>)
    %dma_wait3A_262 = arith.constant 0 : i32
    %dma_wait3A_263 = arith.constant 0 : i32
    %dma_wait3A_264 = arith.constant 0 : i32
    %dma_wait3A_265 = arith.constant 32 : i32
    %dma_wait3A_266 = arith.constant 0 : i32
    %dma_wait3A_267 = tpu.memref_slice %arg11[%dma_wait3A_265, %dma_wait3A_266] : memref<64x128xf32, #tpu.memory_space<vmem>> -> memref<8x128xf32, #tpu.memory_space<vmem>>
    %dma_wait3A_268 = arith.constant 0 : i32
    %dma_wait3A_269 = arith.constant 0 : i32
    %dma_wait3A_270 = tpu.memref_slice %arg4[%dma_wait3A_262, %dma_wait3A_263, %dma_wait3A_264, %dma_wait3A_268, %dma_wait3A_269] : memref<26x8x128x8x128xf32, #tpu.memory_space<hbm>> -> memref<1x1x1x8x128xf32, #tpu.memory_space<hbm>>
    %dma_wait3A_271 = tpu.memref_squeeze %dma_wait3A_270 : memref<1x1x1x8x128xf32, #tpu.memory_space<hbm>> -> memref<8x128xf32, #tpu.memory_space<hbm>>
    %dma_wait3A_272 = arith.constant 0 : i32
    %dma_wait3A_273 = arith.constant 0 : i32
    %dma_wait3A_274 = tpu.memref_slice %arg4[%dma_wait3A_262, %dma_wait3A_263, %dma_wait3A_264, %dma_wait3A_272, %dma_wait3A_273] : memref<26x8x128x8x128xf32, #tpu.memory_space<hbm>> -> memref<1x1x1x8x128xf32, #tpu.memory_space<hbm>>
    %dma_wait3A_275 = tpu.memref_squeeze %dma_wait3A_274 : memref<1x1x1x8x128xf32, #tpu.memory_space<hbm>> -> memref<8x128xf32, #tpu.memory_space<hbm>>
    %dma_wait3A_276 = arith.constant 32 : i32
    %dma_wait3A_277 = arith.constant 0 : i32
    %dma_wait3A_278 = tpu.memref_slice %arg11[%dma_wait3A_276, %dma_wait3A_277] : memref<64x128xf32, #tpu.memory_space<vmem>> -> memref<8x128xf32, #tpu.memory_space<vmem>>
    tpu.wait_dma2 semaphore(%arg19 : memref<!tpu.dma_semaphore, #tpu.memory_space<semaphore_mem>>) src(%dma_wait3A_278 : memref<8x128xf32, #tpu.memory_space<vmem>>) dst(%dma_wait3A_275 : memref<8x128xf32, #tpu.memory_space<hbm>>)
    %dma_wait3A_279 = arith.constant 0 : i32
    %dma_wait3A_280 = arith.constant 0 : i32
    %dma_wait3A_281 = arith.constant 0 : i32
    %dma_wait3A_282 = arith.constant 40 : i32
    %dma_wait3A_283 = arith.constant 0 : i32
    %dma_wait3A_284 = tpu.memref_slice %arg11[%dma_wait3A_282, %dma_wait3A_283] : memref<64x128xf32, #tpu.memory_space<vmem>> -> memref<8x128xf32, #tpu.memory_space<vmem>>
    %dma_wait3A_285 = arith.constant 0 : i32
    %dma_wait3A_286 = arith.constant 0 : i32
    %dma_wait3A_287 = tpu.memref_slice %arg4[%dma_wait3A_279, %dma_wait3A_280, %dma_wait3A_281, %dma_wait3A_285, %dma_wait3A_286] : memref<26x8x128x8x128xf32, #tpu.memory_space<hbm>> -> memref<1x1x1x8x128xf32, #tpu.memory_space<hbm>>
    %dma_wait3A_288 = tpu.memref_squeeze %dma_wait3A_287 : memref<1x1x1x8x128xf32, #tpu.memory_space<hbm>> -> memref<8x128xf32, #tpu.memory_space<hbm>>
    %dma_wait3A_289 = arith.constant 0 : i32
    %dma_wait3A_290 = arith.constant 0 : i32
    %dma_wait3A_291 = tpu.memref_slice %arg4[%dma_wait3A_279, %dma_wait3A_280, %dma_wait3A_281, %dma_wait3A_289, %dma_wait3A_290] : memref<26x8x128x8x128xf32, #tpu.memory_space<hbm>> -> memref<1x1x1x8x128xf32, #tpu.memory_space<hbm>>
    %dma_wait3A_292 = tpu.memref_squeeze %dma_wait3A_291 : memref<1x1x1x8x128xf32, #tpu.memory_space<hbm>> -> memref<8x128xf32, #tpu.memory_space<hbm>>
    %dma_wait3A_293 = arith.constant 40 : i32
    %dma_wait3A_294 = arith.constant 0 : i32
    %dma_wait3A_295 = tpu.memref_slice %arg11[%dma_wait3A_293, %dma_wait3A_294] : memref<64x128xf32, #tpu.memory_space<vmem>> -> memref<8x128xf32, #tpu.memory_space<vmem>>
    tpu.wait_dma2 semaphore(%arg19 : memref<!tpu.dma_semaphore, #tpu.memory_space<semaphore_mem>>) src(%dma_wait3A_295 : memref<8x128xf32, #tpu.memory_space<vmem>>) dst(%dma_wait3A_292 : memref<8x128xf32, #tpu.memory_space<hbm>>)
    %dma_wait3A_296 = arith.constant 0 : i32
    %dma_wait3A_297 = arith.constant 0 : i32
    %dma_wait3A_298 = arith.constant 0 : i32
    %dma_wait3A_299 = arith.constant 48 : i32
    %dma_wait3A_300 = arith.constant 0 : i32
    %dma_wait3A_301 = tpu.memref_slice %arg11[%dma_wait3A_299, %dma_wait3A_300] : memref<64x128xf32, #tpu.memory_space<vmem>> -> memref<8x128xf32, #tpu.memory_space<vmem>>
    %dma_wait3A_302 = arith.constant 0 : i32
    %dma_wait3A_303 = arith.constant 0 : i32
    %dma_wait3A_304 = tpu.memref_slice %arg4[%dma_wait3A_296, %dma_wait3A_297, %dma_wait3A_298, %dma_wait3A_302, %dma_wait3A_303] : memref<26x8x128x8x128xf32, #tpu.memory_space<hbm>> -> memref<1x1x1x8x128xf32, #tpu.memory_space<hbm>>
    %dma_wait3A_305 = tpu.memref_squeeze %dma_wait3A_304 : memref<1x1x1x8x128xf32, #tpu.memory_space<hbm>> -> memref<8x128xf32, #tpu.memory_space<hbm>>
    %dma_wait3A_306 = arith.constant 0 : i32
    %dma_wait3A_307 = arith.constant 0 : i32
    %dma_wait3A_308 = tpu.memref_slice %arg4[%dma_wait3A_296, %dma_wait3A_297, %dma_wait3A_298, %dma_wait3A_306, %dma_wait3A_307] : memref<26x8x128x8x128xf32, #tpu.memory_space<hbm>> -> memref<1x1x1x8x128xf32, #tpu.memory_space<hbm>>
    %dma_wait3A_309 = tpu.memref_squeeze %dma_wait3A_308 : memref<1x1x1x8x128xf32, #tpu.memory_space<hbm>> -> memref<8x128xf32, #tpu.memory_space<hbm>>
    %dma_wait3A_310 = arith.constant 48 : i32
    %dma_wait3A_311 = arith.constant 0 : i32
    %dma_wait3A_312 = tpu.memref_slice %arg11[%dma_wait3A_310, %dma_wait3A_311] : memref<64x128xf32, #tpu.memory_space<vmem>> -> memref<8x128xf32, #tpu.memory_space<vmem>>
    tpu.wait_dma2 semaphore(%arg19 : memref<!tpu.dma_semaphore, #tpu.memory_space<semaphore_mem>>) src(%dma_wait3A_312 : memref<8x128xf32, #tpu.memory_space<vmem>>) dst(%dma_wait3A_309 : memref<8x128xf32, #tpu.memory_space<hbm>>)
    %dma_wait3A_313 = arith.constant 0 : i32
    %dma_wait3A_314 = arith.constant 0 : i32
    %dma_wait3A_315 = arith.constant 0 : i32
    %dma_wait3A_316 = arith.constant 56 : i32
    %dma_wait3A_317 = arith.constant 0 : i32
    %dma_wait3A_318 = tpu.memref_slice %arg11[%dma_wait3A_316, %dma_wait3A_317] : memref<64x128xf32, #tpu.memory_space<vmem>> -> memref<8x128xf32, #tpu.memory_space<vmem>>
    %dma_wait3A_319 = arith.constant 0 : i32
    %dma_wait3A_320 = arith.constant 0 : i32
    %dma_wait3A_321 = tpu.memref_slice %arg4[%dma_wait3A_313, %dma_wait3A_314, %dma_wait3A_315, %dma_wait3A_319, %dma_wait3A_320] : memref<26x8x128x8x128xf32, #tpu.memory_space<hbm>> -> memref<1x1x1x8x128xf32, #tpu.memory_space<hbm>>
    %dma_wait3A_322 = tpu.memref_squeeze %dma_wait3A_321 : memref<1x1x1x8x128xf32, #tpu.memory_space<hbm>> -> memref<8x128xf32, #tpu.memory_space<hbm>>
    %dma_wait3A_323 = arith.constant 0 : i32
    %dma_wait3A_324 = arith.constant 0 : i32
    %dma_wait3A_325 = tpu.memref_slice %arg4[%dma_wait3A_313, %dma_wait3A_314, %dma_wait3A_315, %dma_wait3A_323, %dma_wait3A_324] : memref<26x8x128x8x128xf32, #tpu.memory_space<hbm>> -> memref<1x1x1x8x128xf32, #tpu.memory_space<hbm>>
    %dma_wait3A_326 = tpu.memref_squeeze %dma_wait3A_325 : memref<1x1x1x8x128xf32, #tpu.memory_space<hbm>> -> memref<8x128xf32, #tpu.memory_space<hbm>>
    %dma_wait3A_327 = arith.constant 56 : i32
    %dma_wait3A_328 = arith.constant 0 : i32
    %dma_wait3A_329 = tpu.memref_slice %arg11[%dma_wait3A_327, %dma_wait3A_328] : memref<64x128xf32, #tpu.memory_space<vmem>> -> memref<8x128xf32, #tpu.memory_space<vmem>>
    tpu.wait_dma2 semaphore(%arg19 : memref<!tpu.dma_semaphore, #tpu.memory_space<semaphore_mem>>) src(%dma_wait3A_329 : memref<8x128xf32, #tpu.memory_space<vmem>>) dst(%dma_wait3A_326 : memref<8x128xf32, #tpu.memory_space<hbm>>)
    %dma_wait3A_330 = arith.constant 0 : i32
    %dma_wait3A_331 = arith.constant 0 : i32
    %dma_wait3A_332 = arith.constant 0 : i32
    %dma_wait3A_333 = arith.constant 0 : i32
    %dma_wait3A_334 = arith.constant 0 : i32
    %dma_wait3A_335 = tpu.memref_slice %arg12[%dma_wait3A_333, %dma_wait3A_334] : memref<64x128xf32, #tpu.memory_space<vmem>> -> memref<8x128xf32, #tpu.memory_space<vmem>>
    %dma_wait3A_336 = arith.constant 0 : i32
    %dma_wait3A_337 = arith.constant 0 : i32
    %dma_wait3A_338 = tpu.memref_slice %arg4[%dma_wait3A_330, %dma_wait3A_331, %dma_wait3A_332, %dma_wait3A_336, %dma_wait3A_337] : memref<26x8x128x8x128xf32, #tpu.memory_space<hbm>> -> memref<1x1x1x8x128xf32, #tpu.memory_space<hbm>>
    %dma_wait3A_339 = tpu.memref_squeeze %dma_wait3A_338 : memref<1x1x1x8x128xf32, #tpu.memory_space<hbm>> -> memref<8x128xf32, #tpu.memory_space<hbm>>
    %dma_wait3A_340 = arith.constant 0 : i32
    %dma_wait3A_341 = arith.constant 0 : i32
    %dma_wait3A_342 = tpu.memref_slice %arg4[%dma_wait3A_330, %dma_wait3A_331, %dma_wait3A_332, %dma_wait3A_340, %dma_wait3A_341] : memref<26x8x128x8x128xf32, #tpu.memory_space<hbm>> -> memref<1x1x1x8x128xf32, #tpu.memory_space<hbm>>
    %dma_wait3A_343 = tpu.memref_squeeze %dma_wait3A_342 : memref<1x1x1x8x128xf32, #tpu.memory_space<hbm>> -> memref<8x128xf32, #tpu.memory_space<hbm>>
    %dma_wait3A_344 = arith.constant 0 : i32
    %dma_wait3A_345 = arith.constant 0 : i32
    %dma_wait3A_346 = tpu.memref_slice %arg12[%dma_wait3A_344, %dma_wait3A_345] : memref<64x128xf32, #tpu.memory_space<vmem>> -> memref<8x128xf32, #tpu.memory_space<vmem>>
    tpu.wait_dma2 semaphore(%arg20 : memref<!tpu.dma_semaphore, #tpu.memory_space<semaphore_mem>>) src(%dma_wait3A_346 : memref<8x128xf32, #tpu.memory_space<vmem>>) dst(%dma_wait3A_343 : memref<8x128xf32, #tpu.memory_space<hbm>>)
    %dma_wait3A_347 = arith.constant 0 : i32
    %dma_wait3A_348 = arith.constant 0 : i32
    %dma_wait3A_349 = arith.constant 0 : i32
    %dma_wait3A_350 = arith.constant 8 : i32
    %dma_wait3A_351 = arith.constant 0 : i32
    %dma_wait3A_352 = tpu.memref_slice %arg12[%dma_wait3A_350, %dma_wait3A_351] : memref<64x128xf32, #tpu.memory_space<vmem>> -> memref<8x128xf32, #tpu.memory_space<vmem>>
    %dma_wait3A_353 = arith.constant 0 : i32
    %dma_wait3A_354 = arith.constant 0 : i32
    %dma_wait3A_355 = tpu.memref_slice %arg4[%dma_wait3A_347, %dma_wait3A_348, %dma_wait3A_349, %dma_wait3A_353, %dma_wait3A_354] : memref<26x8x128x8x128xf32, #tpu.memory_space<hbm>> -> memref<1x1x1x8x128xf32, #tpu.memory_space<hbm>>
    %dma_wait3A_356 = tpu.memref_squeeze %dma_wait3A_355 : memref<1x1x1x8x128xf32, #tpu.memory_space<hbm>> -> memref<8x128xf32, #tpu.memory_space<hbm>>
    %dma_wait3A_357 = arith.constant 0 : i32
    %dma_wait3A_358 = arith.constant 0 : i32
    %dma_wait3A_359 = tpu.memref_slice %arg4[%dma_wait3A_347, %dma_wait3A_348, %dma_wait3A_349, %dma_wait3A_357, %dma_wait3A_358] : memref<26x8x128x8x128xf32, #tpu.memory_space<hbm>> -> memref<1x1x1x8x128xf32, #tpu.memory_space<hbm>>
    %dma_wait3A_360 = tpu.memref_squeeze %dma_wait3A_359 : memref<1x1x1x8x128xf32, #tpu.memory_space<hbm>> -> memref<8x128xf32, #tpu.memory_space<hbm>>
    %dma_wait3A_361 = arith.constant 8 : i32
    %dma_wait3A_362 = arith.constant 0 : i32
    %dma_wait3A_363 = tpu.memref_slice %arg12[%dma_wait3A_361, %dma_wait3A_362] : memref<64x128xf32, #tpu.memory_space<vmem>> -> memref<8x128xf32, #tpu.memory_space<vmem>>
    tpu.wait_dma2 semaphore(%arg20 : memref<!tpu.dma_semaphore, #tpu.memory_space<semaphore_mem>>) src(%dma_wait3A_363 : memref<8x128xf32, #tpu.memory_space<vmem>>) dst(%dma_wait3A_360 : memref<8x128xf32, #tpu.memory_space<hbm>>)
    %dma_wait3A_364 = arith.constant 0 : i32
    %dma_wait3A_365 = arith.constant 0 : i32
    %dma_wait3A_366 = arith.constant 0 : i32
    %dma_wait3A_367 = arith.constant 16 : i32
    %dma_wait3A_368 = arith.constant 0 : i32
    %dma_wait3A_369 = tpu.memref_slice %arg12[%dma_wait3A_367, %dma_wait3A_368] : memref<64x128xf32, #tpu.memory_space<vmem>> -> memref<8x128xf32, #tpu.memory_space<vmem>>
    %dma_wait3A_370 = arith.constant 0 : i32
    %dma_wait3A_371 = arith.constant 0 : i32
    %dma_wait3A_372 = tpu.memref_slice %arg4[%dma_wait3A_364, %dma_wait3A_365, %dma_wait3A_366, %dma_wait3A_370, %dma_wait3A_371] : memref<26x8x128x8x128xf32, #tpu.memory_space<hbm>> -> memref<1x1x1x8x128xf32, #tpu.memory_space<hbm>>
    %dma_wait3A_373 = tpu.memref_squeeze %dma_wait3A_372 : memref<1x1x1x8x128xf32, #tpu.memory_space<hbm>> -> memref<8x128xf32, #tpu.memory_space<hbm>>
    %dma_wait3A_374 = arith.constant 0 : i32
    %dma_wait3A_375 = arith.constant 0 : i32
    %dma_wait3A_376 = tpu.memref_slice %arg4[%dma_wait3A_364, %dma_wait3A_365, %dma_wait3A_366, %dma_wait3A_374, %dma_wait3A_375] : memref<26x8x128x8x128xf32, #tpu.memory_space<hbm>> -> memref<1x1x1x8x128xf32, #tpu.memory_space<hbm>>
    %dma_wait3A_377 = tpu.memref_squeeze %dma_wait3A_376 : memref<1x1x1x8x128xf32, #tpu.memory_space<hbm>> -> memref<8x128xf32, #tpu.memory_space<hbm>>
    %dma_wait3A_378 = arith.constant 16 : i32
    %dma_wait3A_379 = arith.constant 0 : i32
    %dma_wait3A_380 = tpu.memref_slice %arg12[%dma_wait3A_378, %dma_wait3A_379] : memref<64x128xf32, #tpu.memory_space<vmem>> -> memref<8x128xf32, #tpu.memory_space<vmem>>
    tpu.wait_dma2 semaphore(%arg20 : memref<!tpu.dma_semaphore, #tpu.memory_space<semaphore_mem>>) src(%dma_wait3A_380 : memref<8x128xf32, #tpu.memory_space<vmem>>) dst(%dma_wait3A_377 : memref<8x128xf32, #tpu.memory_space<hbm>>)
    %dma_wait3A_381 = arith.constant 0 : i32
    %dma_wait3A_382 = arith.constant 0 : i32
    %dma_wait3A_383 = arith.constant 0 : i32
    %dma_wait3A_384 = arith.constant 24 : i32
    %dma_wait3A_385 = arith.constant 0 : i32
    %dma_wait3A_386 = tpu.memref_slice %arg12[%dma_wait3A_384, %dma_wait3A_385] : memref<64x128xf32, #tpu.memory_space<vmem>> -> memref<8x128xf32, #tpu.memory_space<vmem>>
    %dma_wait3A_387 = arith.constant 0 : i32
    %dma_wait3A_388 = arith.constant 0 : i32
    %dma_wait3A_389 = tpu.memref_slice %arg4[%dma_wait3A_381, %dma_wait3A_382, %dma_wait3A_383, %dma_wait3A_387, %dma_wait3A_388] : memref<26x8x128x8x128xf32, #tpu.memory_space<hbm>> -> memref<1x1x1x8x128xf32, #tpu.memory_space<hbm>>
    %dma_wait3A_390 = tpu.memref_squeeze %dma_wait3A_389 : memref<1x1x1x8x128xf32, #tpu.memory_space<hbm>> -> memref<8x128xf32, #tpu.memory_space<hbm>>
    %dma_wait3A_391 = arith.constant 0 : i32
    %dma_wait3A_392 = arith.constant 0 : i32
    %dma_wait3A_393 = tpu.memref_slice %arg4[%dma_wait3A_381, %dma_wait3A_382, %dma_wait3A_383, %dma_wait3A_391, %dma_wait3A_392] : memref<26x8x128x8x128xf32, #tpu.memory_space<hbm>> -> memref<1x1x1x8x128xf32, #tpu.memory_space<hbm>>
    %dma_wait3A_394 = tpu.memref_squeeze %dma_wait3A_393 : memref<1x1x1x8x128xf32, #tpu.memory_space<hbm>> -> memref<8x128xf32, #tpu.memory_space<hbm>>
    %dma_wait3A_395 = arith.constant 24 : i32
    %dma_wait3A_396 = arith.constant 0 : i32
    %dma_wait3A_397 = tpu.memref_slice %arg12[%dma_wait3A_395, %dma_wait3A_396] : memref<64x128xf32, #tpu.memory_space<vmem>> -> memref<8x128xf32, #tpu.memory_space<vmem>>
    tpu.wait_dma2 semaphore(%arg20 : memref<!tpu.dma_semaphore, #tpu.memory_space<semaphore_mem>>) src(%dma_wait3A_397 : memref<8x128xf32, #tpu.memory_space<vmem>>) dst(%dma_wait3A_394 : memref<8x128xf32, #tpu.memory_space<hbm>>)
    %dma_wait3A_398 = arith.constant 0 : i32
    %dma_wait3A_399 = arith.constant 0 : i32
    %dma_wait3A_400 = arith.constant 0 : i32
    %dma_wait3A_401 = arith.constant 32 : i32
    %dma_wait3A_402 = arith.constant 0 : i32
    %dma_wait3A_403 = tpu.memref_slice %arg12[%dma_wait3A_401, %dma_wait3A_402] : memref<64x128xf32, #tpu.memory_space<vmem>> -> memref<8x128xf32, #tpu.memory_space<vmem>>
    %dma_wait3A_404 = arith.constant 0 : i32
    %dma_wait3A_405 = arith.constant 0 : i32
    %dma_wait3A_406 = tpu.memref_slice %arg4[%dma_wait3A_398, %dma_wait3A_399, %dma_wait3A_400, %dma_wait3A_404, %dma_wait3A_405] : memref<26x8x128x8x128xf32, #tpu.memory_space<hbm>> -> memref<1x1x1x8x128xf32, #tpu.memory_space<hbm>>
    %dma_wait3A_407 = tpu.memref_squeeze %dma_wait3A_406 : memref<1x1x1x8x128xf32, #tpu.memory_space<hbm>> -> memref<8x128xf32, #tpu.memory_space<hbm>>
    %dma_wait3A_408 = arith.constant 0 : i32
    %dma_wait3A_409 = arith.constant 0 : i32
    %dma_wait3A_410 = tpu.memref_slice %arg4[%dma_wait3A_398, %dma_wait3A_399, %dma_wait3A_400, %dma_wait3A_408, %dma_wait3A_409] : memref<26x8x128x8x128xf32, #tpu.memory_space<hbm>> -> memref<1x1x1x8x128xf32, #tpu.memory_space<hbm>>
    %dma_wait3A_411 = tpu.memref_squeeze %dma_wait3A_410 : memref<1x1x1x8x128xf32, #tpu.memory_space<hbm>> -> memref<8x128xf32, #tpu.memory_space<hbm>>
    %dma_wait3A_412 = arith.constant 32 : i32
    %dma_wait3A_413 = arith.constant 0 : i32
    %dma_wait3A_414 = tpu.memref_slice %arg12[%dma_wait3A_412, %dma_wait3A_413] : memref<64x128xf32, #tpu.memory_space<vmem>> -> memref<8x128xf32, #tpu.memory_space<vmem>>
    tpu.wait_dma2 semaphore(%arg20 : memref<!tpu.dma_semaphore, #tpu.memory_space<semaphore_mem>>) src(%dma_wait3A_414 : memref<8x128xf32, #tpu.memory_space<vmem>>) dst(%dma_wait3A_411 : memref<8x128xf32, #tpu.memory_space<hbm>>)
    %dma_wait3A_415 = arith.constant 0 : i32
    %dma_wait3A_416 = arith.constant 0 : i32
    %dma_wait3A_417 = arith.constant 0 : i32
    %dma_wait3A_418 = arith.constant 40 : i32
    %dma_wait3A_419 = arith.constant 0 : i32
    %dma_wait3A_420 = tpu.memref_slice %arg12[%dma_wait3A_418, %dma_wait3A_419] : memref<64x128xf32, #tpu.memory_space<vmem>> -> memref<8x128xf32, #tpu.memory_space<vmem>>
    %dma_wait3A_421 = arith.constant 0 : i32
    %dma_wait3A_422 = arith.constant 0 : i32
    %dma_wait3A_423 = tpu.memref_slice %arg4[%dma_wait3A_415, %dma_wait3A_416, %dma_wait3A_417, %dma_wait3A_421, %dma_wait3A_422] : memref<26x8x128x8x128xf32, #tpu.memory_space<hbm>> -> memref<1x1x1x8x128xf32, #tpu.memory_space<hbm>>
    %dma_wait3A_424 = tpu.memref_squeeze %dma_wait3A_423 : memref<1x1x1x8x128xf32, #tpu.memory_space<hbm>> -> memref<8x128xf32, #tpu.memory_space<hbm>>
    %dma_wait3A_425 = arith.constant 0 : i32
    %dma_wait3A_426 = arith.constant 0 : i32
    %dma_wait3A_427 = tpu.memref_slice %arg4[%dma_wait3A_415, %dma_wait3A_416, %dma_wait3A_417, %dma_wait3A_425, %dma_wait3A_426] : memref<26x8x128x8x128xf32, #tpu.memory_space<hbm>> -> memref<1x1x1x8x128xf32, #tpu.memory_space<hbm>>
    %dma_wait3A_428 = tpu.memref_squeeze %dma_wait3A_427 : memref<1x1x1x8x128xf32, #tpu.memory_space<hbm>> -> memref<8x128xf32, #tpu.memory_space<hbm>>
    %dma_wait3A_429 = arith.constant 40 : i32
    %dma_wait3A_430 = arith.constant 0 : i32
    %dma_wait3A_431 = tpu.memref_slice %arg12[%dma_wait3A_429, %dma_wait3A_430] : memref<64x128xf32, #tpu.memory_space<vmem>> -> memref<8x128xf32, #tpu.memory_space<vmem>>
    tpu.wait_dma2 semaphore(%arg20 : memref<!tpu.dma_semaphore, #tpu.memory_space<semaphore_mem>>) src(%dma_wait3A_431 : memref<8x128xf32, #tpu.memory_space<vmem>>) dst(%dma_wait3A_428 : memref<8x128xf32, #tpu.memory_space<hbm>>)
    %dma_wait3A_432 = arith.constant 0 : i32
    %dma_wait3A_433 = arith.constant 0 : i32
    %dma_wait3A_434 = arith.constant 0 : i32
    %dma_wait3A_435 = arith.constant 48 : i32
    %dma_wait3A_436 = arith.constant 0 : i32
    %dma_wait3A_437 = tpu.memref_slice %arg12[%dma_wait3A_435, %dma_wait3A_436] : memref<64x128xf32, #tpu.memory_space<vmem>> -> memref<8x128xf32, #tpu.memory_space<vmem>>
    %dma_wait3A_438 = arith.constant 0 : i32
    %dma_wait3A_439 = arith.constant 0 : i32
    %dma_wait3A_440 = tpu.memref_slice %arg4[%dma_wait3A_432, %dma_wait3A_433, %dma_wait3A_434, %dma_wait3A_438, %dma_wait3A_439] : memref<26x8x128x8x128xf32, #tpu.memory_space<hbm>> -> memref<1x1x1x8x128xf32, #tpu.memory_space<hbm>>
    %dma_wait3A_441 = tpu.memref_squeeze %dma_wait3A_440 : memref<1x1x1x8x128xf32, #tpu.memory_space<hbm>> -> memref<8x128xf32, #tpu.memory_space<hbm>>
    %dma_wait3A_442 = arith.constant 0 : i32
    %dma_wait3A_443 = arith.constant 0 : i32
    %dma_wait3A_444 = tpu.memref_slice %arg4[%dma_wait3A_432, %dma_wait3A_433, %dma_wait3A_434, %dma_wait3A_442, %dma_wait3A_443] : memref<26x8x128x8x128xf32, #tpu.memory_space<hbm>> -> memref<1x1x1x8x128xf32, #tpu.memory_space<hbm>>
    %dma_wait3A_445 = tpu.memref_squeeze %dma_wait3A_444 : memref<1x1x1x8x128xf32, #tpu.memory_space<hbm>> -> memref<8x128xf32, #tpu.memory_space<hbm>>
    %dma_wait3A_446 = arith.constant 48 : i32
    %dma_wait3A_447 = arith.constant 0 : i32
    %dma_wait3A_448 = tpu.memref_slice %arg12[%dma_wait3A_446, %dma_wait3A_447] : memref<64x128xf32, #tpu.memory_space<vmem>> -> memref<8x128xf32, #tpu.memory_space<vmem>>
    tpu.wait_dma2 semaphore(%arg20 : memref<!tpu.dma_semaphore, #tpu.memory_space<semaphore_mem>>) src(%dma_wait3A_448 : memref<8x128xf32, #tpu.memory_space<vmem>>) dst(%dma_wait3A_445 : memref<8x128xf32, #tpu.memory_space<hbm>>)
    %dma_wait3A_449 = arith.constant 0 : i32
    %dma_wait3A_450 = arith.constant 0 : i32
    %dma_wait3A_451 = arith.constant 0 : i32
    %dma_wait3A_452 = arith.constant 56 : i32
    %dma_wait3A_453 = arith.constant 0 : i32
    %dma_wait3A_454 = tpu.memref_slice %arg12[%dma_wait3A_452, %dma_wait3A_453] : memref<64x128xf32, #tpu.memory_space<vmem>> -> memref<8x128xf32, #tpu.memory_space<vmem>>
    %dma_wait3A_455 = arith.constant 0 : i32
    %dma_wait3A_456 = arith.constant 0 : i32
    %dma_wait3A_457 = tpu.memref_slice %arg4[%dma_wait3A_449, %dma_wait3A_450, %dma_wait3A_451, %dma_wait3A_455, %dma_wait3A_456] : memref<26x8x128x8x128xf32, #tpu.memory_space<hbm>> -> memref<1x1x1x8x128xf32, #tpu.memory_space<hbm>>
    %dma_wait3A_458 = tpu.memref_squeeze %dma_wait3A_457 : memref<1x1x1x8x128xf32, #tpu.memory_space<hbm>> -> memref<8x128xf32, #tpu.memory_space<hbm>>
    %dma_wait3A_459 = arith.constant 0 : i32
    %dma_wait3A_460 = arith.constant 0 : i32
    %dma_wait3A_461 = tpu.memref_slice %arg4[%dma_wait3A_449, %dma_wait3A_450, %dma_wait3A_451, %dma_wait3A_459, %dma_wait3A_460] : memref<26x8x128x8x128xf32, #tpu.memory_space<hbm>> -> memref<1x1x1x8x128xf32, #tpu.memory_space<hbm>>
    %dma_wait3A_462 = tpu.memref_squeeze %dma_wait3A_461 : memref<1x1x1x8x128xf32, #tpu.memory_space<hbm>> -> memref<8x128xf32, #tpu.memory_space<hbm>>
    %dma_wait3A_463 = arith.constant 56 : i32
    %dma_wait3A_464 = arith.constant 0 : i32
    %dma_wait3A_465 = tpu.memref_slice %arg12[%dma_wait3A_463, %dma_wait3A_464] : memref<64x128xf32, #tpu.memory_space<vmem>> -> memref<8x128xf32, #tpu.memory_space<vmem>>
    tpu.wait_dma2 semaphore(%arg20 : memref<!tpu.dma_semaphore, #tpu.memory_space<semaphore_mem>>) src(%dma_wait3A_465 : memref<8x128xf32, #tpu.memory_space<vmem>>) dst(%dma_wait3A_462 : memref<8x128xf32, #tpu.memory_space<hbm>>)
    %dma_wait3A_466 = arith.constant 0 : i32
    %dma_wait3A_467 = arith.constant 0 : i32
    %dma_wait3A_468 = arith.constant 0 : i32
    %dma_wait3A_469 = arith.constant 0 : i32
    %dma_wait3A_470 = arith.constant 0 : i32
    %dma_wait3A_471 = tpu.memref_slice %arg13[%dma_wait3A_469, %dma_wait3A_470] : memref<64x128xf32, #tpu.memory_space<vmem>> -> memref<8x128xf32, #tpu.memory_space<vmem>>
    %dma_wait3A_472 = arith.constant 0 : i32
    %dma_wait3A_473 = arith.constant 0 : i32
    %dma_wait3A_474 = tpu.memref_slice %arg4[%dma_wait3A_466, %dma_wait3A_467, %dma_wait3A_468, %dma_wait3A_472, %dma_wait3A_473] : memref<26x8x128x8x128xf32, #tpu.memory_space<hbm>> -> memref<1x1x1x8x128xf32, #tpu.memory_space<hbm>>
    %dma_wait3A_475 = tpu.memref_squeeze %dma_wait3A_474 : memref<1x1x1x8x128xf32, #tpu.memory_space<hbm>> -> memref<8x128xf32, #tpu.memory_space<hbm>>
    %dma_wait3A_476 = arith.constant 0 : i32
    %dma_wait3A_477 = arith.constant 0 : i32
    %dma_wait3A_478 = tpu.memref_slice %arg4[%dma_wait3A_466, %dma_wait3A_467, %dma_wait3A_468, %dma_wait3A_476, %dma_wait3A_477] : memref<26x8x128x8x128xf32, #tpu.memory_space<hbm>> -> memref<1x1x1x8x128xf32, #tpu.memory_space<hbm>>
    %dma_wait3A_479 = tpu.memref_squeeze %dma_wait3A_478 : memref<1x1x1x8x128xf32, #tpu.memory_space<hbm>> -> memref<8x128xf32, #tpu.memory_space<hbm>>
    %dma_wait3A_480 = arith.constant 0 : i32
    %dma_wait3A_481 = arith.constant 0 : i32
    %dma_wait3A_482 = tpu.memref_slice %arg13[%dma_wait3A_480, %dma_wait3A_481] : memref<64x128xf32, #tpu.memory_space<vmem>> -> memref<8x128xf32, #tpu.memory_space<vmem>>
    tpu.wait_dma2 semaphore(%arg21 : memref<!tpu.dma_semaphore, #tpu.memory_space<semaphore_mem>>) src(%dma_wait3A_482 : memref<8x128xf32, #tpu.memory_space<vmem>>) dst(%dma_wait3A_479 : memref<8x128xf32, #tpu.memory_space<hbm>>)
    %dma_wait3A_483 = arith.constant 0 : i32
    %dma_wait3A_484 = arith.constant 0 : i32
    %dma_wait3A_485 = arith.constant 0 : i32
    %dma_wait3A_486 = arith.constant 8 : i32
    %dma_wait3A_487 = arith.constant 0 : i32
    %dma_wait3A_488 = tpu.memref_slice %arg13[%dma_wait3A_486, %dma_wait3A_487] : memref<64x128xf32, #tpu.memory_space<vmem>> -> memref<8x128xf32, #tpu.memory_space<vmem>>
    %dma_wait3A_489 = arith.constant 0 : i32
    %dma_wait3A_490 = arith.constant 0 : i32
    %dma_wait3A_491 = tpu.memref_slice %arg4[%dma_wait3A_483, %dma_wait3A_484, %dma_wait3A_485, %dma_wait3A_489, %dma_wait3A_490] : memref<26x8x128x8x128xf32, #tpu.memory_space<hbm>> -> memref<1x1x1x8x128xf32, #tpu.memory_space<hbm>>
    %dma_wait3A_492 = tpu.memref_squeeze %dma_wait3A_491 : memref<1x1x1x8x128xf32, #tpu.memory_space<hbm>> -> memref<8x128xf32, #tpu.memory_space<hbm>>
    %dma_wait3A_493 = arith.constant 0 : i32
    %dma_wait3A_494 = arith.constant 0 : i32
    %dma_wait3A_495 = tpu.memref_slice %arg4[%dma_wait3A_483, %dma_wait3A_484, %dma_wait3A_485, %dma_wait3A_493, %dma_wait3A_494] : memref<26x8x128x8x128xf32, #tpu.memory_space<hbm>> -> memref<1x1x1x8x128xf32, #tpu.memory_space<hbm>>
    %dma_wait3A_496 = tpu.memref_squeeze %dma_wait3A_495 : memref<1x1x1x8x128xf32, #tpu.memory_space<hbm>> -> memref<8x128xf32, #tpu.memory_space<hbm>>
    %dma_wait3A_497 = arith.constant 8 : i32
    %dma_wait3A_498 = arith.constant 0 : i32
    %dma_wait3A_499 = tpu.memref_slice %arg13[%dma_wait3A_497, %dma_wait3A_498] : memref<64x128xf32, #tpu.memory_space<vmem>> -> memref<8x128xf32, #tpu.memory_space<vmem>>
    tpu.wait_dma2 semaphore(%arg21 : memref<!tpu.dma_semaphore, #tpu.memory_space<semaphore_mem>>) src(%dma_wait3A_499 : memref<8x128xf32, #tpu.memory_space<vmem>>) dst(%dma_wait3A_496 : memref<8x128xf32, #tpu.memory_space<hbm>>)
    %dma_wait3A_500 = arith.constant 0 : i32
    %dma_wait3A_501 = arith.constant 0 : i32
    %dma_wait3A_502 = arith.constant 0 : i32
    %dma_wait3A_503 = arith.constant 16 : i32
    %dma_wait3A_504 = arith.constant 0 : i32
    %dma_wait3A_505 = tpu.memref_slice %arg13[%dma_wait3A_503, %dma_wait3A_504] : memref<64x128xf32, #tpu.memory_space<vmem>> -> memref<8x128xf32, #tpu.memory_space<vmem>>
    %dma_wait3A_506 = arith.constant 0 : i32
    %dma_wait3A_507 = arith.constant 0 : i32
    %dma_wait3A_508 = tpu.memref_slice %arg4[%dma_wait3A_500, %dma_wait3A_501, %dma_wait3A_502, %dma_wait3A_506, %dma_wait3A_507] : memref<26x8x128x8x128xf32, #tpu.memory_space<hbm>> -> memref<1x1x1x8x128xf32, #tpu.memory_space<hbm>>
    %dma_wait3A_509 = tpu.memref_squeeze %dma_wait3A_508 : memref<1x1x1x8x128xf32, #tpu.memory_space<hbm>> -> memref<8x128xf32, #tpu.memory_space<hbm>>
    %dma_wait3A_510 = arith.constant 0 : i32
    %dma_wait3A_511 = arith.constant 0 : i32
    %dma_wait3A_512 = tpu.memref_slice %arg4[%dma_wait3A_500, %dma_wait3A_501, %dma_wait3A_502, %dma_wait3A_510, %dma_wait3A_511] : memref<26x8x128x8x128xf32, #tpu.memory_space<hbm>> -> memref<1x1x1x8x128xf32, #tpu.memory_space<hbm>>
    %dma_wait3A_513 = tpu.memref_squeeze %dma_wait3A_512 : memref<1x1x1x8x128xf32, #tpu.memory_space<hbm>> -> memref<8x128xf32, #tpu.memory_space<hbm>>
    %dma_wait3A_514 = arith.constant 16 : i32
    %dma_wait3A_515 = arith.constant 0 : i32
    %dma_wait3A_516 = tpu.memref_slice %arg13[%dma_wait3A_514, %dma_wait3A_515] : memref<64x128xf32, #tpu.memory_space<vmem>> -> memref<8x128xf32, #tpu.memory_space<vmem>>
    tpu.wait_dma2 semaphore(%arg21 : memref<!tpu.dma_semaphore, #tpu.memory_space<semaphore_mem>>) src(%dma_wait3A_516 : memref<8x128xf32, #tpu.memory_space<vmem>>) dst(%dma_wait3A_513 : memref<8x128xf32, #tpu.memory_space<hbm>>)
    %dma_wait3A_517 = arith.constant 0 : i32
    %dma_wait3A_518 = arith.constant 0 : i32
    %dma_wait3A_519 = arith.constant 0 : i32
    %dma_wait3A_520 = arith.constant 24 : i32
    %dma_wait3A_521 = arith.constant 0 : i32
    %dma_wait3A_522 = tpu.memref_slice %arg13[%dma_wait3A_520, %dma_wait3A_521] : memref<64x128xf32, #tpu.memory_space<vmem>> -> memref<8x128xf32, #tpu.memory_space<vmem>>
    %dma_wait3A_523 = arith.constant 0 : i32
    %dma_wait3A_524 = arith.constant 0 : i32
    %dma_wait3A_525 = tpu.memref_slice %arg4[%dma_wait3A_517, %dma_wait3A_518, %dma_wait3A_519, %dma_wait3A_523, %dma_wait3A_524] : memref<26x8x128x8x128xf32, #tpu.memory_space<hbm>> -> memref<1x1x1x8x128xf32, #tpu.memory_space<hbm>>
    %dma_wait3A_526 = tpu.memref_squeeze %dma_wait3A_525 : memref<1x1x1x8x128xf32, #tpu.memory_space<hbm>> -> memref<8x128xf32, #tpu.memory_space<hbm>>
    %dma_wait3A_527 = arith.constant 0 : i32
    %dma_wait3A_528 = arith.constant 0 : i32
    %dma_wait3A_529 = tpu.memref_slice %arg4[%dma_wait3A_517, %dma_wait3A_518, %dma_wait3A_519, %dma_wait3A_527, %dma_wait3A_528] : memref<26x8x128x8x128xf32, #tpu.memory_space<hbm>> -> memref<1x1x1x8x128xf32, #tpu.memory_space<hbm>>
    %dma_wait3A_530 = tpu.memref_squeeze %dma_wait3A_529 : memref<1x1x1x8x128xf32, #tpu.memory_space<hbm>> -> memref<8x128xf32, #tpu.memory_space<hbm>>
    %dma_wait3A_531 = arith.constant 24 : i32
    %dma_wait3A_532 = arith.constant 0 : i32
    %dma_wait3A_533 = tpu.memref_slice %arg13[%dma_wait3A_531, %dma_wait3A_532] : memref<64x128xf32, #tpu.memory_space<vmem>> -> memref<8x128xf32, #tpu.memory_space<vmem>>
    tpu.wait_dma2 semaphore(%arg21 : memref<!tpu.dma_semaphore, #tpu.memory_space<semaphore_mem>>) src(%dma_wait3A_533 : memref<8x128xf32, #tpu.memory_space<vmem>>) dst(%dma_wait3A_530 : memref<8x128xf32, #tpu.memory_space<hbm>>)
    %dma_wait3A_534 = arith.constant 0 : i32
    %dma_wait3A_535 = arith.constant 0 : i32
    %dma_wait3A_536 = arith.constant 0 : i32
    %dma_wait3A_537 = arith.constant 32 : i32
    %dma_wait3A_538 = arith.constant 0 : i32
    %dma_wait3A_539 = tpu.memref_slice %arg13[%dma_wait3A_537, %dma_wait3A_538] : memref<64x128xf32, #tpu.memory_space<vmem>> -> memref<8x128xf32, #tpu.memory_space<vmem>>
    %dma_wait3A_540 = arith.constant 0 : i32
    %dma_wait3A_541 = arith.constant 0 : i32
    %dma_wait3A_542 = tpu.memref_slice %arg4[%dma_wait3A_534, %dma_wait3A_535, %dma_wait3A_536, %dma_wait3A_540, %dma_wait3A_541] : memref<26x8x128x8x128xf32, #tpu.memory_space<hbm>> -> memref<1x1x1x8x128xf32, #tpu.memory_space<hbm>>
    %dma_wait3A_543 = tpu.memref_squeeze %dma_wait3A_542 : memref<1x1x1x8x128xf32, #tpu.memory_space<hbm>> -> memref<8x128xf32, #tpu.memory_space<hbm>>
    %dma_wait3A_544 = arith.constant 0 : i32
    %dma_wait3A_545 = arith.constant 0 : i32
    %dma_wait3A_546 = tpu.memref_slice %arg4[%dma_wait3A_534, %dma_wait3A_535, %dma_wait3A_536, %dma_wait3A_544, %dma_wait3A_545] : memref<26x8x128x8x128xf32, #tpu.memory_space<hbm>> -> memref<1x1x1x8x128xf32, #tpu.memory_space<hbm>>
    %dma_wait3A_547 = tpu.memref_squeeze %dma_wait3A_546 : memref<1x1x1x8x128xf32, #tpu.memory_space<hbm>> -> memref<8x128xf32, #tpu.memory_space<hbm>>
    %dma_wait3A_548 = arith.constant 32 : i32
    %dma_wait3A_549 = arith.constant 0 : i32
    %dma_wait3A_550 = tpu.memref_slice %arg13[%dma_wait3A_548, %dma_wait3A_549] : memref<64x128xf32, #tpu.memory_space<vmem>> -> memref<8x128xf32, #tpu.memory_space<vmem>>
    tpu.wait_dma2 semaphore(%arg21 : memref<!tpu.dma_semaphore, #tpu.memory_space<semaphore_mem>>) src(%dma_wait3A_550 : memref<8x128xf32, #tpu.memory_space<vmem>>) dst(%dma_wait3A_547 : memref<8x128xf32, #tpu.memory_space<hbm>>)
    %dma_wait3A_551 = arith.constant 0 : i32
    %dma_wait3A_552 = arith.constant 0 : i32
    %dma_wait3A_553 = arith.constant 0 : i32
    %dma_wait3A_554 = arith.constant 40 : i32
    %dma_wait3A_555 = arith.constant 0 : i32
    %dma_wait3A_556 = tpu.memref_slice %arg13[%dma_wait3A_554, %dma_wait3A_555] : memref<64x128xf32, #tpu.memory_space<vmem>> -> memref<8x128xf32, #tpu.memory_space<vmem>>
    %dma_wait3A_557 = arith.constant 0 : i32
    %dma_wait3A_558 = arith.constant 0 : i32
    %dma_wait3A_559 = tpu.memref_slice %arg4[%dma_wait3A_551, %dma_wait3A_552, %dma_wait3A_553, %dma_wait3A_557, %dma_wait3A_558] : memref<26x8x128x8x128xf32, #tpu.memory_space<hbm>> -> memref<1x1x1x8x128xf32, #tpu.memory_space<hbm>>
    %dma_wait3A_560 = tpu.memref_squeeze %dma_wait3A_559 : memref<1x1x1x8x128xf32, #tpu.memory_space<hbm>> -> memref<8x128xf32, #tpu.memory_space<hbm>>
    %dma_wait3A_561 = arith.constant 0 : i32
    %dma_wait3A_562 = arith.constant 0 : i32
    %dma_wait3A_563 = tpu.memref_slice %arg4[%dma_wait3A_551, %dma_wait3A_552, %dma_wait3A_553, %dma_wait3A_561, %dma_wait3A_562] : memref<26x8x128x8x128xf32, #tpu.memory_space<hbm>> -> memref<1x1x1x8x128xf32, #tpu.memory_space<hbm>>
    %dma_wait3A_564 = tpu.memref_squeeze %dma_wait3A_563 : memref<1x1x1x8x128xf32, #tpu.memory_space<hbm>> -> memref<8x128xf32, #tpu.memory_space<hbm>>
    %dma_wait3A_565 = arith.constant 40 : i32
    %dma_wait3A_566 = arith.constant 0 : i32
    %dma_wait3A_567 = tpu.memref_slice %arg13[%dma_wait3A_565, %dma_wait3A_566] : memref<64x128xf32, #tpu.memory_space<vmem>> -> memref<8x128xf32, #tpu.memory_space<vmem>>
    tpu.wait_dma2 semaphore(%arg21 : memref<!tpu.dma_semaphore, #tpu.memory_space<semaphore_mem>>) src(%dma_wait3A_567 : memref<8x128xf32, #tpu.memory_space<vmem>>) dst(%dma_wait3A_564 : memref<8x128xf32, #tpu.memory_space<hbm>>)
    %dma_wait3A_568 = arith.constant 0 : i32
    %dma_wait3A_569 = arith.constant 0 : i32
    %dma_wait3A_570 = arith.constant 0 : i32
    %dma_wait3A_571 = arith.constant 48 : i32
    %dma_wait3A_572 = arith.constant 0 : i32
    %dma_wait3A_573 = tpu.memref_slice %arg13[%dma_wait3A_571, %dma_wait3A_572] : memref<64x128xf32, #tpu.memory_space<vmem>> -> memref<8x128xf32, #tpu.memory_space<vmem>>
    %dma_wait3A_574 = arith.constant 0 : i32
    %dma_wait3A_575 = arith.constant 0 : i32
    %dma_wait3A_576 = tpu.memref_slice %arg4[%dma_wait3A_568, %dma_wait3A_569, %dma_wait3A_570, %dma_wait3A_574, %dma_wait3A_575] : memref<26x8x128x8x128xf32, #tpu.memory_space<hbm>> -> memref<1x1x1x8x128xf32, #tpu.memory_space<hbm>>
    %dma_wait3A_577 = tpu.memref_squeeze %dma_wait3A_576 : memref<1x1x1x8x128xf32, #tpu.memory_space<hbm>> -> memref<8x128xf32, #tpu.memory_space<hbm>>
    %dma_wait3A_578 = arith.constant 0 : i32
    %dma_wait3A_579 = arith.constant 0 : i32
    %dma_wait3A_580 = tpu.memref_slice %arg4[%dma_wait3A_568, %dma_wait3A_569, %dma_wait3A_570, %dma_wait3A_578, %dma_wait3A_579] : memref<26x8x128x8x128xf32, #tpu.memory_space<hbm>> -> memref<1x1x1x8x128xf32, #tpu.memory_space<hbm>>
    %dma_wait3A_581 = tpu.memref_squeeze %dma_wait3A_580 : memref<1x1x1x8x128xf32, #tpu.memory_space<hbm>> -> memref<8x128xf32, #tpu.memory_space<hbm>>
    %dma_wait3A_582 = arith.constant 48 : i32
    %dma_wait3A_583 = arith.constant 0 : i32
    %dma_wait3A_584 = tpu.memref_slice %arg13[%dma_wait3A_582, %dma_wait3A_583] : memref<64x128xf32, #tpu.memory_space<vmem>> -> memref<8x128xf32, #tpu.memory_space<vmem>>
    tpu.wait_dma2 semaphore(%arg21 : memref<!tpu.dma_semaphore, #tpu.memory_space<semaphore_mem>>) src(%dma_wait3A_584 : memref<8x128xf32, #tpu.memory_space<vmem>>) dst(%dma_wait3A_581 : memref<8x128xf32, #tpu.memory_space<hbm>>)
    %dma_wait3A_585 = arith.constant 0 : i32
    %dma_wait3A_586 = arith.constant 0 : i32
    %dma_wait3A_587 = arith.constant 0 : i32
    %dma_wait3A_588 = arith.constant 56 : i32
    %dma_wait3A_589 = arith.constant 0 : i32
    %dma_wait3A_590 = tpu.memref_slice %arg13[%dma_wait3A_588, %dma_wait3A_589] : memref<64x128xf32, #tpu.memory_space<vmem>> -> memref<8x128xf32, #tpu.memory_space<vmem>>
    %dma_wait3A_591 = arith.constant 0 : i32
    %dma_wait3A_592 = arith.constant 0 : i32
    %dma_wait3A_593 = tpu.memref_slice %arg4[%dma_wait3A_585, %dma_wait3A_586, %dma_wait3A_587, %dma_wait3A_591, %dma_wait3A_592] : memref<26x8x128x8x128xf32, #tpu.memory_space<hbm>> -> memref<1x1x1x8x128xf32, #tpu.memory_space<hbm>>
    %dma_wait3A_594 = tpu.memref_squeeze %dma_wait3A_593 : memref<1x1x1x8x128xf32, #tpu.memory_space<hbm>> -> memref<8x128xf32, #tpu.memory_space<hbm>>
    %dma_wait3A_595 = arith.constant 0 : i32
    %dma_wait3A_596 = arith.constant 0 : i32
    %dma_wait3A_597 = tpu.memref_slice %arg4[%dma_wait3A_585, %dma_wait3A_586, %dma_wait3A_587, %dma_wait3A_595, %dma_wait3A_596] : memref<26x8x128x8x128xf32, #tpu.memory_space<hbm>> -> memref<1x1x1x8x128xf32, #tpu.memory_space<hbm>>
    %dma_wait3A_598 = tpu.memref_squeeze %dma_wait3A_597 : memref<1x1x1x8x128xf32, #tpu.memory_space<hbm>> -> memref<8x128xf32, #tpu.memory_space<hbm>>
    %dma_wait3A_599 = arith.constant 56 : i32
    %dma_wait3A_600 = arith.constant 0 : i32
    %dma_wait3A_601 = tpu.memref_slice %arg13[%dma_wait3A_599, %dma_wait3A_600] : memref<64x128xf32, #tpu.memory_space<vmem>> -> memref<8x128xf32, #tpu.memory_space<vmem>>
    tpu.wait_dma2 semaphore(%arg21 : memref<!tpu.dma_semaphore, #tpu.memory_space<semaphore_mem>>) src(%dma_wait3A_601 : memref<8x128xf32, #tpu.memory_space<vmem>>) dst(%dma_wait3A_598 : memref<8x128xf32, #tpu.memory_space<hbm>>)
    return
  }
}

</mosaic_0001>

<sc_bundles>
// kernel: _gather_rows.3.cloned.1.call-start
scs
__scs_entry_jumppad:
0x0: {  	(pc) =	sbr.rel $0x88, $3  }
0x1: {  	(tag) =	ssettag $0x0;
	lr =	simm.s32 $0x1  }
0x2: {  	[smem:$0x3F9F] =	sst lr;
	_ =	strace $0xD0000000  }
0x3: {  	_ = 	snop  }
0x4: {  	_ = 	snop  }
0x5: {  	_ = 	snop  }
0x6: {  	_ = 	snop  }
0x7: {  	_ = 	snop  }
__scs_overlays_trampoline_lowered:
0x8: {  	[smem:$0x3FAE] =	sst s0  }
0x9: {  	[smem:$0x3FAF] =	sst s1  }
0xa: {  	[smem:$0x3FB0] =	sst s2  }
0xb: {  	[smem:$0x3FB1] =	sst s3  }
0xc: {  	[smem:$0x3FB2] =	sst s4  }
0xd: {  	[smem:$0x3FB3] =	sst s5  }
0xe: {  	[smem:$0x3FB4] =	sst s6  }
0xf: {  	[smem:$0x3FB5] =	sst s7  }
0x10: {  	[smem:$0x3FB6] =	sst s8  }
0x11: {  	[smem:$0x3FB7] =	sst s9;
	s0 =	simm.s32 @!p0 $0x0  }
0x12: {  	s1 =	sld [smem:$0x3F9D];
	s0 =	simm.s32 @p0 $0x1  }
0x13: {  	[smem:$0x3FB8] =	sst s0;
	s0 =	simm.s32 @!p1 $0x0  }
0x14: {  	s2 =	sld [smem:$0x3F9C];
	s0 =	simm.s32 @p1 $0x1  }
0x15: {  	[smem:$0x3FB9] =	sst s0;
	s0 =	simm.s32 @!p2 $0x0  }
0x16: {  	s3 =	sld [smem:$0x3FDB];
	s0 =	simm.s32 @p2 $0x1  }
0x17: {  	s4 =	simm.s32 $0x1BF5;
	[smem:$0x3FBB] =	sst s0  }
0x18: {  	s0 =	sld [smem:$0x3F9E];
	_ =	swait.ge [sflag:s4], $0x0  }
0x19: {  	s7 =	sld [smem:$0x3F9F]  }
0x1a: {  	s8 =	sadd.s32 $0xFFFFE003, lr  }
0x1b: {  	s9 =	sadd.s32 $0xFFFFFEF7, lr;
	s5 =	simm.s32 $0xFFFFFFFF;
	p2 =	slt.u32 s8, $0xFFFFF086  }
0x1c: {  	p1 =	slt.u32 s9, $0xF7A;
	s5 =	simm.s32 @!p2 $0x0  }
0x1d: {  	s5 =	simm.s32 @p1 $0x1;
	p0 =	seq.s32 s7, s2  }
0x1e: {  	s7 =	smul.u32 @!p0 $0xF7A, s2;
	p2 =	seq.s32 @!p0 s5, $0x0  }
0x1f: {  	s9 =	smul.u32 $0xF7A, s1;
	s8 =	simm.s32 @!p0 $0x1BF5;
	p2 =	por !p2, p0  }
0x20: {  	[sflag:s8] =	ssyncset.s32 @!p0 $0xFFFFF086;
	s6 =	sadd.s32 @!p0 s3, s7;
	s7 =	simm.s32 @!p0 $0x108  }
0x21: {  	s3 =	sadd.s32 s3, s9;
	s6 =	sadd.s32 @!p0 $0x88, s6;
	s7 =	simm.s32 @p2 $0x1082  }
0x22: {  	[simem:s7], [sflag:s8] =	dma.local @!p0 [hbm:s6], $0xF7A  }
0x23: {  	s9 =	sor.u32 $0xD0000000, s2;
	s6 =	simm.s32 $0x108;
	_ =	swait.ge @!p0 [sflag:s8], $0x0  }
0x24: {  	s3 =	sadd.s32 $0x88, s3;
	s6 =	simm.s32 @!p1 $0x1082;
	[sflag:s4] =	ssyncset.s32 $0xFFFFF086  }
0x25: {  	[simem:s6], [sflag:s4] =	dma.local [hbm:s3], $0xF7A  }
0x26: {  	[smem:$0x3F9F] =	sst s1;
	(tag) =	ssettag s2;
	_ =	strace s9  }
0x27: {  	s1 =	sld [smem:$0x3FAF]  }
0x28: {  	s2 =	sld [smem:$0x3FB0]  }
0x29: {  	s4 =	sld [smem:$0x3FB2]  }
0x2a: {  	p0 =	seq.s32 s5, $0x0;
	s5 =	sld [smem:$0x3FB3]  }
0x2b: {  	s6 =	sld [smem:$0x3FB4]  }
0x2c: {  	s7 =	sld [smem:$0x3FB5]  }
0x2d: {  	s3 =	simm.s32 $0x108;
	s8 =	sld [smem:$0x3FB6]  }
0x2e: {  	s3 =	simm.s32 @!p0 $0x1082;
	s9 =	sld [smem:$0x3FB7]  }
0x2f: {  	lr =	sadd.s32 s0, s3;
	s0 =	sld [smem:$0x3FAE]  }
0x30: {  	s3 =	sld [smem:$0x3FB1]  }
0x31: {  	[smem:$0x3FBA] =	sst s10  }
0x32: {  	s10 =	sld [smem:$0x3FB8];
	_ =	sdelay $0x3  }
0x33: {  	p0 =	seq.s32 s10, $0x1;
	s10 =	sld [smem:$0x3FBA];
	_ =	sdelay $0x3  }
0x34: {  	[smem:$0x3FBA] =	sst s10  }
0x35: {  	s10 =	sld [smem:$0x3FB9];
	_ =	sdelay $0x3  }
0x36: {  	p1 =	seq.s32 s10, $0x1;
	s10 =	sld [smem:$0x3FBA];
	_ =	sdelay $0x3  }
0x37: {  	[smem:$0x3FBA] =	sst s10  }
0x38: {  	s10 =	sld [smem:$0x3FBB]  }
0x39: {  	_ = 	snop;
	(pc) =	sbr.ind lr, $3  }
0x3a: {  	_ = 	snop  }
0x3b: {  	_ = 	snop  }
0x3c: {  	p2 =	seq.s32 s10, $0x1;
	s10 =	sld [smem:$0x3FBA]  }
0x3d: {  	_ =	shalt  }
0x3e: {  	_ =	shalt  }
0x3f: {  	_ =	shalt  }
0x40: {  	_ =	shalt  }
0x41: {  	_ =	shalt  }
0x42: {  	_ =	shalt  }
0x43: {  	_ =	shalt  }
0x44: {  	_ =	shalt  }
0x45: {  	_ =	shalt  }
0x46: {  	_ =	shalt  }
0x47: {  	_ =	shalt  }
0x48: {  	_ =	shalt  }
0x49: {  	_ =	shalt  }
0x4a: {  	_ =	shalt  }
0x4b: {  	_ =	shalt  }
0x4c: {  	_ =	shalt  }
0x4d: {  	_ =	shalt  }
0x4e: {  	_ =	shalt  }
0x4f: {  	_ =	shalt  }
0x50: {  	_ =	shalt  }
0x51: {  	_ =	shalt  }
0x52: {  	_ =	shalt  }
0x53: {  	_ =	shalt  }
0x54: {  	_ =	shalt  }
0x55: {  	_ =	shalt  }
0x56: {  	_ =	shalt  }
0x57: {  	_ =	shalt  }
0x58: {  	_ =	shalt  }
0x59: {  	_ =	shalt  }
0x5a: {  	_ =	shalt  }
0x5b: {  	_ =	shalt  }
0x5c: {  	_ =	shalt  }
0x5d: {  	_ =	shalt  }
0x5e: {  	_ =	shalt  }
0x5f: {  	_ =	shalt  }
0x60: {  	_ =	shalt  }
0x61: {  	_ =	shalt  }
0x62: {  	_ =	shalt  }
0x63: {  	_ =	shalt  }
0x64: {  	_ =	shalt  }
0x65: {  	_ =	shalt  }
0x66: {  	_ =	shalt  }
0x67: {  	_ =	shalt  }
0x68: {  	_ =	shalt  }
0x69: {  	_ =	shalt  }
0x6a: {  	_ =	shalt  }
0x6b: {  	_ =	shalt  }
0x6c: {  	_ =	shalt  }
0x6d: {  	_ =	shalt  }
0x6e: {  	_ =	shalt  }
0x6f: {  	_ =	shalt  }
0x70: {  	_ =	shalt  }
0x71: {  	_ =	shalt  }
0x72: {  	_ =	shalt  }
0x73: {  	_ =	shalt  }
0x74: {  	_ =	shalt  }
0x75: {  	_ =	shalt  }
0x76: {  	_ =	shalt  }
0x77: {  	_ =	shalt  }
0x78: {  	_ =	shalt  }
0x79: {  	_ =	shalt  }
0x7a: {  	_ =	shalt  }
0x7b: {  	_ =	shalt  }
0x7c: {  	_ =	shalt  }
0x7d: {  	_ =	shalt  }
0x7e: {  	_ =	shalt  }
0x7f: {  	_ =	shalt  }
0x80: {  	_ =	shalt  }
0x81: {  	_ =	shalt  }
0x82: {  	_ =	shalt  }
0x83: {  	_ =	shalt  }
0x84: {  	_ =	shalt  }
0x85: {  	_ =	shalt  }
0x86: {  	_ =	shalt  }
0x87: {  	_ =	shalt  }
.Lfunc_end0:
.L_simem_size_0:
called_computation_lowered:
.L_overlay_start_0:
0x88: {  	s2 =	sld [smem:$0x3FD9]  }
0x89: {  	s3 =	sld [smem:$0x3FFE];
	_ =	sdelay $0x1  }
0x8a: {  	s1 =	srdreg.scid  }
0x8b: {  	s0 =	sand.u32 $0x1, s1  }
0x8c: {  	s17 =	sshll.u32 s0, $0xA;
	s2 =	sadd.s32 s3, s2  }
0x8d: {  	s2 =	sadd.s32 s2, s17  }
0x8e: {  	[smem:$0x3FC6] =	sst s2  }
0x8f: {  	_ = 	snop  }
0x90: {  	s2 =	sld [smem:$0x3FD0];
	(tm) =	ssettm $0x1  }
0x91: {  	s18 =	sld [smem:$0x3FFB];
	_ =	sdelay $0x3  }
0x92: {  	_ =	strace s18  }
0x93: {  	s3 =	sld [smem:$0x3FFC];
	_ =	sdelay $0x3  }
0x94: {  	_ =	strace s3  }
0x95: {  	s3 =	sld [smem:$0x3FFD];
	_ =	sdelay $0x3  }
0x96: {  	_ =	strace s3  }
0x97: {  	_ =	strace $0x8FFFFFFF  }
0x98: {  	s19 =	sld [smem:$0x3FDB];
	_ =	sdelay $0x1  }
0x99: {  	s4 =	simm.s32 $_scs_section_size  }
0x9a: {  	s5 =	simm.s32 $_size__tile_overlayer_lowered;
	s6 =	simm.s32 $_tile_overlayer_lowered  }
0x9b: {  	s22 =	simm.s32 $0x1BFF;
	s21 =	sshll.u32 s6, $0x1;
	s3 =	sadd.s32 s4, s19  }
0x9c: {  	s7 =	simm.s32 $0x0;
	s20 =	sshll.u32 s5, $0x1;
	s5 =	sadd.s32 s21, s3  }
0x9d: {  	[timem:s7], [sflag:s22] =	dma.local [hbm:s5], s20  }
0x9e: {  	_ =	swait.ge [sflag:s22], s20  }
0x9f: {  	s4 =	ssub.s32 $0x0, s20;
	[sflag:s22] =	ssyncset.done $0x0  }
0xa0: {  	[sflag:s22] =	ssyncadd.s32 s4;
	_ =	sdelay $0x1  }
0xa1: {  	s23 =	simm.s32 $0x1B8B  }
0xa2: {  	_ =	swait.ge [sflag:s23], $0x1  }
0xa3: {  	[sflag:s23] =	ssyncset.done $0x0  }
0xa4: {  	s25 =	simm.s32 $0x1B8E;
	s24 =	sld [smem:$0x3FFE];
	[sflag:s23] =	ssyncadd.s32 $0xFFFFFFFF  }
0xa5: {  	s26 =	simm.s32 $execute0_lowered;
	[smem:$0x3FD2] =	sst s25  }
0xa6: {  	s5 =	sshll.u32 s26, $0x1;
	_ =	strace $0x80000046;
	[dreg:$0x1] =	wrdreg $0xFFFFFFFF  }
0xa7: {  	s28 =	simm.s32 $_size_execute0_lowered;
	s3 =	sadd.s32 s3, s5;
	[dreg:$0x0] =	wrdreg $0x0  }
0xa8: {  	s5 =	sshll.u32 s28, $0x1;
	[dreg:$0x2] =	wrdreg s3  }
0xa9: {  	[dreg:$0x3] =	wrdreg s5  }
0xaa: {  	[dreg:$0x4] =	wrdreg $0xC0  }
0xab: {  	_ =	task [dreg:s7], $0x5FFFF  }
0xac: {  	[dreg:$0x1] =	wrdreg $0xFFFFFFFF  }
0xad: {  	[dreg:$0x0] =	wrdreg $0x60  }
0xae: {  	[dreg:$0x2] =	wrdreg s24  }
0xaf: {  	[dreg:$0x3] =	wrdreg s2  }
0xb0: {  	[dreg:$0x4] =	wrdreg $0x9  }
0xb1: {  	_ =	task.clear_ibuf [dreg:s7], $0x5FFFF;
	_ =	strace $0x90000046  }
0xb2: {  	s29 =	simm.s32 $0x9;
	_ =	strace $0x80000048  }
0xb3: {  	_ =	swait.ge [sflag:s29], $0x1  }
0xb4: {  	[sflag:s29] =	ssyncadd.s32 $0xFFFFFFFF  }
0xb5: {  	_ =	strace $0x90000048  }
0xb6: {  	_ =	sfence  }
0xb7: {  	s30 =	sld [smem:$0x0];
	_ =	sdelay $0x2  }
0xb8: {  	s31 =	sshll.u32 s1, $0xD;
	s1 =	sshrl.u32 s1, $0x2  }
0xb9: {  	s3 =	sand.u32 $0x4000, s31;
	s1 =	sadd.s32 s1, s30  }
0xba: {  	s0 =	sor.u32 s3, s0;
	s1 =	sshll.u32 s1, $0x11  }
0xbb: {  	s0 =	sor.u32 s1, s0  }
0xbc: {  	s0 =	sadd.s32 $0x8F2B, s0  }
0xbd: {  	[sflag:s0] =	ssyncadd.remote.s32 $0x1  }
0xbe: {  	_ =	sfence.sel $0xFFFF  }
0xbf: {  	[dreg:$0x0] =	wrdreg $0xFFFFFFFF;
	(pc) =	sbr.abs _section_cstart, $3  }
0xc0: {  	[dreg:$0x1] =	wrdreg $0xFFFFFFFF  }
0xc1: {  	_ =	task.clear_ibuf [dreg:s7], $0x2FFFF;
	_ =	strace $0x9FFFFFFF  }
0xc2: {  	(tm) =	ssettm $0x7FFFFFFF  }
0xc3: {  	_ =	shalt  }
tec
execute0_lowered:
.L_overlay_start_1:
0x0: {  	(tag) =	ssettag $0x1  }
0x1: {  	s0 =	rddreg [dreg:$0x0]  }
0x2: {  	s1 =	srdreg.scid;
	s3 =	stileid.u32  }
0x3: {  	s2 =	rddreg [dreg:$0x1];
	s18 =	simm.s32 $0x80;
	s19 =	simm.s32 $0x3400  }
0x4: {  	s20 =	simm.s32 $0x5400;
	s22 =	simm.s32 $0x7400;
	s24 =	simm.s32 $0x9400  }
0x5: {  	s16 =	simm.s32 $0x2;
	s21 =	simm.s32 $0x6;
	s31 =	simm.s32 $0x3  }
0x6: {  	s29 =	simm.s32 $0x4;
	s30 =	simm.s32 $0x8;
	s17 =	simm.s32 $0x12800  }
0x7: {  	s28 =	simm.s32 $0x13000;
	s1 =	sand.u32 $0x1, s1;
	s4 =	sshll.u32 s3, $0x1  }
0x8: {  	s3 =	simm.s32 $0x0;
	s8 =	sadd.s32 $0x8000, s2;
	s9 =	sadd.s32 $0xC000, s2  }
0x9: {  	s10 =	sadd.s32 $0x10000, s2;
	s11 =	sadd.s32 $0x14000, s2;
	s12 =	sadd.s32 $0x18000, s2  }
0xa: {  	s13 =	sadd.s32 $0x1C000, s2;
	s5 =	sor.u32 s1, s4;
	[smem:$0x7FF] =	sst s3  }
0xb: {  	v0 =	vlaneseq.u32;
	s1 =	ssub.s32 $0x2, s1;
	s4 =	sshll.u32 s5, $0x6;
	_ =	strace $0x80000047  }
.Ltmp0:
0xc: {  	v0 =	vmul.u32 $0x40, v0;
	s7 =	sshrl.u32 s1, $0x1;
	s6 =	sadd.s32 s4, s0;
	(pc) =	sbr.rel .LBB2_1-.Ltmp0, $4  }
0xd: {  	s4 =	sadd.s32 $0xF42A00, s0;
	s25 =	ssub.s32 s1, s7;
	s7 =	sadd.s32 $0x4000, s2  }
0xe: {  	v1 =	vor.u32 $0x400, v0;
	s1 =	simm.s32 $0x7;
	s26 =	sadd.s32 $0x600, s6;
	s6 =	sshll.u32 s5, $0xC  }
0xf: {  	v2 =	vor.u32 $0x800, v0;
	v3 =	vor.u32 $0xC00, v0;
	v4 =	vor.u32 $0x1000, v0;
	s0 =	smax.u32 s25, $0x1;
	s25 =	simm.s32 $0x1;
	[dreg:$0x3] =	wrdreg s26  }
0x10: {  	v5 =	vor.u32 $0x1400, v0;
	v6 =	vor.u32 $0x1800, v0;
	v7 =	vor.u32 $0x1C00, v0;
	s5 =	simm.s32 $0x0;
	[dreg:$0x4] =	wrdreg s0;
	s26 =	simm.s32 $0x12C00  }
.LBB2_24:
0x11: {  	s0 =	simm.s32 $0x5  }
0x12: {  	_ =	swait.ge [sflag:s0], $0x400  }
0x13: {  	[sflag:s0] =	ssyncset.done $0x0  }
0x14: {  	[sflag:s0] =	ssyncadd.s32 $0xFFFFFC00  }
0x15: {  	_ =	swait.ge [sflag:s0], $0x400  }
0x16: {  	[sflag:s0] =	ssyncset.done $0x0  }
0x17: {  	[sflag:s0] =	ssyncadd.s32 $0xFFFFFC00  }
0x18: {  	_ =	swait.ge [sflag:s0], $0x400  }
0x19: {  	[sflag:s0] =	ssyncset.done $0x0  }
0x1a: {  	[sflag:s0] =	ssyncadd.s32 $0xFFFFFC00  }
0x1b: {  	_ =	swait.ge [sflag:s0], $0x400  }
0x1c: {  	[sflag:s0] =	ssyncset.done $0x0  }
0x1d: {  	[sflag:s0] =	ssyncadd.s32 $0xFFFFFC00  }
0x1e: {  	_ =	swait.ge [sflag:s0], $0x400  }
0x1f: {  	[sflag:s0] =	ssyncset.done $0x0  }
0x20: {  	[sflag:s0] =	ssyncadd.s32 $0xFFFFFC00  }
0x21: {  	_ =	swait.ge [sflag:s0], $0x400  }
0x22: {  	[sflag:s0] =	ssyncset.done $0x0  }
0x23: {  	[sflag:s0] =	ssyncadd.s32 $0xFFFFFC00  }
0x24: {  	_ =	swait.ge [sflag:s0], $0x400  }
0x25: {  	[sflag:s0] =	ssyncset.done $0x0  }
0x26: {  	[sflag:s0] =	ssyncadd.s32 $0xFFFFFC00  }
0x27: {  	_ =	swait.ge [sflag:s0], $0x400  }
0x28: {  	[sflag:s0] =	ssyncset.done $0x0  }
0x29: {  	[sflag:s0] =	ssyncadd.s32 $0xFFFFFC00  }
0x2a: {  	_ =	swait.ge [sflag:s21], $0x400  }
0x2b: {  	[sflag:s21] =	ssyncset.done $0x0  }
0x2c: {  	[sflag:s21] =	ssyncadd.s32 $0xFFFFFC00  }
0x2d: {  	_ =	swait.ge [sflag:s21], $0x400  }
0x2e: {  	[sflag:s21] =	ssyncset.done $0x0  }
0x2f: {  	[sflag:s21] =	ssyncadd.s32 $0xFFFFFC00  }
0x30: {  	_ =	swait.ge [sflag:s21], $0x400  }
0x31: {  	[sflag:s21] =	ssyncset.done $0x0  }
0x32: {  	[sflag:s21] =	ssyncadd.s32 $0xFFFFFC00  }
0x33: {  	_ =	swait.ge [sflag:s21], $0x400  }
0x34: {  	[sflag:s21] =	ssyncset.done $0x0  }
0x35: {  	[sflag:s21] =	ssyncadd.s32 $0xFFFFFC00  }
0x36: {  	_ =	swait.ge [sflag:s21], $0x400  }
0x37: {  	[sflag:s21] =	ssyncset.done $0x0  }
0x38: {  	[sflag:s21] =	ssyncadd.s32 $0xFFFFFC00  }
0x39: {  	_ =	swait.ge [sflag:s21], $0x400  }
0x3a: {  	[sflag:s21] =	ssyncset.done $0x0  }
0x3b: {  	[sflag:s21] =	ssyncadd.s32 $0xFFFFFC00  }
0x3c: {  	_ =	swait.ge [sflag:s21], $0x400  }
0x3d: {  	[sflag:s21] =	ssyncset.done $0x0  }
0x3e: {  	[sflag:s21] =	ssyncadd.s32 $0xFFFFFC00  }
0x3f: {  	_ =	swait.ge [sflag:s21], $0x400  }
0x40: {  	[sflag:s21] =	ssyncset.done $0x0  }
0x41: {  	[sflag:s21] =	ssyncadd.s32 $0xFFFFFC00  }
0x42: {  	_ =	swait.ge [sflag:s1], $0x400  }
0x43: {  	[sflag:s1] =	ssyncset.done $0x0  }
0x44: {  	[sflag:s1] =	ssyncadd.s32 $0xFFFFFC00  }
0x45: {  	_ =	swait.ge [sflag:s1], $0x400  }
0x46: {  	[sflag:s1] =	ssyncset.done $0x0  }
0x47: {  	[sflag:s1] =	ssyncadd.s32 $0xFFFFFC00  }
0x48: {  	_ =	swait.ge [sflag:s1], $0x400  }
0x49: {  	[sflag:s1] =	ssyncset.done $0x0  }
0x4a: {  	[sflag:s1] =	ssyncadd.s32 $0xFFFFFC00  }
0x4b: {  	_ =	swait.ge [sflag:s1], $0x400  }
0x4c: {  	[sflag:s1] =	ssyncset.done $0x0  }
0x4d: {  	[sflag:s1] =	ssyncadd.s32 $0xFFFFFC00  }
0x4e: {  	_ =	swait.ge [sflag:s1], $0x400  }
0x4f: {  	[sflag:s1] =	ssyncset.done $0x0  }
0x50: {  	[sflag:s1] =	ssyncadd.s32 $0xFFFFFC00  }
0x51: {  	_ =	swait.ge [sflag:s1], $0x400  }
0x52: {  	[sflag:s1] =	ssyncset.done $0x0  }
0x53: {  	[sflag:s1] =	ssyncadd.s32 $0xFFFFFC00  }
0x54: {  	_ =	swait.ge [sflag:s1], $0x400  }
0x55: {  	[sflag:s1] =	ssyncset.done $0x0  }
0x56: {  	[sflag:s1] =	ssyncadd.s32 $0xFFFFFC00  }
0x57: {  	_ =	swait.ge [sflag:s1], $0x400  }
0x58: {  	[sflag:s1] =	ssyncset.done $0x0  }
0x59: {  	[sflag:s1] =	ssyncadd.s32 $0xFFFFFC00  }
0x5a: {  	_ =	swait.ge [sflag:s30], $0x400  }
0x5b: {  	[sflag:s30] =	ssyncset.done $0x0  }
0x5c: {  	[sflag:s30] =	ssyncadd.s32 $0xFFFFFC00  }
0x5d: {  	_ =	swait.ge [sflag:s30], $0x400  }
0x5e: {  	[sflag:s30] =	ssyncset.done $0x0  }
0x5f: {  	[sflag:s30] =	ssyncadd.s32 $0xFFFFFC00  }
0x60: {  	_ =	swait.ge [sflag:s30], $0x400  }
0x61: {  	[sflag:s30] =	ssyncset.done $0x0  }
0x62: {  	[sflag:s30] =	ssyncadd.s32 $0xFFFFFC00  }
0x63: {  	_ =	swait.ge [sflag:s30], $0x400  }
0x64: {  	[sflag:s30] =	ssyncset.done $0x0  }
0x65: {  	[sflag:s30] =	ssyncadd.s32 $0xFFFFFC00  }
0x66: {  	_ =	swait.ge [sflag:s30], $0x400  }
0x67: {  	[sflag:s30] =	ssyncset.done $0x0  }
0x68: {  	[sflag:s30] =	ssyncadd.s32 $0xFFFFFC00  }
0x69: {  	_ =	swait.ge [sflag:s30], $0x400  }
0x6a: {  	[sflag:s30] =	ssyncset.done $0x0  }
0x6b: {  	[sflag:s30] =	ssyncadd.s32 $0xFFFFFC00  }
0x6c: {  	_ =	swait.ge [sflag:s30], $0x400  }
0x6d: {  	[sflag:s30] =	ssyncset.done $0x0  }
0x6e: {  	[sflag:s30] =	ssyncadd.s32 $0xFFFFFC00  }
0x6f: {  	_ =	swait.ge [sflag:s30], $0x400  }
0x70: {  	s5 =	rddreg [dreg:$0x5]  }
0x71: {  	s23 =	rddreg [dreg:$0x4];
	s5 =	sadd.s32 $0x1, s5  }
0x72: {  	p0 =	sne.s32 s5, s23  }
.Ltmp1:
0x73: {  	_ = 	snop;
	(pc) =	sbr.rel @!p0 .LBB2_25-.Ltmp1, $3  }
0x74: {  	_ =	sdelay $0x1  }
0x75: {  	[sflag:s30] =	ssyncset.done $0x0  }
0x76: {  	[sflag:s30] =	ssyncadd.s32 $0xFFFFFC00  }
.LBB2_1:
0x77: {  	s0 =	rddreg [dreg:$0x3];
	s23 =	simm.s32 $0x200;
	s14 =	simm.s32 $0x4000  }
0x78: {  	[tilespmem:s3], [sflag:$0x9] =	stream.strided.gather [hbm4b:s0+s23], $0x3400, s14, s23, $0x38;
	[tilespmem:$0x13400] =	vst v63  }
0x79: {  	[dreg:$0x5] =	wrdreg s5;
	s14 =	simm.s32 $0x9  }
0x7a: {  	_ =	swait.ge [sflag:s14], $0x3400  }
0x7b: {  	[sflag:s14] =	ssyncset.done $0x0  }
0x7c: {  	[sflag:s14] =	ssyncadd.s32 $0xFFFFCC00  }
0x7d: {  	[tilespmem:s19], [sflag:$0x1] =	stream.indirect.gather [hbm4b:s4+s18], $0x40, s3, s18, $0xb8;
	[tilespmem:$0x13400] =	vst v63  }
0x7e: {  	_ = 	snop  }
0x7f: {  	[tilespmem:s20], [sflag:$0x2] =	stream.indirect.gather [hbm4b:s4+s18], $0x40, s18, s18, $0xb8;
	[tilespmem:$0x13400] =	vst v63  }
0x80: {  	s15 =	simm.s32 $0x100  }
0x81: {  	[tilespmem:s22], [sflag:$0x3] =	stream.indirect.gather [hbm4b:s4+s18], $0x40, s15, s18, $0xb8;
	[tilespmem:$0x13400] =	vst v63  }
0x82: {  	s23 =	simm.s32 $0x180;
	s0 =	simm.s32 $0x0  }
0x83: {  	[tilespmem:s24], [sflag:$0x4] =	stream.indirect.gather [hbm4b:s4+s18], $0x40, s23, s18, $0xb8;
	[tilespmem:$0x13400] =	vst v63  }
.LBB2_2:
0x84: {  	_ =	swait.ge [sflag:s25], $0x2000  }
0x85: {  	p0 =	seq.s32 s0, $0x0;
	[sflag:s25] =	ssyncset.done $0x0  }
0x86: {  	s5 =	simm.s32 @!p0 $0x5;
	[sflag:s25] =	ssyncadd.s32 $0xFFFFE000  }
0x87: {  	_ =	swait.ge @!p0 [sflag:s5], $0x400  }
0x88: {  	[sflag:s5] =	ssyncset.done @!p0 $0x0  }
0x89: {  	[sflag:s5] =	ssyncadd.s32 @!p0 $0xFFFFFC00  }
0x8a: {  	_ =	swait.ge @!p0 [sflag:s5], $0x400  }
0x8b: {  	[sflag:s5] =	ssyncset.done @!p0 $0x0  }
0x8c: {  	[sflag:s5] =	ssyncadd.s32 @!p0 $0xFFFFFC00  }
0x8d: {  	_ =	swait.ge @!p0 [sflag:s5], $0x400  }
0x8e: {  	[sflag:s5] =	ssyncset.done @!p0 $0x0  }
0x8f: {  	[sflag:s5] =	ssyncadd.s32 @!p0 $0xFFFFFC00  }
0x90: {  	_ =	swait.ge @!p0 [sflag:s5], $0x400  }
0x91: {  	[sflag:s5] =	ssyncset.done @!p0 $0x0  }
0x92: {  	[sflag:s5] =	ssyncadd.s32 @!p0 $0xFFFFFC00  }
0x93: {  	_ =	swait.ge @!p0 [sflag:s5], $0x400  }
0x94: {  	[sflag:s5] =	ssyncset.done @!p0 $0x0  }
0x95: {  	s14 =	simm.s32 $0x0;
	[sflag:s5] =	ssyncadd.s32 @!p0 $0xFFFFFC00  }
0x96: {  	v8 =	vmov s14;
	_ =	swait.ge @!p0 [sflag:s5], $0x400  }
0x97: {  	v8 =	vand.u32 $0x3F, v8;
	[sflag:s5] =	ssyncset.done @!p0 $0x0  }
0x98: {  	v8 =	vbroadcast v8, $0x0;
	[sflag:s5] =	ssyncadd.s32 @!p0 $0xFFFFFC00  }
0x99: {  	_ =	swait.ge @!p0 [sflag:s5], $0x400  }
0x9a: {  	v9 =	vor.u32 v0, v8;
	[sflag:s5] =	ssyncset.done @!p0 $0x0  }
0x9b: {  	[sflag:s5] =	ssyncadd.s32 @!p0 $0xFFFFFC00  }
0x9c: {  	_ =	swait.ge @!p0 [sflag:s5], $0x400  }
0x9d: {  	[sflag:s5] =	ssyncset.done @!p0 $0x0  }
0x9e: {  	[sflag:s5] =	ssyncadd.s32 @!p0 $0xFFFFFC00  }
0x9f: {  	v9 =	vld.idx.msk [tilespmem:v9+s19+$0x0], $0xffff  }
0xa0: {  	v10 =	vor.u32 v1, v8;
	_ =	sdelay $0x2  }
0xa1: {  	s15 =	simm.s32 $0xB440  }
0xa2: {  	[tilespmem:s15+$0xFFFFFFC0] =	vst v9  }
0xa3: {  	v9 =	vld.idx.msk [tilespmem:v10+s19+$0x0], $0xffff  }
0xa4: {  	v10 =	vor.u32 v2, v8;
	_ =	sdelay $0x3  }
0xa5: {  	[tilespmem:s15+$0xFFFFFFD0] =	vst v9  }
0xa6: {  	v9 =	vld.idx.msk [tilespmem:v10+s19+$0x0], $0xffff  }
0xa7: {  	v10 =	vor.u32 v3, v8;
	_ =	sdelay $0x3  }
0xa8: {  	[tilespmem:s15+$0xFFFFFFE0] =	vst v9  }
0xa9: {  	v9 =	vld.idx.msk [tilespmem:v10+s19+$0x0], $0xffff  }
0xaa: {  	v10 =	vor.u32 v4, v8;
	_ =	sdelay $0x3  }
0xab: {  	[tilespmem:s15+$0xFFFFFFF0] =	vst v9  }
0xac: {  	v9 =	vld.idx.msk [tilespmem:v10+s19+$0x0], $0xffff  }
0xad: {  	v10 =	vor.u32 v5, v8;
	_ =	sdelay $0x3  }
0xae: {  	[tilespmem:s15+$0x0] =	vst v9  }
0xaf: {  	v9 =	vld.idx.msk [tilespmem:v10+s19+$0x0], $0xffff  }
0xb0: {  	v10 =	vor.u32 v6, v8;
	_ =	sdelay $0x3  }
0xb1: {  	[tilespmem:s15+$0x10] =	vst v9  }
0xb2: {  	v9 =	vld.idx.msk [tilespmem:v10+s19+$0x0], $0xffff  }
0xb3: {  	v8 =	vor.u32 v7, v8;
	_ =	sdelay $0x1  }
0xb4: {  	s23 =	simm.s32 $0x1  }
0xb5: {  	s5 =	simm.s32 $0x2;
	v10 =	vmov s23  }
.LBB2_3:
0xb6: {  	p1 =	sne.s32 s5, $0x3F;
	v10 =	vand.u32 $0x3F, v10;
	[tilespmem:s15+$0x20] =	vst v9  }
0xb7: {  	v10 =	vbroadcast v10, $0x0;
	v8 =	vld.idx.msk [tilespmem:v8+s19+$0x0], $0xffff;
	_ =	sdelay $0x1  }
0xb8: {  	v9 =	vor.u32 v0, v10;
	_ =	sdelay $0x3  }
0xb9: {  	[tilespmem:s15+$0x30] =	vst v8  }
0xba: {  	v8 =	vld.idx.msk [tilespmem:v9+s19+$0x0], $0xffff;
	_ =	sdelay $0x1  }
0xbb: {  	v9 =	vor.u32 v1, v10;
	_ =	sdelay $0x2  }
0xbc: {  	s15 =	sadd.s32 $0x80, s15  }
0xbd: {  	[tilespmem:s15+$0xFFFFFFC0] =	vst v8  }
0xbe: {  	v8 =	vld.idx.msk [tilespmem:v9+s19+$0x0], $0xffff;
	_ =	sdelay $0x1  }
0xbf: {  	v9 =	vor.u32 v2, v10;
	_ =	sdelay $0x3  }
0xc0: {  	[tilespmem:s15+$0xFFFFFFD0] =	vst v8  }
0xc1: {  	v8 =	vld.idx.msk [tilespmem:v9+s19+$0x0], $0xffff;
	_ =	sdelay $0x1  }
0xc2: {  	v9 =	vor.u32 v3, v10;
	_ =	sdelay $0x3  }
0xc3: {  	[tilespmem:s15+$0xFFFFFFE0] =	vst v8  }
0xc4: {  	v8 =	vld.idx.msk [tilespmem:v9+s19+$0x0], $0xffff;
	_ =	sdelay $0x1  }
0xc5: {  	v9 =	vor.u32 v4, v10;
	_ =	sdelay $0x3  }
0xc6: {  	[tilespmem:s15+$0xFFFFFFF0] =	vst v8  }
0xc7: {  	v8 =	vld.idx.msk [tilespmem:v9+s19+$0x0], $0xffff;
	_ =	sdelay $0x1  }
0xc8: {  	v9 =	vor.u32 v5, v10;
	_ =	sdelay $0x3  }
0xc9: {  	[tilespmem:s15+$0x0] =	vst v8  }
0xca: {  	v8 =	vld.idx.msk [tilespmem:v9+s19+$0x0], $0xffff;
	_ =	sdelay $0x1  }
0xcb: {  	v9 =	vor.u32 v6, v10;
	_ =	sdelay $0x3  }
0xcc: {  	[tilespmem:s15+$0x10] =	vst v8  }
0xcd: {  	v9 =	vld.idx.msk [tilespmem:v9+s19+$0x0], $0xffff  }
.Ltmp2:
0xce: {  	(pc) =	sbr.rel @p1 .LBB2_3-.Ltmp2, $2  }
0xcf: {  	v8 =	vor.u32 v7, v10;
	_ =	sdelay $0x2  }
0xd0: {  	v10 =	vmov s5;
	s5 =	sadd.s32 $0x1, s5  }
0xd1: {  	_ =	sdelay $0x1  }
0xd2: {  	v10 =	vand.u32 $0x3F, v10  }
0xd3: {  	[tilespmem:s15+$0x20] =	vst v9;
	v57 =	vbroadcast v10, $0x0  }
0xd4: {  	v8 =	vld.idx.msk [tilespmem:v8+s19+$0x0], $0xffff  }
0xd5: {  	v10 =	vor.u32 v0, v57;
	_ =	sdelay $0x3  }
0xd6: {  	[tilespmem:s15+$0x30] =	vst v8  }
0xd7: {  	v8 =	vld.idx.msk [tilespmem:v10+s19+$0x0], $0xffff  }
0xd8: {  	v58 =	vor.u32 v1, v57;
	_ =	sdelay $0x2  }
0xd9: {  	s5 =	sadd.s32 $0x80, s15  }
0xda: {  	[tilespmem:s5+$0xFFFFFFC0] =	vst v8  }
0xdb: {  	v8 =	vld.idx.msk [tilespmem:v58+s19+$0x0], $0xffff  }
0xdc: {  	v59 =	vor.u32 v2, v57;
	_ =	sdelay $0x3  }
0xdd: {  	[tilespmem:s5+$0xFFFFFFD0] =	vst v8  }
0xde: {  	v8 =	vld.idx.msk [tilespmem:v59+s19+$0x0], $0xffff  }
0xdf: {  	v60 =	vor.u32 v3, v57;
	_ =	sdelay $0x3  }
0xe0: {  	[tilespmem:s5+$0xFFFFFFE0] =	vst v8  }
0xe1: {  	v8 =	vld.idx.msk [tilespmem:v60+s19+$0x0], $0xffff  }
0xe2: {  	v61 =	vor.u32 v4, v57;
	_ =	sdelay $0x3  }
0xe3: {  	[tilespmem:s5+$0xFFFFFFF0] =	vst v8  }
0xe4: {  	v8 =	vld.idx.msk [tilespmem:v61+s19+$0x0], $0xffff  }
0xe5: {  	v62 =	vor.u32 v5, v57;
	_ =	sdelay $0x3  }
0xe6: {  	[tilespmem:s5+$0x0] =	vst v8  }
0xe7: {  	v8 =	vld.idx.msk [tilespmem:v62+s19+$0x0], $0xffff  }
0xe8: {  	v63 =	vor.u32 v6, v57;
	_ =	sdelay $0x3  }
0xe9: {  	[tilespmem:s5+$0x10] =	vst v8  }
0xea: {  	v8 =	vld.idx.msk [tilespmem:v63+s19+$0x0], $0xffff  }
0xeb: {  	v9 =	vor.u32 v7, v57;
	_ =	sdelay $0x3  }
0xec: {  	[tilespmem:s5+$0x20] =	vst v8  }
0xed: {  	v8 =	vld.idx.msk [tilespmem:v9+s19+$0x0], $0xffff;
	_ =	sdelay $0x1  }
0xee: {  	s14 =	sshll.u32 s0, $0x14  }
0xef: {  	s14 =	sor.u32 s6, s14  }
0xf0: {  	s15 =	sshrl.u32 s14, $0x3  }
0xf1: {  	s23 =	simm.s32 $0xB400;
	s14 =	sadd.s32 s2, s15;
	[tilespmem:s5+$0x30] =	vst v8  }
0xf2: {  	[hbm4b:s14+s3] =	stream.linear.scatter [tilespmem:s23], [sflag:$0x5], $0x400, $0x38;
	[tilespmem:$0x13400] =	vst v63  }
0xf3: {  	s14 =	sadd.s32 s15, s7;
	s23 =	simm.s32 $0xB800  }
0xf4: {  	[hbm4b:s14+s3] =	stream.linear.scatter [tilespmem:s23], [sflag:$0x5], $0x400, $0x38;
	[tilespmem:$0x13400] =	vst v63  }
0xf5: {  	s14 =	sadd.s32 s15, s8;
	s23 =	simm.s32 $0xBC00  }
0xf6: {  	[hbm4b:s14+s3] =	stream.linear.scatter [tilespmem:s23], [sflag:$0x5], $0x400, $0x38;
	[tilespmem:$0x13400] =	vst v63  }
0xf7: {  	s14 =	sadd.s32 s15, s9;
	s23 =	simm.s32 $0xC000  }
0xf8: {  	[hbm4b:s14+s3] =	stream.linear.scatter [tilespmem:s23], [sflag:$0x5], $0x400, $0x38;
	[tilespmem:$0x13400] =	vst v63  }
0xf9: {  	s14 =	sadd.s32 s15, s10;
	s23 =	simm.s32 $0xC400  }
0xfa: {  	[hbm4b:s14+s3] =	stream.linear.scatter [tilespmem:s23], [sflag:$0x5], $0x400, $0x38;
	[tilespmem:$0x13400] =	vst v63  }
0xfb: {  	p1 =	sne.s32 s0, $0x19;
	s14 =	sadd.s32 s15, s11;
	s23 =	simm.s32 $0xC800  }
0xfc: {  	[hbm4b:s14+s3] =	stream.linear.scatter [tilespmem:s23], [sflag:$0x5], $0x400, $0x38;
	[tilespmem:$0x13400] =	vst v63  }
.Ltmp3:
0xfd: {  	_ = 	snop;
	(pc) =	sbr.rel @p1 .LBB2_6-.Ltmp3, $4  }
0xfe: {  	s14 =	sadd.s32 s15, s12;
	s23 =	simm.s32 $0xCC00  }
0xff: {  	[hbm4b:s14+s3] =	stream.linear.scatter [tilespmem:s23], [sflag:$0x5], $0x400, $0x38;
	[tilespmem:$0x13400] =	vst v63  }
0x100: {  	s14 =	sadd.s32 s15, s13;
	s23 =	simm.s32 $0xD000  }
0x101: {  	[hbm4b:s14+s3] =	stream.linear.scatter [tilespmem:s23], [sflag:$0x5], $0x400, $0x38;
	[tilespmem:$0x13400] =	vst v63  }
.Ltmp4:
0x102: {  	(pc) =	sbr.rel .LBB2_7-.Ltmp4, $4  }
0x103: {  	_ = 	snop  }
0x104: {  	_ =	swait.ge [sflag:s16], $0x2000  }
0x105: {  	[sflag:s16] =	ssyncset.done $0x0  }
0x106: {  	[sflag:s16] =	ssyncadd.s32 $0xFFFFE000  }
.LBB2_6:
0x107: {  	s5 =	sshll.u32 s0, $0x9  }
0x108: {  	s5 =	sand.u32 $0x3FFFFE00, s5  }
.Ltmp5:
0x109: {  	s5 =	sadd.s32 $0x200, s5;
	(pc) =	sbr.rel @p0 .LBB2_8-.Ltmp5, $4  }
0x10a: {  	[tilespmem:s19], [sflag:$0x1] =	stream.indirect.gather [hbm4b:s4+s18], $0x40, s5, s18, $0xb8;
	[tilespmem:$0x13400] =	vst v63  }
0x10b: {  	_ =	swait.ge [sflag:s16], $0x2000  }
0x10c: {  	[sflag:s16] =	ssyncset.done $0x0  }
0x10d: {  	[sflag:s16] =	ssyncadd.s32 $0xFFFFE000  }
.LBB2_7:
0x10e: {  	_ =	swait.ge [sflag:s21], $0x400  }
0x10f: {  	[sflag:s21] =	ssyncset.done $0x0  }
0x110: {  	[sflag:s21] =	ssyncadd.s32 $0xFFFFFC00  }
0x111: {  	_ =	swait.ge [sflag:s21], $0x400  }
0x112: {  	[sflag:s21] =	ssyncset.done $0x0  }
0x113: {  	[sflag:s21] =	ssyncadd.s32 $0xFFFFFC00  }
0x114: {  	_ =	swait.ge [sflag:s21], $0x400  }
0x115: {  	[sflag:s21] =	ssyncset.done $0x0  }
0x116: {  	[sflag:s21] =	ssyncadd.s32 $0xFFFFFC00  }
0x117: {  	_ =	swait.ge [sflag:s21], $0x400  }
0x118: {  	[sflag:s21] =	ssyncset.done $0x0  }
0x119: {  	[sflag:s21] =	ssyncadd.s32 $0xFFFFFC00  }
0x11a: {  	_ =	swait.ge [sflag:s21], $0x400  }
0x11b: {  	[sflag:s21] =	ssyncset.done $0x0  }
0x11c: {  	[sflag:s21] =	ssyncadd.s32 $0xFFFFFC00  }
0x11d: {  	_ =	swait.ge [sflag:s21], $0x400  }
0x11e: {  	[sflag:s21] =	ssyncset.done $0x0  }
0x11f: {  	[sflag:s21] =	ssyncadd.s32 $0xFFFFFC00  }
0x120: {  	_ =	swait.ge [sflag:s21], $0x400  }
0x121: {  	[sflag:s21] =	ssyncset.done $0x0  }
0x122: {  	[sflag:s21] =	ssyncadd.s32 $0xFFFFFC00  }
0x123: {  	_ =	swait.ge [sflag:s21], $0x400  }
0x124: {  	[sflag:s21] =	ssyncset.done $0x0  }
0x125: {  	[sflag:s21] =	ssyncadd.s32 $0xFFFFFC00  }
.LBB2_8:
0x126: {  	s5 =	simm.s32 $0x0  }
0x127: {  	v8 =	vmov s5  }
0x128: {  	v8 =	vand.u32 $0x3F, v8  }
0x129: {  	v8 =	vbroadcast v8, $0x0;
	_ =	sdelay $0x1  }
0x12a: {  	v9 =	vor.u32 v0, v8;
	_ =	sdelay $0x4  }
0x12b: {  	v9 =	vld.idx.msk [tilespmem:v9+s20+$0x0], $0xffff  }
0x12c: {  	v10 =	vor.u32 v1, v8;
	_ =	sdelay $0x2  }
0x12d: {  	s23 =	simm.s32 $0xD440  }
0x12e: {  	[tilespmem:s23+$0xFFFFFFC0] =	vst v9  }
0x12f: {  	v9 =	vld.idx.msk [tilespmem:v10+s20+$0x0], $0xffff  }
0x130: {  	v10 =	vor.u32 v2, v8;
	_ =	sdelay $0x3  }
0x131: {  	[tilespmem:s23+$0xFFFFFFD0] =	vst v9  }
0x132: {  	v9 =	vld.idx.msk [tilespmem:v10+s20+$0x0], $0xffff  }
0x133: {  	v10 =	vor.u32 v3, v8;
	_ =	sdelay $0x3  }
0x134: {  	[tilespmem:s23+$0xFFFFFFE0] =	vst v9  }
0x135: {  	v9 =	vld.idx.msk [tilespmem:v10+s20+$0x0], $0xffff  }
0x136: {  	v10 =	vor.u32 v4, v8;
	_ =	sdelay $0x3  }
0x137: {  	[tilespmem:s23+$0xFFFFFFF0] =	vst v9  }
0x138: {  	v9 =	vld.idx.msk [tilespmem:v10+s20+$0x0], $0xffff  }
0x139: {  	v10 =	vor.u32 v5, v8;
	_ =	sdelay $0x3  }
0x13a: {  	[tilespmem:s23+$0x0] =	vst v9  }
0x13b: {  	v9 =	vld.idx.msk [tilespmem:v10+s20+$0x0], $0xffff  }
0x13c: {  	v10 =	vor.u32 v6, v8;
	_ =	sdelay $0x3  }
0x13d: {  	[tilespmem:s23+$0x10] =	vst v9  }
0x13e: {  	v9 =	vld.idx.msk [tilespmem:v10+s20+$0x0], $0xffff  }
0x13f: {  	v8 =	vor.u32 v7, v8;
	_ =	sdelay $0x1  }
0x140: {  	s14 =	simm.s32 $0x1  }
0x141: {  	s5 =	simm.s32 $0x2;
	v10 =	vmov s14  }
.LBB2_9:
0x142: {  	p2 =	sne.s32 s5, $0x3F;
	v10 =	vand.u32 $0x3F, v10;
	[tilespmem:s23+$0x20] =	vst v9  }
0x143: {  	v10 =	vbroadcast v10, $0x0;
	v8 =	vld.idx.msk [tilespmem:v8+s20+$0x0], $0xffff;
	_ =	sdelay $0x1  }
0x144: {  	v9 =	vor.u32 v0, v10;
	_ =	sdelay $0x3  }
0x145: {  	[tilespmem:s23+$0x30] =	vst v8  }
0x146: {  	v8 =	vld.idx.msk [tilespmem:v9+s20+$0x0], $0xffff;
	_ =	sdelay $0x1  }
0x147: {  	v9 =	vor.u32 v1, v10;
	_ =	sdelay $0x2  }
0x148: {  	s23 =	sadd.s32 $0x80, s23  }
0x149: {  	[tilespmem:s23+$0xFFFFFFC0] =	vst v8  }
0x14a: {  	v8 =	vld.idx.msk [tilespmem:v9+s20+$0x0], $0xffff;
	_ =	sdelay $0x1  }
0x14b: {  	v9 =	vor.u32 v2, v10;
	_ =	sdelay $0x3  }
0x14c: {  	[tilespmem:s23+$0xFFFFFFD0] =	vst v8  }
0x14d: {  	v8 =	vld.idx.msk [tilespmem:v9+s20+$0x0], $0xffff;
	_ =	sdelay $0x1  }
0x14e: {  	v9 =	vor.u32 v3, v10;
	_ =	sdelay $0x3  }
0x14f: {  	[tilespmem:s23+$0xFFFFFFE0] =	vst v8  }
0x150: {  	v8 =	vld.idx.msk [tilespmem:v9+s20+$0x0], $0xffff;
	_ =	sdelay $0x1  }
0x151: {  	v9 =	vor.u32 v4, v10;
	_ =	sdelay $0x3  }
0x152: {  	[tilespmem:s23+$0xFFFFFFF0] =	vst v8  }
0x153: {  	v8 =	vld.idx.msk [tilespmem:v9+s20+$0x0], $0xffff;
	_ =	sdelay $0x1  }
0x154: {  	v9 =	vor.u32 v5, v10;
	_ =	sdelay $0x3  }
0x155: {  	[tilespmem:s23+$0x0] =	vst v8  }
0x156: {  	v8 =	vld.idx.msk [tilespmem:v9+s20+$0x0], $0xffff;
	_ =	sdelay $0x1  }
0x157: {  	v9 =	vor.u32 v6, v10;
	_ =	sdelay $0x3  }
0x158: {  	[tilespmem:s23+$0x10] =	vst v8  }
0x159: {  	v9 =	vld.idx.msk [tilespmem:v9+s20+$0x0], $0xffff  }
.Ltmp6:
0x15a: {  	(pc) =	sbr.rel @p2 .LBB2_9-.Ltmp6, $2  }
0x15b: {  	v8 =	vor.u32 v7, v10;
	_ =	sdelay $0x2  }
0x15c: {  	v10 =	vmov s5;
	s5 =	sadd.s32 $0x1, s5  }
0x15d: {  	_ =	sdelay $0x1  }
0x15e: {  	v10 =	vand.u32 $0x3F, v10  }
0x15f: {  	[tilespmem:s23+$0x20] =	vst v9;
	v57 =	vbroadcast v10, $0x0  }
0x160: {  	v8 =	vld.idx.msk [tilespmem:v8+s20+$0x0], $0xffff  }
0x161: {  	v10 =	vor.u32 v0, v57;
	_ =	sdelay $0x3  }
0x162: {  	[tilespmem:s23+$0x30] =	vst v8  }
0x163: {  	v8 =	vld.idx.msk [tilespmem:v10+s20+$0x0], $0xffff  }
0x164: {  	v58 =	vor.u32 v1, v57;
	_ =	sdelay $0x2  }
0x165: {  	s5 =	sadd.s32 $0x80, s23  }
0x166: {  	[tilespmem:s5+$0xFFFFFFC0] =	vst v8  }
0x167: {  	v8 =	vld.idx.msk [tilespmem:v58+s20+$0x0], $0xffff  }
0x168: {  	v59 =	vor.u32 v2, v57;
	_ =	sdelay $0x3  }
0x169: {  	[tilespmem:s5+$0xFFFFFFD0] =	vst v8  }
0x16a: {  	v8 =	vld.idx.msk [tilespmem:v59+s20+$0x0], $0xffff  }
0x16b: {  	v60 =	vor.u32 v3, v57;
	_ =	sdelay $0x3  }
0x16c: {  	[tilespmem:s5+$0xFFFFFFE0] =	vst v8  }
0x16d: {  	v8 =	vld.idx.msk [tilespmem:v60+s20+$0x0], $0xffff  }
0x16e: {  	v61 =	vor.u32 v4, v57;
	_ =	sdelay $0x3  }
0x16f: {  	[tilespmem:s5+$0xFFFFFFF0] =	vst v8  }
0x170: {  	v8 =	vld.idx.msk [tilespmem:v61+s20+$0x0], $0xffff  }
0x171: {  	v62 =	vor.u32 v5, v57;
	_ =	sdelay $0x3  }
0x172: {  	[tilespmem:s5+$0x0] =	vst v8  }
0x173: {  	v8 =	vld.idx.msk [tilespmem:v62+s20+$0x0], $0xffff  }
0x174: {  	v63 =	vor.u32 v6, v57;
	_ =	sdelay $0x3  }
0x175: {  	[tilespmem:s5+$0x10] =	vst v8  }
0x176: {  	v8 =	vld.idx.msk [tilespmem:v63+s20+$0x0], $0xffff  }
0x177: {  	v9 =	vor.u32 v7, v57;
	_ =	sdelay $0x3  }
0x178: {  	[tilespmem:s5+$0x20] =	vst v8  }
0x179: {  	v8 =	vld.idx.msk [tilespmem:v9+s20+$0x0], $0xffff;
	_ =	sdelay $0x3  }
0x17a: {  	s23 =	sadd.s32 s15, s2  }
0x17b: {  	s14 =	simm.s32 $0xD400;
	[tilespmem:s5+$0x30] =	vst v8;
	s5 =	sadd.s32 $0x80, s23  }
0x17c: {  	[hbm4b:s5+s3] =	stream.linear.scatter [tilespmem:s14], [sflag:$0x6], $0x400, $0x38;
	[tilespmem:$0x13400] =	vst v63  }
0x17d: {  	s14 =	sor.u32 $0x4080, s15  }
0x17e: {  	s5 =	sadd.s32 s2, s14;
	s14 =	simm.s32 $0xD800  }
0x17f: {  	[hbm4b:s5+s3] =	stream.linear.scatter [tilespmem:s14], [sflag:$0x6], $0x400, $0x38;
	[tilespmem:$0x13400] =	vst v63  }
0x180: {  	s14 =	sor.u32 $0x8080, s15  }
0x181: {  	s5 =	sadd.s32 s2, s14;
	s14 =	simm.s32 $0xDC00  }
0x182: {  	[hbm4b:s5+s3] =	stream.linear.scatter [tilespmem:s14], [sflag:$0x6], $0x400, $0x38;
	[tilespmem:$0x13400] =	vst v63  }
0x183: {  	s14 =	sor.u32 $0xC080, s15  }
0x184: {  	s5 =	sadd.s32 s2, s14;
	s14 =	simm.s32 $0xE000  }
0x185: {  	[hbm4b:s5+s3] =	stream.linear.scatter [tilespmem:s14], [sflag:$0x6], $0x400, $0x38;
	[tilespmem:$0x13400] =	vst v63  }
0x186: {  	s14 =	sor.u32 $0x10080, s15  }
0x187: {  	s5 =	sadd.s32 s2, s14;
	s14 =	simm.s32 $0xE400  }
0x188: {  	[hbm4b:s5+s3] =	stream.linear.scatter [tilespmem:s14], [sflag:$0x6], $0x400, $0x38;
	[tilespmem:$0x13400] =	vst v63  }
0x189: {  	s14 =	sor.u32 $0x14080, s15  }
0x18a: {  	s5 =	sadd.s32 s2, s14;
	s14 =	simm.s32 $0xE800  }
0x18b: {  	[hbm4b:s5+s3] =	stream.linear.scatter [tilespmem:s14], [sflag:$0x6], $0x400, $0x38;
	[tilespmem:$0x13400] =	vst v63  }
0x18c: {  	s14 =	sor.u32 $0x18080, s15  }
.Ltmp7:
0x18d: {  	s5 =	sadd.s32 s2, s14;
	s14 =	simm.s32 $0xEC00;
	(pc) =	sbr.rel @p1 .LBB2_12-.Ltmp7, $4  }
0x18e: {  	[hbm4b:s5+s3] =	stream.linear.scatter [tilespmem:s14], [sflag:$0x6], $0x400, $0x38;
	[tilespmem:$0x13400] =	vst v63  }
0x18f: {  	s14 =	sor.u32 $0x1C080, s15  }
0x190: {  	s5 =	sadd.s32 s2, s14;
	s14 =	simm.s32 $0xF000  }
0x191: {  	[hbm4b:s5+s3] =	stream.linear.scatter [tilespmem:s14], [sflag:$0x6], $0x400, $0x38;
	[tilespmem:$0x13400] =	vst v63  }
.Ltmp8:
0x192: {  	(pc) =	sbr.rel .LBB2_13-.Ltmp8, $4  }
0x193: {  	_ = 	snop  }
0x194: {  	_ =	swait.ge [sflag:s31], $0x2000  }
0x195: {  	[sflag:s31] =	ssyncset.done $0x0  }
0x196: {  	[sflag:s31] =	ssyncadd.s32 $0xFFFFE000  }
.LBB2_12:
0x197: {  	s5 =	sshll.u32 s0, $0x9  }
0x198: {  	s5 =	sand.u32 $0x3FFFFE00, s5  }
.Ltmp9:
0x199: {  	s5 =	sadd.s32 $0x280, s5;
	(pc) =	sbr.rel @p0 .LBB2_14-.Ltmp9, $4  }
0x19a: {  	[tilespmem:s20], [sflag:$0x2] =	stream.indirect.gather [hbm4b:s4+s18], $0x40, s5, s18, $0xb8;
	[tilespmem:$0x13400] =	vst v63  }
0x19b: {  	_ =	swait.ge [sflag:s31], $0x2000  }
0x19c: {  	[sflag:s31] =	ssyncset.done $0x0  }
0x19d: {  	[sflag:s31] =	ssyncadd.s32 $0xFFFFE000  }
.LBB2_13:
0x19e: {  	_ =	swait.ge [sflag:s1], $0x400  }
0x19f: {  	[sflag:s1] =	ssyncset.done $0x0  }
0x1a0: {  	[sflag:s1] =	ssyncadd.s32 $0xFFFFFC00  }
0x1a1: {  	_ =	swait.ge [sflag:s1], $0x400  }
0x1a2: {  	[sflag:s1] =	ssyncset.done $0x0  }
0x1a3: {  	[sflag:s1] =	ssyncadd.s32 $0xFFFFFC00  }
0x1a4: {  	_ =	swait.ge [sflag:s1], $0x400  }
0x1a5: {  	[sflag:s1] =	ssyncset.done $0x0  }
0x1a6: {  	[sflag:s1] =	ssyncadd.s32 $0xFFFFFC00  }
0x1a7: {  	_ =	swait.ge [sflag:s1], $0x400  }
0x1a8: {  	[sflag:s1] =	ssyncset.done $0x0  }
0x1a9: {  	[sflag:s1] =	ssyncadd.s32 $0xFFFFFC00  }
0x1aa: {  	_ =	swait.ge [sflag:s1], $0x400  }
0x1ab: {  	[sflag:s1] =	ssyncset.done $0x0  }
0x1ac: {  	[sflag:s1] =	ssyncadd.s32 $0xFFFFFC00  }
0x1ad: {  	_ =	swait.ge [sflag:s1], $0x400  }
0x1ae: {  	[sflag:s1] =	ssyncset.done $0x0  }
0x1af: {  	[sflag:s1] =	ssyncadd.s32 $0xFFFFFC00  }
0x1b0: {  	_ =	swait.ge [sflag:s1], $0x400  }
0x1b1: {  	[sflag:s1] =	ssyncset.done $0x0  }
0x1b2: {  	[sflag:s1] =	ssyncadd.s32 $0xFFFFFC00  }
0x1b3: {  	_ =	swait.ge [sflag:s1], $0x400  }
0x1b4: {  	[sflag:s1] =	ssyncset.done $0x0  }
0x1b5: {  	[sflag:s1] =	ssyncadd.s32 $0xFFFFFC00  }
.LBB2_14:
0x1b6: {  	s5 =	simm.s32 $0x0  }
0x1b7: {  	v8 =	vmov s5  }
0x1b8: {  	v8 =	vand.u32 $0x3F, v8  }
0x1b9: {  	v8 =	vbroadcast v8, $0x0;
	_ =	sdelay $0x1  }
0x1ba: {  	v9 =	vor.u32 v0, v8;
	_ =	sdelay $0x4  }
0x1bb: {  	v9 =	vld.idx.msk [tilespmem:v9+s22+$0x0], $0xffff  }
0x1bc: {  	v10 =	vor.u32 v1, v8;
	_ =	sdelay $0x2  }
0x1bd: {  	s5 =	simm.s32 $0xF440  }
0x1be: {  	[tilespmem:s5+$0xFFFFFFC0] =	vst v9  }
0x1bf: {  	v9 =	vld.idx.msk [tilespmem:v10+s22+$0x0], $0xffff  }
0x1c0: {  	v10 =	vor.u32 v2, v8;
	_ =	sdelay $0x3  }
0x1c1: {  	[tilespmem:s5+$0xFFFFFFD0] =	vst v9  }
0x1c2: {  	v9 =	vld.idx.msk [tilespmem:v10+s22+$0x0], $0xffff  }
0x1c3: {  	v10 =	vor.u32 v3, v8;
	_ =	sdelay $0x3  }
0x1c4: {  	[tilespmem:s5+$0xFFFFFFE0] =	vst v9  }
0x1c5: {  	v9 =	vld.idx.msk [tilespmem:v10+s22+$0x0], $0xffff  }
0x1c6: {  	v10 =	vor.u32 v4, v8;
	_ =	sdelay $0x3  }
0x1c7: {  	[tilespmem:s5+$0xFFFFFFF0] =	vst v9  }
0x1c8: {  	v9 =	vld.idx.msk [tilespmem:v10+s22+$0x0], $0xffff  }
0x1c9: {  	v10 =	vor.u32 v5, v8;
	_ =	sdelay $0x3  }
0x1ca: {  	[tilespmem:s5+$0x0] =	vst v9  }
0x1cb: {  	v9 =	vld.idx.msk [tilespmem:v10+s22+$0x0], $0xffff  }
0x1cc: {  	v10 =	vor.u32 v6, v8;
	_ =	sdelay $0x3  }
0x1cd: {  	[tilespmem:s5+$0x10] =	vst v9  }
0x1ce: {  	v9 =	vld.idx.msk [tilespmem:v10+s22+$0x0], $0xffff  }
0x1cf: {  	v8 =	vor.u32 v7, v8;
	_ =	sdelay $0x1  }
0x1d0: {  	s14 =	simm.s32 $0x1  }
0x1d1: {  	v10 =	vmov s14;
	s14 =	simm.s32 $0x2  }
.LBB2_15:
0x1d2: {  	p2 =	sne.s32 s14, $0x3F;
	v10 =	vand.u32 $0x3F, v10;
	[tilespmem:s5+$0x20] =	vst v9  }
0x1d3: {  	v10 =	vbroadcast v10, $0x0;
	v8 =	vld.idx.msk [tilespmem:v8+s22+$0x0], $0xffff;
	_ =	sdelay $0x1  }
0x1d4: {  	v9 =	vor.u32 v0, v10;
	_ =	sdelay $0x3  }
0x1d5: {  	[tilespmem:s5+$0x30] =	vst v8  }
0x1d6: {  	v8 =	vld.idx.msk [tilespmem:v9+s22+$0x0], $0xffff;
	_ =	sdelay $0x1  }
0x1d7: {  	v9 =	vor.u32 v1, v10;
	_ =	sdelay $0x2  }
0x1d8: {  	s5 =	sadd.s32 $0x80, s5  }
0x1d9: {  	[tilespmem:s5+$0xFFFFFFC0] =	vst v8  }
0x1da: {  	v8 =	vld.idx.msk [tilespmem:v9+s22+$0x0], $0xffff;
	_ =	sdelay $0x1  }
0x1db: {  	v9 =	vor.u32 v2, v10;
	_ =	sdelay $0x3  }
0x1dc: {  	[tilespmem:s5+$0xFFFFFFD0] =	vst v8  }
0x1dd: {  	v8 =	vld.idx.msk [tilespmem:v9+s22+$0x0], $0xffff;
	_ =	sdelay $0x1  }
0x1de: {  	v9 =	vor.u32 v3, v10;
	_ =	sdelay $0x3  }
0x1df: {  	[tilespmem:s5+$0xFFFFFFE0] =	vst v8  }
0x1e0: {  	v8 =	vld.idx.msk [tilespmem:v9+s22+$0x0], $0xffff;
	_ =	sdelay $0x1  }
0x1e1: {  	v9 =	vor.u32 v4, v10;
	_ =	sdelay $0x3  }
0x1e2: {  	[tilespmem:s5+$0xFFFFFFF0] =	vst v8  }
0x1e3: {  	v8 =	vld.idx.msk [tilespmem:v9+s22+$0x0], $0xffff;
	_ =	sdelay $0x1  }
0x1e4: {  	v9 =	vor.u32 v5, v10;
	_ =	sdelay $0x3  }
0x1e5: {  	[tilespmem:s5+$0x0] =	vst v8  }
0x1e6: {  	v8 =	vld.idx.msk [tilespmem:v9+s22+$0x0], $0xffff;
	_ =	sdelay $0x1  }
0x1e7: {  	v9 =	vor.u32 v6, v10;
	_ =	sdelay $0x3  }
0x1e8: {  	[tilespmem:s5+$0x10] =	vst v8  }
0x1e9: {  	v9 =	vld.idx.msk [tilespmem:v9+s22+$0x0], $0xffff  }
.Ltmp10:
0x1ea: {  	(pc) =	sbr.rel @p2 .LBB2_15-.Ltmp10, $2  }
0x1eb: {  	v8 =	vor.u32 v7, v10;
	_ =	sdelay $0x2  }
0x1ec: {  	v10 =	vmov s14;
	s14 =	sadd.s32 $0x1, s14  }
0x1ed: {  	_ =	sdelay $0x1  }
0x1ee: {  	v10 =	vand.u32 $0x3F, v10  }
0x1ef: {  	[tilespmem:s5+$0x20] =	vst v9;
	v57 =	vbroadcast v10, $0x0  }
0x1f0: {  	v8 =	vld.idx.msk [tilespmem:v8+s22+$0x0], $0xffff  }
0x1f1: {  	v10 =	vor.u32 v0, v57;
	_ =	sdelay $0x3  }
0x1f2: {  	[tilespmem:s5+$0x30] =	vst v8  }
0x1f3: {  	v8 =	vld.idx.msk [tilespmem:v10+s22+$0x0], $0xffff  }
0x1f4: {  	v58 =	vor.u32 v1, v57;
	_ =	sdelay $0x2  }
0x1f5: {  	s14 =	sadd.s32 $0x80, s5  }
0x1f6: {  	[tilespmem:s14+$0xFFFFFFC0] =	vst v8  }
0x1f7: {  	v8 =	vld.idx.msk [tilespmem:v58+s22+$0x0], $0xffff  }
0x1f8: {  	v59 =	vor.u32 v2, v57;
	_ =	sdelay $0x3  }
0x1f9: {  	[tilespmem:s14+$0xFFFFFFD0] =	vst v8  }
0x1fa: {  	v8 =	vld.idx.msk [tilespmem:v59+s22+$0x0], $0xffff  }
0x1fb: {  	v60 =	vor.u32 v3, v57;
	_ =	sdelay $0x3  }
0x1fc: {  	[tilespmem:s14+$0xFFFFFFE0] =	vst v8  }
0x1fd: {  	v8 =	vld.idx.msk [tilespmem:v60+s22+$0x0], $0xffff  }
0x1fe: {  	v61 =	vor.u32 v4, v57;
	_ =	sdelay $0x3  }
0x1ff: {  	[tilespmem:s14+$0xFFFFFFF0] =	vst v8  }
0x200: {  	v8 =	vld.idx.msk [tilespmem:v61+s22+$0x0], $0xffff  }
0x201: {  	v62 =	vor.u32 v5, v57;
	_ =	sdelay $0x3  }
0x202: {  	[tilespmem:s14+$0x0] =	vst v8  }
0x203: {  	v8 =	vld.idx.msk [tilespmem:v62+s22+$0x0], $0xffff  }
0x204: {  	v63 =	vor.u32 v6, v57;
	_ =	sdelay $0x3  }
0x205: {  	[tilespmem:s14+$0x10] =	vst v8  }
0x206: {  	v8 =	vld.idx.msk [tilespmem:v63+s22+$0x0], $0xffff  }
0x207: {  	v9 =	vor.u32 v7, v57;
	_ =	sdelay $0x3  }
0x208: {  	[tilespmem:s14+$0x20] =	vst v8  }
0x209: {  	v8 =	vld.idx.msk [tilespmem:v9+s22+$0x0], $0xffff;
	_ =	sdelay $0x4  }
0x20a: {  	s5 =	sadd.s32 $0x100, s23;
	[tilespmem:s14+$0x30] =	vst v8;
	s14 =	simm.s32 $0xF400  }
0x20b: {  	[hbm4b:s5+s3] =	stream.linear.scatter [tilespmem:s14], [sflag:$0x7], $0x400, $0x38;
	[tilespmem:$0x13400] =	vst v63  }
0x20c: {  	s14 =	sor.u32 $0x4100, s15  }
0x20d: {  	s5 =	sadd.s32 s2, s14;
	s14 =	simm.s32 $0xF800  }
0x20e: {  	[hbm4b:s5+s3] =	stream.linear.scatter [tilespmem:s14], [sflag:$0x7], $0x400, $0x38;
	[tilespmem:$0x13400] =	vst v63  }
0x20f: {  	s14 =	sor.u32 $0x8100, s15  }
0x210: {  	s5 =	sadd.s32 s2, s14;
	s14 =	simm.s32 $0xFC00  }
0x211: {  	[hbm4b:s5+s3] =	stream.linear.scatter [tilespmem:s14], [sflag:$0x7], $0x400, $0x38;
	[tilespmem:$0x13400] =	vst v63  }
0x212: {  	s14 =	sor.u32 $0xC100, s15  }
0x213: {  	s5 =	sadd.s32 s2, s14;
	s14 =	simm.s32 $0x10000  }
0x214: {  	[hbm4b:s5+s3] =	stream.linear.scatter [tilespmem:s14], [sflag:$0x7], $0x400, $0x38;
	[tilespmem:$0x13400] =	vst v63  }
0x215: {  	s14 =	sor.u32 $0x10100, s15  }
0x216: {  	s5 =	sadd.s32 s2, s14;
	s14 =	simm.s32 $0x10400  }
0x217: {  	[hbm4b:s5+s3] =	stream.linear.scatter [tilespmem:s14], [sflag:$0x7], $0x400, $0x38;
	[tilespmem:$0x13400] =	vst v63  }
0x218: {  	s14 =	sor.u32 $0x14100, s15  }
0x219: {  	s5 =	sadd.s32 s2, s14;
	s14 =	simm.s32 $0x10800  }
0x21a: {  	[hbm4b:s5+s3] =	stream.linear.scatter [tilespmem:s14], [sflag:$0x7], $0x400, $0x38;
	[tilespmem:$0x13400] =	vst v63  }
0x21b: {  	s14 =	sor.u32 $0x18100, s15  }
.Ltmp11:
0x21c: {  	s5 =	sadd.s32 s2, s14;
	s14 =	simm.s32 $0x10C00;
	(pc) =	sbr.rel @p1 .LBB2_18-.Ltmp11, $4  }
0x21d: {  	[hbm4b:s5+s3] =	stream.linear.scatter [tilespmem:s14], [sflag:$0x7], $0x400, $0x38;
	[tilespmem:$0x13400] =	vst v63  }
0x21e: {  	s14 =	sor.u32 $0x1C100, s15  }
0x21f: {  	s5 =	sadd.s32 s2, s14;
	s14 =	simm.s32 $0x11000  }
0x220: {  	[hbm4b:s5+s3] =	stream.linear.scatter [tilespmem:s14], [sflag:$0x7], $0x400, $0x38;
	[tilespmem:$0x13400] =	vst v63  }
.Ltmp12:
0x221: {  	(pc) =	sbr.rel .LBB2_19-.Ltmp12, $4  }
0x222: {  	_ = 	snop  }
0x223: {  	_ =	swait.ge [sflag:s29], $0x2000  }
0x224: {  	[sflag:s29] =	ssyncset.done $0x0  }
0x225: {  	[sflag:s29] =	ssyncadd.s32 $0xFFFFE000  }
.LBB2_18:
0x226: {  	s5 =	sshll.u32 s0, $0x9  }
0x227: {  	s5 =	sand.u32 $0x3FFFFE00, s5  }
.Ltmp13:
0x228: {  	s5 =	sadd.s32 $0x300, s5;
	(pc) =	sbr.rel @p0 .LBB2_20-.Ltmp13, $4  }
0x229: {  	[tilespmem:s22], [sflag:$0x3] =	stream.indirect.gather [hbm4b:s4+s18], $0x40, s5, s18, $0xb8;
	[tilespmem:$0x13400] =	vst v63  }
0x22a: {  	_ =	swait.ge [sflag:s29], $0x2000  }
0x22b: {  	[sflag:s29] =	ssyncset.done $0x0  }
0x22c: {  	[sflag:s29] =	ssyncadd.s32 $0xFFFFE000  }
.LBB2_19:
0x22d: {  	_ =	swait.ge [sflag:s30], $0x400  }
0x22e: {  	[sflag:s30] =	ssyncset.done $0x0  }
0x22f: {  	[sflag:s30] =	ssyncadd.s32 $0xFFFFFC00  }
0x230: {  	_ =	swait.ge [sflag:s30], $0x400  }
0x231: {  	[sflag:s30] =	ssyncset.done $0x0  }
0x232: {  	[sflag:s30] =	ssyncadd.s32 $0xFFFFFC00  }
0x233: {  	_ =	swait.ge [sflag:s30], $0x400  }
0x234: {  	[sflag:s30] =	ssyncset.done $0x0  }
0x235: {  	[sflag:s30] =	ssyncadd.s32 $0xFFFFFC00  }
0x236: {  	_ =	swait.ge [sflag:s30], $0x400  }
0x237: {  	[sflag:s30] =	ssyncset.done $0x0  }
0x238: {  	[sflag:s30] =	ssyncadd.s32 $0xFFFFFC00  }
0x239: {  	_ =	swait.ge [sflag:s30], $0x400  }
0x23a: {  	[sflag:s30] =	ssyncset.done $0x0  }
0x23b: {  	[sflag:s30] =	ssyncadd.s32 $0xFFFFFC00  }
0x23c: {  	_ =	swait.ge [sflag:s30], $0x400  }
0x23d: {  	[sflag:s30] =	ssyncset.done $0x0  }
0x23e: {  	[sflag:s30] =	ssyncadd.s32 $0xFFFFFC00  }
0x23f: {  	_ =	swait.ge [sflag:s30], $0x400  }
0x240: {  	[sflag:s30] =	ssyncset.done $0x0  }
0x241: {  	[sflag:s30] =	ssyncadd.s32 $0xFFFFFC00  }
0x242: {  	_ =	swait.ge [sflag:s30], $0x400  }
0x243: {  	[sflag:s30] =	ssyncset.done $0x0  }
0x244: {  	[sflag:s30] =	ssyncadd.s32 $0xFFFFFC00  }
.LBB2_20:
0x245: {  	s5 =	simm.s32 $0x0  }
0x246: {  	v8 =	vmov s5  }
0x247: {  	v8 =	vand.u32 $0x3F, v8  }
0x248: {  	v8 =	vbroadcast v8, $0x0;
	_ =	sdelay $0x1  }
0x249: {  	v9 =	vor.u32 v0, v8;
	_ =	sdelay $0x4  }
0x24a: {  	v9 =	vld.idx.msk [tilespmem:v9+s24+$0x0], $0xffff  }
0x24b: {  	v10 =	vor.u32 v1, v8;
	_ =	sdelay $0x2  }
0x24c: {  	s5 =	simm.s32 $0x11440  }
0x24d: {  	[tilespmem:s5+$0xFFFFFFC0] =	vst v9  }
0x24e: {  	v9 =	vld.idx.msk [tilespmem:v10+s24+$0x0], $0xffff  }
0x24f: {  	v10 =	vor.u32 v2, v8;
	_ =	sdelay $0x3  }
0x250: {  	[tilespmem:s5+$0xFFFFFFD0] =	vst v9  }
0x251: {  	v9 =	vld.idx.msk [tilespmem:v10+s24+$0x0], $0xffff  }
0x252: {  	v10 =	vor.u32 v3, v8;
	_ =	sdelay $0x3  }
0x253: {  	[tilespmem:s5+$0xFFFFFFE0] =	vst v9  }
0x254: {  	v9 =	vld.idx.msk [tilespmem:v10+s24+$0x0], $0xffff  }
0x255: {  	v10 =	vor.u32 v4, v8;
	_ =	sdelay $0x3  }
0x256: {  	[tilespmem:s5+$0xFFFFFFF0] =	vst v9  }
0x257: {  	v9 =	vld.idx.msk [tilespmem:v10+s24+$0x0], $0xffff  }
0x258: {  	v10 =	vor.u32 v5, v8;
	_ =	sdelay $0x3  }
0x259: {  	[tilespmem:s5+$0x0] =	vst v9  }
0x25a: {  	v9 =	vld.idx.msk [tilespmem:v10+s24+$0x0], $0xffff  }
0x25b: {  	v10 =	vor.u32 v6, v8;
	_ =	sdelay $0x3  }
0x25c: {  	[tilespmem:s5+$0x10] =	vst v9  }
0x25d: {  	v9 =	vld.idx.msk [tilespmem:v10+s24+$0x0], $0xffff  }
0x25e: {  	v8 =	vor.u32 v7, v8;
	_ =	sdelay $0x1  }
0x25f: {  	s14 =	simm.s32 $0x1  }
0x260: {  	v10 =	vmov s14;
	s14 =	simm.s32 $0x2  }
.LBB2_21:
0x261: {  	p0 =	sne.s32 s14, $0x3F;
	v10 =	vand.u32 $0x3F, v10;
	[tilespmem:s5+$0x20] =	vst v9  }
0x262: {  	v10 =	vbroadcast v10, $0x0;
	v8 =	vld.idx.msk [tilespmem:v8+s24+$0x0], $0xffff;
	_ =	sdelay $0x1  }
0x263: {  	v9 =	vor.u32 v0, v10;
	_ =	sdelay $0x3  }
0x264: {  	[tilespmem:s5+$0x30] =	vst v8  }
0x265: {  	v8 =	vld.idx.msk [tilespmem:v9+s24+$0x0], $0xffff;
	_ =	sdelay $0x1  }
0x266: {  	v9 =	vor.u32 v1, v10;
	_ =	sdelay $0x2  }
0x267: {  	s5 =	sadd.s32 $0x80, s5  }
0x268: {  	[tilespmem:s5+$0xFFFFFFC0] =	vst v8  }
0x269: {  	v8 =	vld.idx.msk [tilespmem:v9+s24+$0x0], $0xffff;
	_ =	sdelay $0x1  }
0x26a: {  	v9 =	vor.u32 v2, v10;
	_ =	sdelay $0x3  }
0x26b: {  	[tilespmem:s5+$0xFFFFFFD0] =	vst v8  }
0x26c: {  	v8 =	vld.idx.msk [tilespmem:v9+s24+$0x0], $0xffff;
	_ =	sdelay $0x1  }
0x26d: {  	v9 =	vor.u32 v3, v10;
	_ =	sdelay $0x3  }
0x26e: {  	[tilespmem:s5+$0xFFFFFFE0] =	vst v8  }
0x26f: {  	v8 =	vld.idx.msk [tilespmem:v9+s24+$0x0], $0xffff;
	_ =	sdelay $0x1  }
0x270: {  	v9 =	vor.u32 v4, v10;
	_ =	sdelay $0x3  }
0x271: {  	[tilespmem:s5+$0xFFFFFFF0] =	vst v8  }
0x272: {  	v8 =	vld.idx.msk [tilespmem:v9+s24+$0x0], $0xffff;
	_ =	sdelay $0x1  }
0x273: {  	v9 =	vor.u32 v5, v10;
	_ =	sdelay $0x3  }
0x274: {  	[tilespmem:s5+$0x0] =	vst v8  }
0x275: {  	v8 =	vld.idx.msk [tilespmem:v9+s24+$0x0], $0xffff;
	_ =	sdelay $0x1  }
0x276: {  	v9 =	vor.u32 v6, v10;
	_ =	sdelay $0x3  }
0x277: {  	[tilespmem:s5+$0x10] =	vst v8  }
0x278: {  	v9 =	vld.idx.msk [tilespmem:v9+s24+$0x0], $0xffff  }
.Ltmp14:
0x279: {  	(pc) =	sbr.rel @p0 .LBB2_21-.Ltmp14, $2  }
0x27a: {  	v8 =	vor.u32 v7, v10;
	_ =	sdelay $0x2  }
0x27b: {  	v10 =	vmov s14;
	s14 =	sadd.s32 $0x1, s14  }
0x27c: {  	_ =	sdelay $0x1  }
0x27d: {  	v10 =	vand.u32 $0x3F, v10  }
0x27e: {  	[tilespmem:s5+$0x20] =	vst v9;
	v57 =	vbroadcast v10, $0x0  }
0x27f: {  	v8 =	vld.idx.msk [tilespmem:v8+s24+$0x0], $0xffff  }
0x280: {  	v10 =	vor.u32 v0, v57;
	_ =	sdelay $0x3  }
0x281: {  	[tilespmem:s5+$0x30] =	vst v8  }
0x282: {  	v8 =	vld.idx.msk [tilespmem:v10+s24+$0x0], $0xffff  }
0x283: {  	v58 =	vor.u32 v1, v57;
	_ =	sdelay $0x2  }
0x284: {  	s14 =	sadd.s32 $0x80, s5  }
0x285: {  	[tilespmem:s14+$0xFFFFFFC0] =	vst v8  }
0x286: {  	v8 =	vld.idx.msk [tilespmem:v58+s24+$0x0], $0xffff  }
0x287: {  	v59 =	vor.u32 v2, v57;
	_ =	sdelay $0x3  }
0x288: {  	[tilespmem:s14+$0xFFFFFFD0] =	vst v8  }
0x289: {  	v8 =	vld.idx.msk [tilespmem:v59+s24+$0x0], $0xffff  }
0x28a: {  	v60 =	vor.u32 v3, v57;
	_ =	sdelay $0x3  }
0x28b: {  	[tilespmem:s14+$0xFFFFFFE0] =	vst v8  }
0x28c: {  	v8 =	vld.idx.msk [tilespmem:v60+s24+$0x0], $0xffff  }
0x28d: {  	v61 =	vor.u32 v4, v57;
	_ =	sdelay $0x3  }
0x28e: {  	[tilespmem:s14+$0xFFFFFFF0] =	vst v8  }
0x28f: {  	v8 =	vld.idx.msk [tilespmem:v61+s24+$0x0], $0xffff  }
0x290: {  	v62 =	vor.u32 v5, v57;
	_ =	sdelay $0x3  }
0x291: {  	[tilespmem:s14+$0x0] =	vst v8  }
0x292: {  	v8 =	vld.idx.msk [tilespmem:v62+s24+$0x0], $0xffff  }
0x293: {  	v63 =	vor.u32 v6, v57;
	_ =	sdelay $0x3  }
0x294: {  	[tilespmem:s14+$0x10] =	vst v8  }
0x295: {  	v8 =	vld.idx.msk [tilespmem:v63+s24+$0x0], $0xffff  }
0x296: {  	v9 =	vor.u32 v7, v57;
	_ =	sdelay $0x3  }
0x297: {  	[tilespmem:s14+$0x20] =	vst v8  }
0x298: {  	v8 =	vld.idx.msk [tilespmem:v9+s24+$0x0], $0xffff;
	_ =	sdelay $0x4  }
0x299: {  	s23 =	sadd.s32 $0x180, s23;
	[tilespmem:s14+$0x30] =	vst v8;
	s14 =	simm.s32 $0x11400  }
0x29a: {  	[hbm4b:s23+s3] =	stream.linear.scatter [tilespmem:s14], [sflag:$0x8], $0x400, $0x38;
	[tilespmem:$0x13400] =	vst v63  }
0x29b: {  	s14 =	sor.u32 $0x4180, s15  }
0x29c: {  	s23 =	simm.s32 $0x11800;
	s5 =	sadd.s32 s2, s14;
	s14 =	sor.u32 $0x8180, s15  }
0x29d: {  	[hbm4b:s5+s3] =	stream.linear.scatter [tilespmem:s23], [sflag:$0x8], $0x400, $0x38;
	[tilespmem:$0x13400] =	vst v63  }
0x29e: {  	s5 =	sadd.s32 s2, s14;
	s23 =	simm.s32 $0x11C00;
	s14 =	sor.u32 $0xC180, s15  }
0x29f: {  	[hbm4b:s5+s3] =	stream.linear.scatter [tilespmem:s23], [sflag:$0x8], $0x400, $0x38;
	[tilespmem:$0x13400] =	vst v63  }
0x2a0: {  	s5 =	sadd.s32 s2, s14;
	s23 =	simm.s32 $0x12000;
	s14 =	sor.u32 $0x10180, s15  }
0x2a1: {  	[hbm4b:s5+s3] =	stream.linear.scatter [tilespmem:s23], [sflag:$0x8], $0x400, $0x38;
	[tilespmem:$0x13400] =	vst v63  }
0x2a2: {  	s5 =	sadd.s32 s2, s14;
	s23 =	simm.s32 $0x12400  }
0x2a3: {  	[hbm4b:s5+s3] =	stream.linear.scatter [tilespmem:s23], [sflag:$0x8], $0x400, $0x38;
	[tilespmem:$0x13400] =	vst v63  }
0x2a4: {  	s23 =	sor.u32 $0x14180, s15  }
0x2a5: {  	p0 =	seq.s32 s0, $0x19;
	s5 =	sadd.s32 s2, s23  }
0x2a6: {  	[hbm4b:s5+s3] =	stream.linear.scatter [tilespmem:s17], [sflag:$0x8], $0x400, $0x38;
	[tilespmem:$0x13400] =	vst v63  }
.Ltmp15:
0x2a7: {  	s14 =	sor.u32 $0x18180, s15;
	(pc) =	sbr.rel @p0 .LBB2_24-.Ltmp15, $4  }
0x2a8: {  	s23 =	sor.u32 $0x1C180, s15;
	s5 =	sadd.s32 s2, s14  }
0x2a9: {  	[hbm4b:s5+s3] =	stream.linear.scatter [tilespmem:s26], [sflag:$0x8], $0x400, $0x38;
	[tilespmem:$0x13400] =	vst v63  }
0x2aa: {  	s5 =	sadd.s32 s2, s23  }
0x2ab: {  	[hbm4b:s5+s3] =	stream.linear.scatter [tilespmem:s28], [sflag:$0x8], $0x400, $0x38;
	[tilespmem:$0x13400] =	vst v63  }
.Ltmp16:
0x2ac: {  	(pc) =	sbr.rel .LBB2_2-.Ltmp16, $4  }
0x2ad: {  	s5 =	sshll.u32 s0, $0x9  }
0x2ae: {  	s5 =	sand.u32 $0x3FFFFE00, s5  }
0x2af: {  	s0 =	sadd.s32 $0x1, s0;
	s5 =	sadd.s32 $0x380, s5  }
0x2b0: {  	[tilespmem:s24], [sflag:$0x4] =	stream.indirect.gather [hbm4b:s4+s18], $0x40, s5, s18, $0xb8;
	[tilespmem:$0x13400] =	vst v63  }
.LBB2_25:
0x2b1: {  	_ =	sfence.sel $0x180000  }
0x2b2: {  	[bflag:$0x0] =	sbarrier.arrive $0xFFFF  }
0x2b3: {  	_ =	strace $0x90000047  }
0x2b4: {  	s0 =	stileid.u32;
	[bflag:$0x2] =	sbarrier.arrive $0xFFFF  }
0x2b5: {  	p0 =	sne.s32 s0, $0x0;
	s0 =	rddreg [dreg:$0x2]  }
0x2b6: {  	s0 =	sadd.s32 @!p0 $0x100000, s0  }
0x2b7: {  	[sflag:s0] =	ssyncadd.tile.s32 @!p0 $0x1;
	_ =	shalt  }
.Lfunc_end2:
_tile_overlayer_lowered:
.L_overlay_start_2:
0x2b8: {  	(tag) =	ssettag $0x2  }
0x2b9: {  	s0 =	rddreg [dreg:$0x0];
	s2 =	stileid.u32  }
0x2ba: {  	s1 =	rddreg [dreg:$0x1];
	p0 =	sne.s32 s2, $0x0  }
0x2bb: {  	s3 =	rddreg [dreg:$0x2];
	[bflag:$0x3] =	sbarrier.arrive $0xFFFF;
	s2 =	simm.s32 @!p0 $0x1C09  }
0x2bc: {  	[timem:s3], [sflag:s2] =	dma.local @!p0 [hbm:s0], s1  }
0x2bd: {  	s0 =	simm.s32 @!p0 $0x9  }
0x2be: {  	_ =	swait.ge @!p0 [sflag:s0], s1  }
0x2bf: {  	s1 =	ssub.s32 @!p0 $0x0, s1;
	[sflag:s0] =	ssyncset.done @!p0 $0x0  }
0x2c0: {  	[sflag:s0] =	ssyncadd.s32 @!p0 s1  }
0x2c1: {  	[bflag:$0x3] =	sbarrier.arrive $0xFFFF  }
0x2c2: {  	_ =	shalt  }

</sc_bundles>
